<compile_context>
chip_gen: v7x
topology: tpu7x:2x2x1
jax: 0.10.2.dev20260603
libtpu: 0.0.44.dev20260713+nightly
codegen_flags: <defaults>
</compile_context>

<pallas_src>
import jax
import jax.numpy as jnp
from jax import lax
from jax.experimental import pallas as pl
from jax.experimental.pallas import tpu as pltpu
from jax.experimental.pallas import tpu_sc as plsc

NC = 2
NS = 16
NW = NC * NS

V = 1000000
B = 4096
L = 200
D = 32

B_PER_W = B // NW
CHUNK = 8
ROWS_PER_CHUNK = CHUNK * L
N_CHUNKS = B_PER_W // CHUNK
IDX_SEG = 80
SEGS_PER_CHUNK = ROWS_PER_CHUNK // IDX_SEG
IDX_ROWS = N_CHUNKS * SEGS_PER_CHUNK
UNROLL = 8
INNER_ITERS = L // UNROLL
F16_FIX = jnp.float32(2.0 ** 112)

TC_BLK = 32768
LOG_BLK = 15
TC_GRID = (V + TC_BLK - 1) // TC_BLK
GROUPS = 128 // D
GRP_ROWS = TC_BLK // GROUPS
LOG_GRP = 13
OUT_ROWS = TC_GRID * GRP_ROWS
V_PAD = OUT_ROWS * GROUPS


def _tc_convert_body(t_ref, out_ref):
  t = jnp.maximum(t_ref[...], 0.0)
  stacked = jnp.concatenate(
      [t[:, k * GRP_ROWS:(k + 1) * GRP_ROWS] for k in range(GROUPS)], axis=0)
  out_ref[...] = stacked.T


def _bf16_round(v):
  u = plsc.bitcast(v, jnp.uint32)
  r = (u + jnp.uint32(0x7FFF) + ((u >> 16) & jnp.uint32(1))) \
      & jnp.uint32(0xFFFF0000)
  return plsc.bitcast(r, jnp.float32)


def _sc_body(x_hbm, table_hbm, params_hbm, out_hbm,
             idx_v, rows0, rows1, params_v, outbuf, sem0, sem1):
  wid = lax.axis_index("s") * NC + lax.axis_index("c")

  pltpu.sync_copy(x_hbm.at[wid], idx_v)
  pltpu.sync_copy(params_hbm, params_v)

  def permute_row(j, _):
    for c in range(IDX_SEG // 16):
      e = idx_v[j, pl.ds(c * 16, 16)]
      i = e >> LOG_BLK
      o = e & (GRP_ROWS - 1)
      k = (e >> LOG_GRP) & (GROUPS - 1)
      idx_v[j, pl.ds(c * 16, 16)] = (((i << LOG_GRP) + o) << 2) + k
    return 0

  lax.fori_loop(0, IDX_ROWS, permute_row, 0)

  w0 = _bf16_round(params_v[pl.ds(0, 16)])
  w1 = _bf16_round(params_v[pl.ds(16, 16)])
  bias = params_v[pl.ds(32, 16)][0]
  lane_iota = lax.iota(jnp.int32, 16)

  zero16 = jnp.zeros((16,), jnp.float32)
  for i in range(B_PER_W // 16):
    outbuf[pl.ds(i * 16, 16)] = zero16

  bufs = (rows0, rows1)
  sems = (sem0, sem1)

  def issue_chunk(c, buf, sem):
    for j in range(SEGS_PER_CHUNK):
      pltpu.make_async_copy(
          table_hbm.at[idx_v.at[c * SEGS_PER_CHUNK + j]],
          buf.at[pl.ds(j * IDX_SEG, IDX_SEG)],
          sem,
      ).start()

  def drain_chunk(buf, sem):
    pltpu.make_async_copy(
        table_hbm.at[pl.ds(0, ROWS_PER_CHUNK)], buf, sem
    ).wait()

  def compute_chunk(c, buf):
    def sample_body(s, _):
      base = s * L

      def inner(k, acc):
        a0, a1, b0, b1 = acc
        r = base + k * UNROLL
        for u in range(UNROLL):
          lo = buf[r + u, pl.ds(0, 16)]
          hi = buf[r + u, pl.ds(16, 16)]
          if u % 2 == 0:
            a0 = a0 + lo
            a1 = a1 + hi
          else:
            b0 = b0 + lo
            b1 = b1 + hi
        return (a0, a1, b0, b1)

      zero = jnp.zeros((16,), jnp.float32)
      a0, a1, b0, b1 = lax.fori_loop(
          0, INNER_ITERS, inner, (zero, zero, zero, zero))
      a0 = a0 + b0
      a1 = a1 + b1
      m0 = _bf16_round(a0 * (1.0 / L))
      m1 = _bf16_round(a1 * (1.0 / L))
      dot = jnp.sum(m0 * w0 + m1 * w1, axis=0)
      res = jnp.maximum(dot + bias, 0.0)
      g = c * CHUNK + s
      grp = (g // 16) * 16
      val = jnp.where(lane_iota == (g - grp), res, 0.0)
      plsc.addupdate(outbuf.at[pl.ds(grp, 16)], val)
      return 0

    lax.fori_loop(0, CHUNK, sample_body, 0)

  issue_chunk(0, bufs[0], sems[0])
  issue_chunk(1, bufs[1], sems[1])

  def outer(i, _):
    for bsel in range(2):
      c = 2 * i + bsel
      drain_chunk(bufs[bsel], sems[bsel])
      compute_chunk(c, bufs[bsel])

      @pl.when(c + 2 < N_CHUNKS)
      def _():
        issue_chunk(c + 2, bufs[bsel], sems[bsel])

    return 0

  lax.fori_loop(0, N_CHUNKS // 2, outer, 0)

  pltpu.sync_copy(outbuf, out_hbm.at[pl.ds(wid * B_PER_W, B_PER_W)])


@jax.jit
def _run(x3, tT, params):
  packed = pl.pallas_call(
      _tc_convert_body,
      grid=(TC_GRID,),
      in_specs=[pl.BlockSpec((D, TC_BLK), lambda i: (0, i))],
      out_specs=pl.BlockSpec((GRP_ROWS, 128), lambda i: (i, 0)),
      out_shape=jax.ShapeDtypeStruct((OUT_ROWS, 128), jnp.float32),
  )(tT)
  table_lin = packed.reshape(V_PAD, D)

  mesh = plsc.VectorSubcoreMesh(core_axis_name="c", subcore_axis_name="s")
  kfn = pl.kernel(
      _sc_body,
      out_type=jax.ShapeDtypeStruct((B,), jnp.float32),
      mesh=mesh,
      scratch_types=[
          pltpu.VMEM((IDX_ROWS, IDX_SEG), jnp.int32),
          pltpu.VMEM((ROWS_PER_CHUNK, D), jnp.float32),
          pltpu.VMEM((ROWS_PER_CHUNK, D), jnp.float32),
          pltpu.VMEM((48,), jnp.float32),
          pltpu.VMEM((B_PER_W,), jnp.float32),
          pltpu.SemaphoreType.DMA,
          pltpu.SemaphoreType.DMA,
      ],
      compiler_params=pltpu.CompilerParams(
          needs_layout_passes=False, use_tc_tiling_on_sc=False),
  )
  return kfn(x3, table_lin, params)


def kernel(x, table, W, b):
  x3 = x.astype(jnp.int32).reshape(NW, IDX_ROWS, IDX_SEG)
  params = jnp.concatenate(
      [W.reshape(D).astype(jnp.float32),
       jnp.broadcast_to(b.astype(jnp.float32), (16,))]
  )
  out = _run(x3, table.T, params)
  return out.reshape(B, 1)

# --- scband reference (transcript-rebuilt; emitter-appended) ---
"""Pipeline reference for scband-classifier-74174085202264 (READ-ONLY COPY).

The authoritative reference and input builder live on the scoring server;
editing this copy changes nothing except your own understanding.
"""

import jax, jax.numpy as jnp
import numpy as np

VOCAB = 1000000
EMBED_DIM = 32
BATCH = 4096
HIST = 200

def setup_inputs(seed: int = 0) -> dict:
    key = jax.random.key(seed)
    k_idx, k_tab, k_w, k_b = jax.random.split(key, 4)
    x = jax.random.randint(k_idx, (BATCH, HIST), 0, VOCAB, dtype=jnp.int64 if jax.config.read('jax_enable_x64') else jnp.int32)
    table = jax.random.normal(k_tab, (VOCAB, EMBED_DIM), dtype=jnp.float32) * 0.02
    W = jax.random.normal(k_w, (EMBED_DIM, 1), dtype=jnp.float32) * (1.0 / np.sqrt(EMBED_DIM))
    b = jnp.zeros((1,), dtype=jnp.float32)
    return {"x": x, "table": table, "W": W, "b": b}

def reference(x, table, W, b):
    # embed: gather rows from table
    emb = jnp.take(table, x, axis=0)           # [B, L, D]
    emb = jax.nn.relu(emb)
    emb = jnp.mean(emb, axis=1)                # [B, D]; torch squeeze(-1) is a no-op since D=32
    out = emb @ W + b                          # [B, 1]
    out = jax.nn.relu(out)
    return out

if __name__ == "__main__":
    import jax
    _d = setup_inputs()
    print(jax.jit(kernel)(*tuple(_d.values())))

</pallas_src>

<mosaic_0001>
#map = affine_map<(d0, d1) -> (0, 0, 0)>
#map1 = affine_map<(d0, d1) -> (0, 0)>
#map2 = affine_map<(d0, d1) -> (0)>
module attributes {stable_mosaic.version = 14 : i64} {
  func.func @_sc_body(%arg0: i32, %arg1: i32, %arg2: memref<32x320x80xi32, #tpu.memory_space<hbm>>, %arg3: memref<1015808x32xf32, #tpu.memory_space<hbm>>, %arg4: memref<48xf32, #tpu.memory_space<hbm>>, %arg5: memref<4096xf32, #tpu.memory_space<hbm>>, %arg6: memref<320x80xi32, #tpu.memory_space<vmem>>, %arg7: memref<1600x32xf32, #tpu.memory_space<vmem>>, %arg8: memref<1600x32xf32, #tpu.memory_space<vmem>>, %arg9: memref<48xf32, #tpu.memory_space<vmem>>, %arg10: memref<128xf32, #tpu.memory_space<vmem>>, %arg11: memref<!tpu.dma_semaphore, #tpu.memory_space<semaphore_mem>>, %arg12: memref<!tpu.dma_semaphore, #tpu.memory_space<semaphore_mem>>) attributes {dimension_semantics = [#tpu.dimension_semantics<core_parallel>, #tpu.dimension_semantics<subcore_parallel>], iteration_bounds = array<i64: 2, 16>, scalar_prefetch = 0 : i64, scratch_operands = 7 : i64, tpu.core_type = #tpu.core_type<sc_vector_subcore>, window_params = [{transform_indices = #map}, {transform_indices = #map1}, {transform_indices = #map2}, {transform_indices = #map2}]} {
    %mul3A = arith.constant 2 : i32
    %mul3A_0 = arith.muli %arg1, %mul3A : i32
    %add3A = arith.addi %mul3A_0, %arg0 : i32
    "tpu.region"() ({
      %run_scoped3A = tpu.sem_alloc : memref<!tpu.dma_semaphore, #tpu.memory_space<semaphore_mem>>
      %dma_start3A_463 = arith.constant 0 : i32
      %dma_start3A_464 = arith.constant 0 : i32
      %dma_start3A_465 = tpu.memref_slice %arg2[%add3A, %dma_start3A_463, %dma_start3A_464] : memref<32x320x80xi32, #tpu.memory_space<hbm>> -> memref<1x320x80xi32, #tpu.memory_space<hbm>>
      %dma_start3A_466 = tpu.memref_squeeze %dma_start3A_465 : memref<1x320x80xi32, #tpu.memory_space<hbm>> -> memref<320x80xi32, #tpu.memory_space<hbm>>
      %dma_start3A_467 = arith.constant 0 : i32
      %dma_start3A_468 = arith.constant 0 : i32
      %dma_start3A_469 = tpu.memref_slice %arg2[%add3A, %dma_start3A_467, %dma_start3A_468] : memref<32x320x80xi32, #tpu.memory_space<hbm>> -> memref<1x320x80xi32, #tpu.memory_space<hbm>>
      %dma_start3A_470 = tpu.memref_squeeze %dma_start3A_469 : memref<1x320x80xi32, #tpu.memory_space<hbm>> -> memref<320x80xi32, #tpu.memory_space<hbm>>
      tpu.enqueue_dma source(%dma_start3A_470 : memref<320x80xi32, #tpu.memory_space<hbm>>) target(%arg6 : memref<320x80xi32, #tpu.memory_space<vmem>>) target_semaphore(%run_scoped3A : memref<!tpu.dma_semaphore, #tpu.memory_space<semaphore_mem>>)
      %dma_wait3A = arith.constant 0 : i32
      %dma_wait3A_471 = arith.constant 0 : i32
      %dma_wait3A_472 = tpu.memref_slice %arg2[%add3A, %dma_wait3A, %dma_wait3A_471] : memref<32x320x80xi32, #tpu.memory_space<hbm>> -> memref<1x320x80xi32, #tpu.memory_space<hbm>>
      %dma_wait3A_473 = tpu.memref_squeeze %dma_wait3A_472 : memref<1x320x80xi32, #tpu.memory_space<hbm>> -> memref<320x80xi32, #tpu.memory_space<hbm>>
      %dma_wait3A_474 = arith.constant 0 : i32
      %dma_wait3A_475 = arith.constant 0 : i32
      %dma_wait3A_476 = tpu.memref_slice %arg2[%add3A, %dma_wait3A_474, %dma_wait3A_475] : memref<32x320x80xi32, #tpu.memory_space<hbm>> -> memref<1x320x80xi32, #tpu.memory_space<hbm>>
      %dma_wait3A_477 = tpu.memref_squeeze %dma_wait3A_476 : memref<1x320x80xi32, #tpu.memory_space<hbm>> -> memref<320x80xi32, #tpu.memory_space<hbm>>
      tpu.wait_dma2 semaphore(%run_scoped3A : memref<!tpu.dma_semaphore, #tpu.memory_space<semaphore_mem>>) src(%dma_wait3A_477 : memref<320x80xi32, #tpu.memory_space<hbm>>) dst(%arg6 : memref<320x80xi32, #tpu.memory_space<vmem>>)
      tpu.yield
    }) : () -> ()
    "tpu.region"() ({
      %run_scoped3A = tpu.sem_alloc : memref<!tpu.dma_semaphore, #tpu.memory_space<semaphore_mem>>
      tpu.enqueue_dma source(%arg4 : memref<48xf32, #tpu.memory_space<hbm>>) target(%arg9 : memref<48xf32, #tpu.memory_space<vmem>>) target_semaphore(%run_scoped3A : memref<!tpu.dma_semaphore, #tpu.memory_space<semaphore_mem>>)
      tpu.wait_dma2 semaphore(%run_scoped3A : memref<!tpu.dma_semaphore, #tpu.memory_space<semaphore_mem>>) src(%arg4 : memref<48xf32, #tpu.memory_space<hbm>>) dst(%arg9 : memref<48xf32, #tpu.memory_space<vmem>>)
      tpu.yield
    }) : () -> ()
    %scan3A = arith.constant 0 : i32
    %scan3A_1 = arith.constant 0 : i32
    %scan3A_2 = arith.constant 320 : i32
    %scan3A_3 = arith.addi %scan3A_1, %scan3A_2 : i32
    %scan3A_4 = arith.constant 1 : i32
    %scan3A_5 = scf.for %scan3A_463 = %scan3A_1 to %scan3A_3 step %scan3A_4 iter_args(%scan3A_464 = %scan3A) -> (i32)  : i32 {
      %get3A_465 = arith.index_cast %scan3A_463 : i32 to index
      %get3A_466 = arith.constant 0 : index
      %get3A_467 = tpu.vector_load %arg6[%get3A_465, %get3A_466] {strides = array<i32>} : memref<320x80xi32, #tpu.memory_space<vmem>>, vector<16xi32>,
      %shift_right_arithmetic3A = arith.constant 15 : i32
      %shift_right_arithmetic3A_468 = vector.broadcast %shift_right_arithmetic3A : i32 to vector<16xi32>
      %shift_right_arithmetic3A_469 = arith.shrsi %get3A_467, %shift_right_arithmetic3A_468 : vector<16xi32>
      %and3A_470 = arith.constant 8191 : i32
      %and3A_471 = vector.broadcast %and3A_470 : i32 to vector<16xi32>
      %and3A_472 = arith.andi %get3A_467, %and3A_471 : vector<16xi32>
      %shift_right_arithmetic3A_473 = arith.constant 13 : i32
      %shift_right_arithmetic3A_474 = vector.broadcast %shift_right_arithmetic3A_473 : i32 to vector<16xi32>
      %shift_right_arithmetic3A_475 = arith.shrsi %get3A_467, %shift_right_arithmetic3A_474 : vector<16xi32>
      %and3A_476 = arith.constant 3 : i32
      %and3A_477 = vector.broadcast %and3A_476 : i32 to vector<16xi32>
      %and3A_478 = arith.andi %shift_right_arithmetic3A_475, %and3A_477 : vector<16xi32>
      %shift_left3A = arith.constant 13 : i32
      %shift_left3A_479 = vector.broadcast %shift_left3A : i32 to vector<16xi32>
      %shift_left3A_480 = arith.shli %shift_right_arithmetic3A_469, %shift_left3A_479 : vector<16xi32>
      %add3A_481 = arith.addi %shift_left3A_480, %and3A_472 : vector<16xi32>
      %shift_left3A_482 = arith.constant 2 : i32
      %shift_left3A_483 = vector.broadcast %shift_left3A_482 : i32 to vector<16xi32>
      %shift_left3A_484 = arith.shli %add3A_481, %shift_left3A_483 : vector<16xi32>
      %add3A_485 = arith.addi %shift_left3A_484, %and3A_478 : vector<16xi32>
      %swap3A_486 = arith.index_cast %scan3A_463 : i32 to index
      %swap3A_487 = arith.constant 0 : index
      %swap3A_488 = tpu.vector_load %arg6[%swap3A_486, %swap3A_487] {strides = array<i32>} : memref<320x80xi32, #tpu.memory_space<vmem>>, vector<16xi32>,
      tpu.vector_store %arg6[%swap3A_486, %swap3A_487], %add3A_485 {strides = array<i32>} : memref<320x80xi32, #tpu.memory_space<vmem>>, vector<16xi32>,
      %get3A_489 = arith.index_cast %scan3A_463 : i32 to index
      %get3A_490 = arith.constant 16 : index
      %get3A_491 = tpu.vector_load %arg6[%get3A_489, %get3A_490] {strides = array<i32>} : memref<320x80xi32, #tpu.memory_space<vmem>>, vector<16xi32>,
      %shift_right_arithmetic3A_492 = arith.constant 15 : i32
      %shift_right_arithmetic3A_493 = vector.broadcast %shift_right_arithmetic3A_492 : i32 to vector<16xi32>
      %shift_right_arithmetic3A_494 = arith.shrsi %get3A_491, %shift_right_arithmetic3A_493 : vector<16xi32>
      %and3A_495 = arith.constant 8191 : i32
      %and3A_496 = vector.broadcast %and3A_495 : i32 to vector<16xi32>
      %and3A_497 = arith.andi %get3A_491, %and3A_496 : vector<16xi32>
      %shift_right_arithmetic3A_498 = arith.constant 13 : i32
      %shift_right_arithmetic3A_499 = vector.broadcast %shift_right_arithmetic3A_498 : i32 to vector<16xi32>
      %shift_right_arithmetic3A_500 = arith.shrsi %get3A_491, %shift_right_arithmetic3A_499 : vector<16xi32>
      %and3A_501 = arith.constant 3 : i32
      %and3A_502 = vector.broadcast %and3A_501 : i32 to vector<16xi32>
      %and3A_503 = arith.andi %shift_right_arithmetic3A_500, %and3A_502 : vector<16xi32>
      %shift_left3A_504 = arith.constant 13 : i32
      %shift_left3A_505 = vector.broadcast %shift_left3A_504 : i32 to vector<16xi32>
      %shift_left3A_506 = arith.shli %shift_right_arithmetic3A_494, %shift_left3A_505 : vector<16xi32>
      %add3A_507 = arith.addi %shift_left3A_506, %and3A_497 : vector<16xi32>
      %shift_left3A_508 = arith.constant 2 : i32
      %shift_left3A_509 = vector.broadcast %shift_left3A_508 : i32 to vector<16xi32>
      %shift_left3A_510 = arith.shli %add3A_507, %shift_left3A_509 : vector<16xi32>
      %add3A_511 = arith.addi %shift_left3A_510, %and3A_503 : vector<16xi32>
      %swap3A_512 = arith.index_cast %scan3A_463 : i32 to index
      %swap3A_513 = arith.constant 16 : index
      %swap3A_514 = tpu.vector_load %arg6[%swap3A_512, %swap3A_513] {strides = array<i32>} : memref<320x80xi32, #tpu.memory_space<vmem>>, vector<16xi32>,
      tpu.vector_store %arg6[%swap3A_512, %swap3A_513], %add3A_511 {strides = array<i32>} : memref<320x80xi32, #tpu.memory_space<vmem>>, vector<16xi32>,
      %get3A_515 = arith.index_cast %scan3A_463 : i32 to index
      %get3A_516 = arith.constant 32 : index
      %get3A_517 = tpu.vector_load %arg6[%get3A_515, %get3A_516] {strides = array<i32>} : memref<320x80xi32, #tpu.memory_space<vmem>>, vector<16xi32>,
      %shift_right_arithmetic3A_518 = arith.constant 15 : i32
      %shift_right_arithmetic3A_519 = vector.broadcast %shift_right_arithmetic3A_518 : i32 to vector<16xi32>
      %shift_right_arithmetic3A_520 = arith.shrsi %get3A_517, %shift_right_arithmetic3A_519 : vector<16xi32>
      %and3A_521 = arith.constant 8191 : i32
      %and3A_522 = vector.broadcast %and3A_521 : i32 to vector<16xi32>
      %and3A_523 = arith.andi %get3A_517, %and3A_522 : vector<16xi32>
      %shift_right_arithmetic3A_524 = arith.constant 13 : i32
      %shift_right_arithmetic3A_525 = vector.broadcast %shift_right_arithmetic3A_524 : i32 to vector<16xi32>
      %shift_right_arithmetic3A_526 = arith.shrsi %get3A_517, %shift_right_arithmetic3A_525 : vector<16xi32>
      %and3A_527 = arith.constant 3 : i32
      %and3A_528 = vector.broadcast %and3A_527 : i32 to vector<16xi32>
      %and3A_529 = arith.andi %shift_right_arithmetic3A_526, %and3A_528 : vector<16xi32>
      %shift_left3A_530 = arith.constant 13 : i32
      %shift_left3A_531 = vector.broadcast %shift_left3A_530 : i32 to vector<16xi32>
      %shift_left3A_532 = arith.shli %shift_right_arithmetic3A_520, %shift_left3A_531 : vector<16xi32>
      %add3A_533 = arith.addi %shift_left3A_532, %and3A_523 : vector<16xi32>
      %shift_left3A_534 = arith.constant 2 : i32
      %shift_left3A_535 = vector.broadcast %shift_left3A_534 : i32 to vector<16xi32>
      %shift_left3A_536 = arith.shli %add3A_533, %shift_left3A_535 : vector<16xi32>
      %add3A_537 = arith.addi %shift_left3A_536, %and3A_529 : vector<16xi32>
      %swap3A_538 = arith.index_cast %scan3A_463 : i32 to index
      %swap3A_539 = arith.constant 32 : index
      %swap3A_540 = tpu.vector_load %arg6[%swap3A_538, %swap3A_539] {strides = array<i32>} : memref<320x80xi32, #tpu.memory_space<vmem>>, vector<16xi32>,
      tpu.vector_store %arg6[%swap3A_538, %swap3A_539], %add3A_537 {strides = array<i32>} : memref<320x80xi32, #tpu.memory_space<vmem>>, vector<16xi32>,
      %get3A_541 = arith.index_cast %scan3A_463 : i32 to index
      %get3A_542 = arith.constant 48 : index
      %get3A_543 = tpu.vector_load %arg6[%get3A_541, %get3A_542] {strides = array<i32>} : memref<320x80xi32, #tpu.memory_space<vmem>>, vector<16xi32>,
      %shift_right_arithmetic3A_544 = arith.constant 15 : i32
      %shift_right_arithmetic3A_545 = vector.broadcast %shift_right_arithmetic3A_544 : i32 to vector<16xi32>
      %shift_right_arithmetic3A_546 = arith.shrsi %get3A_543, %shift_right_arithmetic3A_545 : vector<16xi32>
      %and3A_547 = arith.constant 8191 : i32
      %and3A_548 = vector.broadcast %and3A_547 : i32 to vector<16xi32>
      %and3A_549 = arith.andi %get3A_543, %and3A_548 : vector<16xi32>
      %shift_right_arithmetic3A_550 = arith.constant 13 : i32
      %shift_right_arithmetic3A_551 = vector.broadcast %shift_right_arithmetic3A_550 : i32 to vector<16xi32>
      %shift_right_arithmetic3A_552 = arith.shrsi %get3A_543, %shift_right_arithmetic3A_551 : vector<16xi32>
      %and3A_553 = arith.constant 3 : i32
      %and3A_554 = vector.broadcast %and3A_553 : i32 to vector<16xi32>
      %and3A_555 = arith.andi %shift_right_arithmetic3A_552, %and3A_554 : vector<16xi32>
      %shift_left3A_556 = arith.constant 13 : i32
      %shift_left3A_557 = vector.broadcast %shift_left3A_556 : i32 to vector<16xi32>
      %shift_left3A_558 = arith.shli %shift_right_arithmetic3A_546, %shift_left3A_557 : vector<16xi32>
      %add3A_559 = arith.addi %shift_left3A_558, %and3A_549 : vector<16xi32>
      %shift_left3A_560 = arith.constant 2 : i32
      %shift_left3A_561 = vector.broadcast %shift_left3A_560 : i32 to vector<16xi32>
      %shift_left3A_562 = arith.shli %add3A_559, %shift_left3A_561 : vector<16xi32>
      %add3A_563 = arith.addi %shift_left3A_562, %and3A_555 : vector<16xi32>
      %swap3A_564 = arith.index_cast %scan3A_463 : i32 to index
      %swap3A_565 = arith.constant 48 : index
      %swap3A_566 = tpu.vector_load %arg6[%swap3A_564, %swap3A_565] {strides = array<i32>} : memref<320x80xi32, #tpu.memory_space<vmem>>, vector<16xi32>,
      tpu.vector_store %arg6[%swap3A_564, %swap3A_565], %add3A_563 {strides = array<i32>} : memref<320x80xi32, #tpu.memory_space<vmem>>, vector<16xi32>,
      %get3A_567 = arith.index_cast %scan3A_463 : i32 to index
      %get3A_568 = arith.constant 64 : index
      %get3A_569 = tpu.vector_load %arg6[%get3A_567, %get3A_568] {strides = array<i32>} : memref<320x80xi32, #tpu.memory_space<vmem>>, vector<16xi32>,
      %shift_right_arithmetic3A_570 = arith.constant 15 : i32
      %shift_right_arithmetic3A_571 = vector.broadcast %shift_right_arithmetic3A_570 : i32 to vector<16xi32>
      %shift_right_arithmetic3A_572 = arith.shrsi %get3A_569, %shift_right_arithmetic3A_571 : vector<16xi32>
      %and3A_573 = arith.constant 8191 : i32
      %and3A_574 = vector.broadcast %and3A_573 : i32 to vector<16xi32>
      %and3A_575 = arith.andi %get3A_569, %and3A_574 : vector<16xi32>
      %shift_right_arithmetic3A_576 = arith.constant 13 : i32
      %shift_right_arithmetic3A_577 = vector.broadcast %shift_right_arithmetic3A_576 : i32 to vector<16xi32>
      %shift_right_arithmetic3A_578 = arith.shrsi %get3A_569, %shift_right_arithmetic3A_577 : vector<16xi32>
      %and3A_579 = arith.constant 3 : i32
      %and3A_580 = vector.broadcast %and3A_579 : i32 to vector<16xi32>
      %and3A_581 = arith.andi %shift_right_arithmetic3A_578, %and3A_580 : vector<16xi32>
      %shift_left3A_582 = arith.constant 13 : i32
      %shift_left3A_583 = vector.broadcast %shift_left3A_582 : i32 to vector<16xi32>
      %shift_left3A_584 = arith.shli %shift_right_arithmetic3A_572, %shift_left3A_583 : vector<16xi32>
      %add3A_585 = arith.addi %shift_left3A_584, %and3A_575 : vector<16xi32>
      %shift_left3A_586 = arith.constant 2 : i32
      %shift_left3A_587 = vector.broadcast %shift_left3A_586 : i32 to vector<16xi32>
      %shift_left3A_588 = arith.shli %add3A_585, %shift_left3A_587 : vector<16xi32>
      %add3A_589 = arith.addi %shift_left3A_588, %and3A_581 : vector<16xi32>
      %swap3A_590 = arith.index_cast %scan3A_463 : i32 to index
      %swap3A_591 = arith.constant 64 : index
      %swap3A_592 = tpu.vector_load %arg6[%swap3A_590, %swap3A_591] {strides = array<i32>} : memref<320x80xi32, #tpu.memory_space<vmem>>, vector<16xi32>,
      tpu.vector_store %arg6[%swap3A_590, %swap3A_591], %add3A_589 {strides = array<i32>} : memref<320x80xi32, #tpu.memory_space<vmem>>, vector<16xi32>,
      %scan3A_593 = arith.constant 0 : i32
      scf.yield %scan3A_593 : i32
    }
    %scan3A_6 = arith.constant 320 : i32
    %get3A = arith.constant 0 : index
    %get3A_7 = tpu.vector_load %arg9[%get3A] {strides = array<i32>} : memref<48xf32, #tpu.memory_space<vmem>>, vector<16xf32>,
    %bitcast3A = vector.bitcast %get3A_7 : vector<16xf32> to vector<16xi32>
    %add3A_8 = arith.constant 32767 : i32
    %add3A_9 = vector.broadcast %add3A_8 : i32 to vector<16xi32>
    %add3A_10 = arith.addi %bitcast3A, %add3A_9 : vector<16xi32>
    %shift_right_logical3A = arith.constant 16 : i32
    %shift_right_logical3A_11 = vector.broadcast %shift_right_logical3A : i32 to vector<16xi32>
    %shift_right_logical3A_12 = arith.shrui %bitcast3A, %shift_right_logical3A_11 : vector<16xi32>
    %and3A = arith.constant 1 : i32
    %and3A_13 = vector.broadcast %and3A : i32 to vector<16xi32>
    %and3A_14 = arith.andi %shift_right_logical3A_12, %and3A_13 : vector<16xi32>
    %add3A_15 = arith.addi %add3A_10, %and3A_14 : vector<16xi32>
    %and3A_16 = arith.constant -65536 : i32
    %and3A_17 = vector.broadcast %and3A_16 : i32 to vector<16xi32>
    %and3A_18 = arith.andi %add3A_15, %and3A_17 : vector<16xi32>
    %bitcast3A_19 = vector.bitcast %and3A_18 : vector<16xi32> to vector<16xf32>
    %get3A_20 = arith.constant 16 : index
    %get3A_21 = tpu.vector_load %arg9[%get3A_20] {strides = array<i32>} : memref<48xf32, #tpu.memory_space<vmem>>, vector<16xf32>,
    %bitcast3A_22 = vector.bitcast %get3A_21 : vector<16xf32> to vector<16xi32>
    %add3A_23 = arith.constant 32767 : i32
    %add3A_24 = vector.broadcast %add3A_23 : i32 to vector<16xi32>
    %add3A_25 = arith.addi %bitcast3A_22, %add3A_24 : vector<16xi32>
    %shift_right_logical3A_26 = arith.constant 16 : i32
    %shift_right_logical3A_27 = vector.broadcast %shift_right_logical3A_26 : i32 to vector<16xi32>
    %shift_right_logical3A_28 = arith.shrui %bitcast3A_22, %shift_right_logical3A_27 : vector<16xi32>
    %and3A_29 = arith.constant 1 : i32
    %and3A_30 = vector.broadcast %and3A_29 : i32 to vector<16xi32>
    %and3A_31 = arith.andi %shift_right_logical3A_28, %and3A_30 : vector<16xi32>
    %add3A_32 = arith.addi %add3A_25, %and3A_31 : vector<16xi32>
    %and3A_33 = arith.constant -65536 : i32
    %and3A_34 = vector.broadcast %and3A_33 : i32 to vector<16xi32>
    %and3A_35 = arith.andi %add3A_32, %and3A_34 : vector<16xi32>
    %bitcast3A_36 = vector.bitcast %and3A_35 : vector<16xi32> to vector<16xf32>
    %get3A_37 = arith.constant 32 : index
    %get3A_38 = tpu.vector_load %arg9[%get3A_37] {strides = array<i32>} : memref<48xf32, #tpu.memory_space<vmem>>, vector<16xf32>,
    %slice3A = vector.extract_strided_slice %get3A_38 {offsets = [0], sizes = [1], strides = [1]} : vector<16xf32> to vector<1xf32>
    %squeeze3A = vector.extract %slice3A[0] : f32 from vector<1xf32>
    %iota3A = tpu.iota {dimensions = array<i32: 0>} : vector<16xi32>
    %broadcast_in_dim3A = arith.constant 0.000000e+00 : f32
    %broadcast_in_dim3A_39 = vector.broadcast %broadcast_in_dim3A : f32 to vector<16xf32>
    %swap3A = arith.constant 0 : index
    %swap3A_40 = tpu.vector_load %arg10[%swap3A] {strides = array<i32>} : memref<128xf32, #tpu.memory_space<vmem>>, vector<16xf32>,
    tpu.vector_store %arg10[%swap3A], %broadcast_in_dim3A_39 {strides = array<i32>} : memref<128xf32, #tpu.memory_space<vmem>>, vector<16xf32>,
    %swap3A_41 = arith.constant 16 : index
    %swap3A_42 = tpu.vector_load %arg10[%swap3A_41] {strides = array<i32>} : memref<128xf32, #tpu.memory_space<vmem>>, vector<16xf32>,
    tpu.vector_store %arg10[%swap3A_41], %broadcast_in_dim3A_39 {strides = array<i32>} : memref<128xf32, #tpu.memory_space<vmem>>, vector<16xf32>,
    %swap3A_43 = arith.constant 32 : index
    %swap3A_44 = tpu.vector_load %arg10[%swap3A_43] {strides = array<i32>} : memref<128xf32, #tpu.memory_space<vmem>>, vector<16xf32>,
    tpu.vector_store %arg10[%swap3A_43], %broadcast_in_dim3A_39 {strides = array<i32>} : memref<128xf32, #tpu.memory_space<vmem>>, vector<16xf32>,
    %swap3A_45 = arith.constant 48 : index
    %swap3A_46 = tpu.vector_load %arg10[%swap3A_45] {strides = array<i32>} : memref<128xf32, #tpu.memory_space<vmem>>, vector<16xf32>,
    tpu.vector_store %arg10[%swap3A_45], %broadcast_in_dim3A_39 {strides = array<i32>} : memref<128xf32, #tpu.memory_space<vmem>>, vector<16xf32>,
    %swap3A_47 = arith.constant 64 : index
    %swap3A_48 = tpu.vector_load %arg10[%swap3A_47] {strides = array<i32>} : memref<128xf32, #tpu.memory_space<vmem>>, vector<16xf32>,
    tpu.vector_store %arg10[%swap3A_47], %broadcast_in_dim3A_39 {strides = array<i32>} : memref<128xf32, #tpu.memory_space<vmem>>, vector<16xf32>,
    %swap3A_49 = arith.constant 80 : index
    %swap3A_50 = tpu.vector_load %arg10[%swap3A_49] {strides = array<i32>} : memref<128xf32, #tpu.memory_space<vmem>>, vector<16xf32>,
    tpu.vector_store %arg10[%swap3A_49], %broadcast_in_dim3A_39 {strides = array<i32>} : memref<128xf32, #tpu.memory_space<vmem>>, vector<16xf32>,
    %swap3A_51 = arith.constant 96 : index
    %swap3A_52 = tpu.vector_load %arg10[%swap3A_51] {strides = array<i32>} : memref<128xf32, #tpu.memory_space<vmem>>, vector<16xf32>,
    tpu.vector_store %arg10[%swap3A_51], %broadcast_in_dim3A_39 {strides = array<i32>} : memref<128xf32, #tpu.memory_space<vmem>>, vector<16xf32>,
    %swap3A_53 = arith.constant 112 : index
    %swap3A_54 = tpu.vector_load %arg10[%swap3A_53] {strides = array<i32>} : memref<128xf32, #tpu.memory_space<vmem>>, vector<16xf32>,
    tpu.vector_store %arg10[%swap3A_53], %broadcast_in_dim3A_39 {strides = array<i32>} : memref<128xf32, #tpu.memory_space<vmem>>, vector<16xf32>,
    %dma_start3A = arith.constant 0 : i32
    %dma_start3A_55 = arith.constant 0 : i32
    %dma_start3A_56 = arith.constant 0 : i32
    %dma_start3A_57 = tpu.memref_slice %arg7[%dma_start3A_55, %dma_start3A_56] : memref<1600x32xf32, #tpu.memory_space<vmem>> -> memref<80x32xf32, #tpu.memory_space<vmem>>
    %dma_start3A_58 = arith.constant 0 : i32
    %dma_start3A_59 = tpu.memref_slice %arg6[%dma_start3A, %dma_start3A_58] : memref<320x80xi32, #tpu.memory_space<vmem>> -> memref<1x80xi32, #tpu.memory_space<vmem>>
    %dma_start3A_60 = tpu.memref_squeeze %dma_start3A_59 : memref<1x80xi32, #tpu.memory_space<vmem>> -> memref<80xi32, #tpu.memory_space<vmem>>
    %dma_start3A_61 = arith.constant 0 : i32
    %dma_start3A_62 = arith.constant 0 : i32
    %dma_start3A_63 = tpu.memref_slice %arg3[%dma_start3A_61, %dma_start3A_62] : memref<1015808x32xf32, #tpu.memory_space<hbm>> -> memref<1015808x32xf32, #tpu.memory_space<hbm>>
    tpu.enqueue_indirect_dma source(%dma_start3A_63 : memref<1015808x32xf32, #tpu.memory_space<hbm>>) target(%dma_start3A_57 : memref<80x32xf32, #tpu.memory_space<vmem>>) offsets(%dma_start3A_60 : memref<80xi32, #tpu.memory_space<vmem>>) semaphore(%arg11 : memref<!tpu.dma_semaphore, #tpu.memory_space<semaphore_mem>>)
    %dma_start3A_64 = arith.constant 1 : i32
    %dma_start3A_65 = arith.constant 80 : i32
    %dma_start3A_66 = arith.constant 0 : i32
    %dma_start3A_67 = tpu.memref_slice %arg7[%dma_start3A_65, %dma_start3A_66] : memref<1600x32xf32, #tpu.memory_space<vmem>> -> memref<80x32xf32, #tpu.memory_space<vmem>>
    %dma_start3A_68 = arith.constant 0 : i32
    %dma_start3A_69 = tpu.memref_slice %arg6[%dma_start3A_64, %dma_start3A_68] : memref<320x80xi32, #tpu.memory_space<vmem>> -> memref<1x80xi32, #tpu.memory_space<vmem>>
    %dma_start3A_70 = tpu.memref_squeeze %dma_start3A_69 : memref<1x80xi32, #tpu.memory_space<vmem>> -> memref<80xi32, #tpu.memory_space<vmem>>
    %dma_start3A_71 = arith.constant 0 : i32
    %dma_start3A_72 = arith.constant 0 : i32
    %dma_start3A_73 = tpu.memref_slice %arg3[%dma_start3A_71, %dma_start3A_72] : memref<1015808x32xf32, #tpu.memory_space<hbm>> -> memref<1015808x32xf32, #tpu.memory_space<hbm>>
    tpu.enqueue_indirect_dma source(%dma_start3A_73 : memref<1015808x32xf32, #tpu.memory_space<hbm>>) target(%dma_start3A_67 : memref<80x32xf32, #tpu.memory_space<vmem>>) offsets(%dma_start3A_70 : memref<80xi32, #tpu.memory_space<vmem>>) semaphore(%arg11 : memref<!tpu.dma_semaphore, #tpu.memory_space<semaphore_mem>>)
    %dma_start3A_74 = arith.constant 2 : i32
    %dma_start3A_75 = arith.constant 160 : i32
    %dma_start3A_76 = arith.constant 0 : i32
    %dma_start3A_77 = tpu.memref_slice %arg7[%dma_start3A_75, %dma_start3A_76] : memref<1600x32xf32, #tpu.memory_space<vmem>> -> memref<80x32xf32, #tpu.memory_space<vmem>>
    %dma_start3A_78 = arith.constant 0 : i32
    %dma_start3A_79 = tpu.memref_slice %arg6[%dma_start3A_74, %dma_start3A_78] : memref<320x80xi32, #tpu.memory_space<vmem>> -> memref<1x80xi32, #tpu.memory_space<vmem>>
    %dma_start3A_80 = tpu.memref_squeeze %dma_start3A_79 : memref<1x80xi32, #tpu.memory_space<vmem>> -> memref<80xi32, #tpu.memory_space<vmem>>
    %dma_start3A_81 = arith.constant 0 : i32
    %dma_start3A_82 = arith.constant 0 : i32
    %dma_start3A_83 = tpu.memref_slice %arg3[%dma_start3A_81, %dma_start3A_82] : memref<1015808x32xf32, #tpu.memory_space<hbm>> -> memref<1015808x32xf32, #tpu.memory_space<hbm>>
    tpu.enqueue_indirect_dma source(%dma_start3A_83 : memref<1015808x32xf32, #tpu.memory_space<hbm>>) target(%dma_start3A_77 : memref<80x32xf32, #tpu.memory_space<vmem>>) offsets(%dma_start3A_80 : memref<80xi32, #tpu.memory_space<vmem>>) semaphore(%arg11 : memref<!tpu.dma_semaphore, #tpu.memory_space<semaphore_mem>>)
    %dma_start3A_84 = arith.constant 3 : i32
    %dma_start3A_85 = arith.constant 240 : i32
    %dma_start3A_86 = arith.constant 0 : i32
    %dma_start3A_87 = tpu.memref_slice %arg7[%dma_start3A_85, %dma_start3A_86] : memref<1600x32xf32, #tpu.memory_space<vmem>> -> memref<80x32xf32, #tpu.memory_space<vmem>>
    %dma_start3A_88 = arith.constant 0 : i32
    %dma_start3A_89 = tpu.memref_slice %arg6[%dma_start3A_84, %dma_start3A_88] : memref<320x80xi32, #tpu.memory_space<vmem>> -> memref<1x80xi32, #tpu.memory_space<vmem>>
    %dma_start3A_90 = tpu.memref_squeeze %dma_start3A_89 : memref<1x80xi32, #tpu.memory_space<vmem>> -> memref<80xi32, #tpu.memory_space<vmem>>
    %dma_start3A_91 = arith.constant 0 : i32
    %dma_start3A_92 = arith.constant 0 : i32
    %dma_start3A_93 = tpu.memref_slice %arg3[%dma_start3A_91, %dma_start3A_92] : memref<1015808x32xf32, #tpu.memory_space<hbm>> -> memref<1015808x32xf32, #tpu.memory_space<hbm>>
    tpu.enqueue_indirect_dma source(%dma_start3A_93 : memref<1015808x32xf32, #tpu.memory_space<hbm>>) target(%dma_start3A_87 : memref<80x32xf32, #tpu.memory_space<vmem>>) offsets(%dma_start3A_90 : memref<80xi32, #tpu.memory_space<vmem>>) semaphore(%arg11 : memref<!tpu.dma_semaphore, #tpu.memory_space<semaphore_mem>>)
    %dma_start3A_94 = arith.constant 4 : i32
    %dma_start3A_95 = arith.constant 320 : i32
    %dma_start3A_96 = arith.constant 0 : i32
    %dma_start3A_97 = tpu.memref_slice %arg7[%dma_start3A_95, %dma_start3A_96] : memref<1600x32xf32, #tpu.memory_space<vmem>> -> memref<80x32xf32, #tpu.memory_space<vmem>>
    %dma_start3A_98 = arith.constant 0 : i32
    %dma_start3A_99 = tpu.memref_slice %arg6[%dma_start3A_94, %dma_start3A_98] : memref<320x80xi32, #tpu.memory_space<vmem>> -> memref<1x80xi32, #tpu.memory_space<vmem>>
    %dma_start3A_100 = tpu.memref_squeeze %dma_start3A_99 : memref<1x80xi32, #tpu.memory_space<vmem>> -> memref<80xi32, #tpu.memory_space<vmem>>
    %dma_start3A_101 = arith.constant 0 : i32
    %dma_start3A_102 = arith.constant 0 : i32
    %dma_start3A_103 = tpu.memref_slice %arg3[%dma_start3A_101, %dma_start3A_102] : memref<1015808x32xf32, #tpu.memory_space<hbm>> -> memref<1015808x32xf32, #tpu.memory_space<hbm>>
    tpu.enqueue_indirect_dma source(%dma_start3A_103 : memref<1015808x32xf32, #tpu.memory_space<hbm>>) target(%dma_start3A_97 : memref<80x32xf32, #tpu.memory_space<vmem>>) offsets(%dma_start3A_100 : memref<80xi32, #tpu.memory_space<vmem>>) semaphore(%arg11 : memref<!tpu.dma_semaphore, #tpu.memory_space<semaphore_mem>>)
    %dma_start3A_104 = arith.constant 5 : i32
    %dma_start3A_105 = arith.constant 400 : i32
    %dma_start3A_106 = arith.constant 0 : i32
    %dma_start3A_107 = tpu.memref_slice %arg7[%dma_start3A_105, %dma_start3A_106] : memref<1600x32xf32, #tpu.memory_space<vmem>> -> memref<80x32xf32, #tpu.memory_space<vmem>>
    %dma_start3A_108 = arith.constant 0 : i32
    %dma_start3A_109 = tpu.memref_slice %arg6[%dma_start3A_104, %dma_start3A_108] : memref<320x80xi32, #tpu.memory_space<vmem>> -> memref<1x80xi32, #tpu.memory_space<vmem>>
    %dma_start3A_110 = tpu.memref_squeeze %dma_start3A_109 : memref<1x80xi32, #tpu.memory_space<vmem>> -> memref<80xi32, #tpu.memory_space<vmem>>
    %dma_start3A_111 = arith.constant 0 : i32
    %dma_start3A_112 = arith.constant 0 : i32
    %dma_start3A_113 = tpu.memref_slice %arg3[%dma_start3A_111, %dma_start3A_112] : memref<1015808x32xf32, #tpu.memory_space<hbm>> -> memref<1015808x32xf32, #tpu.memory_space<hbm>>
    tpu.enqueue_indirect_dma source(%dma_start3A_113 : memref<1015808x32xf32, #tpu.memory_space<hbm>>) target(%dma_start3A_107 : memref<80x32xf32, #tpu.memory_space<vmem>>) offsets(%dma_start3A_110 : memref<80xi32, #tpu.memory_space<vmem>>) semaphore(%arg11 : memref<!tpu.dma_semaphore, #tpu.memory_space<semaphore_mem>>)
    %dma_start3A_114 = arith.constant 6 : i32
    %dma_start3A_115 = arith.constant 480 : i32
    %dma_start3A_116 = arith.constant 0 : i32
    %dma_start3A_117 = tpu.memref_slice %arg7[%dma_start3A_115, %dma_start3A_116] : memref<1600x32xf32, #tpu.memory_space<vmem>> -> memref<80x32xf32, #tpu.memory_space<vmem>>
    %dma_start3A_118 = arith.constant 0 : i32
    %dma_start3A_119 = tpu.memref_slice %arg6[%dma_start3A_114, %dma_start3A_118] : memref<320x80xi32, #tpu.memory_space<vmem>> -> memref<1x80xi32, #tpu.memory_space<vmem>>
    %dma_start3A_120 = tpu.memref_squeeze %dma_start3A_119 : memref<1x80xi32, #tpu.memory_space<vmem>> -> memref<80xi32, #tpu.memory_space<vmem>>
    %dma_start3A_121 = arith.constant 0 : i32
    %dma_start3A_122 = arith.constant 0 : i32
    %dma_start3A_123 = tpu.memref_slice %arg3[%dma_start3A_121, %dma_start3A_122] : memref<1015808x32xf32, #tpu.memory_space<hbm>> -> memref<1015808x32xf32, #tpu.memory_space<hbm>>
    tpu.enqueue_indirect_dma source(%dma_start3A_123 : memref<1015808x32xf32, #tpu.memory_space<hbm>>) target(%dma_start3A_117 : memref<80x32xf32, #tpu.memory_space<vmem>>) offsets(%dma_start3A_120 : memref<80xi32, #tpu.memory_space<vmem>>) semaphore(%arg11 : memref<!tpu.dma_semaphore, #tpu.memory_space<semaphore_mem>>)
    %dma_start3A_124 = arith.constant 7 : i32
    %dma_start3A_125 = arith.constant 560 : i32
    %dma_start3A_126 = arith.constant 0 : i32
    %dma_start3A_127 = tpu.memref_slice %arg7[%dma_start3A_125, %dma_start3A_126] : memref<1600x32xf32, #tpu.memory_space<vmem>> -> memref<80x32xf32, #tpu.memory_space<vmem>>
    %dma_start3A_128 = arith.constant 0 : i32
    %dma_start3A_129 = tpu.memref_slice %arg6[%dma_start3A_124, %dma_start3A_128] : memref<320x80xi32, #tpu.memory_space<vmem>> -> memref<1x80xi32, #tpu.memory_space<vmem>>
    %dma_start3A_130 = tpu.memref_squeeze %dma_start3A_129 : memref<1x80xi32, #tpu.memory_space<vmem>> -> memref<80xi32, #tpu.memory_space<vmem>>
    %dma_start3A_131 = arith.constant 0 : i32
    %dma_start3A_132 = arith.constant 0 : i32
    %dma_start3A_133 = tpu.memref_slice %arg3[%dma_start3A_131, %dma_start3A_132] : memref<1015808x32xf32, #tpu.memory_space<hbm>> -> memref<1015808x32xf32, #tpu.memory_space<hbm>>
    tpu.enqueue_indirect_dma source(%dma_start3A_133 : memref<1015808x32xf32, #tpu.memory_space<hbm>>) target(%dma_start3A_127 : memref<80x32xf32, #tpu.memory_space<vmem>>) offsets(%dma_start3A_130 : memref<80xi32, #tpu.memory_space<vmem>>) semaphore(%arg11 : memref<!tpu.dma_semaphore, #tpu.memory_space<semaphore_mem>>)
    %dma_start3A_134 = arith.constant 8 : i32
    %dma_start3A_135 = arith.constant 640 : i32
    %dma_start3A_136 = arith.constant 0 : i32
    %dma_start3A_137 = tpu.memref_slice %arg7[%dma_start3A_135, %dma_start3A_136] : memref<1600x32xf32, #tpu.memory_space<vmem>> -> memref<80x32xf32, #tpu.memory_space<vmem>>
    %dma_start3A_138 = arith.constant 0 : i32
    %dma_start3A_139 = tpu.memref_slice %arg6[%dma_start3A_134, %dma_start3A_138] : memref<320x80xi32, #tpu.memory_space<vmem>> -> memref<1x80xi32, #tpu.memory_space<vmem>>
    %dma_start3A_140 = tpu.memref_squeeze %dma_start3A_139 : memref<1x80xi32, #tpu.memory_space<vmem>> -> memref<80xi32, #tpu.memory_space<vmem>>
    %dma_start3A_141 = arith.constant 0 : i32
    %dma_start3A_142 = arith.constant 0 : i32
    %dma_start3A_143 = tpu.memref_slice %arg3[%dma_start3A_141, %dma_start3A_142] : memref<1015808x32xf32, #tpu.memory_space<hbm>> -> memref<1015808x32xf32, #tpu.memory_space<hbm>>
    tpu.enqueue_indirect_dma source(%dma_start3A_143 : memref<1015808x32xf32, #tpu.memory_space<hbm>>) target(%dma_start3A_137 : memref<80x32xf32, #tpu.memory_space<vmem>>) offsets(%dma_start3A_140 : memref<80xi32, #tpu.memory_space<vmem>>) semaphore(%arg11 : memref<!tpu.dma_semaphore, #tpu.memory_space<semaphore_mem>>)
    %dma_start3A_144 = arith.constant 9 : i32
    %dma_start3A_145 = arith.constant 720 : i32
    %dma_start3A_146 = arith.constant 0 : i32
    %dma_start3A_147 = tpu.memref_slice %arg7[%dma_start3A_145, %dma_start3A_146] : memref<1600x32xf32, #tpu.memory_space<vmem>> -> memref<80x32xf32, #tpu.memory_space<vmem>>
    %dma_start3A_148 = arith.constant 0 : i32
    %dma_start3A_149 = tpu.memref_slice %arg6[%dma_start3A_144, %dma_start3A_148] : memref<320x80xi32, #tpu.memory_space<vmem>> -> memref<1x80xi32, #tpu.memory_space<vmem>>
    %dma_start3A_150 = tpu.memref_squeeze %dma_start3A_149 : memref<1x80xi32, #tpu.memory_space<vmem>> -> memref<80xi32, #tpu.memory_space<vmem>>
    %dma_start3A_151 = arith.constant 0 : i32
    %dma_start3A_152 = arith.constant 0 : i32
    %dma_start3A_153 = tpu.memref_slice %arg3[%dma_start3A_151, %dma_start3A_152] : memref<1015808x32xf32, #tpu.memory_space<hbm>> -> memref<1015808x32xf32, #tpu.memory_space<hbm>>
    tpu.enqueue_indirect_dma source(%dma_start3A_153 : memref<1015808x32xf32, #tpu.memory_space<hbm>>) target(%dma_start3A_147 : memref<80x32xf32, #tpu.memory_space<vmem>>) offsets(%dma_start3A_150 : memref<80xi32, #tpu.memory_space<vmem>>) semaphore(%arg11 : memref<!tpu.dma_semaphore, #tpu.memory_space<semaphore_mem>>)
    %dma_start3A_154 = arith.constant 10 : i32
    %dma_start3A_155 = arith.constant 800 : i32
    %dma_start3A_156 = arith.constant 0 : i32
    %dma_start3A_157 = tpu.memref_slice %arg7[%dma_start3A_155, %dma_start3A_156] : memref<1600x32xf32, #tpu.memory_space<vmem>> -> memref<80x32xf32, #tpu.memory_space<vmem>>
    %dma_start3A_158 = arith.constant 0 : i32
    %dma_start3A_159 = tpu.memref_slice %arg6[%dma_start3A_154, %dma_start3A_158] : memref<320x80xi32, #tpu.memory_space<vmem>> -> memref<1x80xi32, #tpu.memory_space<vmem>>
    %dma_start3A_160 = tpu.memref_squeeze %dma_start3A_159 : memref<1x80xi32, #tpu.memory_space<vmem>> -> memref<80xi32, #tpu.memory_space<vmem>>
    %dma_start3A_161 = arith.constant 0 : i32
    %dma_start3A_162 = arith.constant 0 : i32
    %dma_start3A_163 = tpu.memref_slice %arg3[%dma_start3A_161, %dma_start3A_162] : memref<1015808x32xf32, #tpu.memory_space<hbm>> -> memref<1015808x32xf32, #tpu.memory_space<hbm>>
    tpu.enqueue_indirect_dma source(%dma_start3A_163 : memref<1015808x32xf32, #tpu.memory_space<hbm>>) target(%dma_start3A_157 : memref<80x32xf32, #tpu.memory_space<vmem>>) offsets(%dma_start3A_160 : memref<80xi32, #tpu.memory_space<vmem>>) semaphore(%arg11 : memref<!tpu.dma_semaphore, #tpu.memory_space<semaphore_mem>>)
    %dma_start3A_164 = arith.constant 11 : i32
    %dma_start3A_165 = arith.constant 880 : i32
    %dma_start3A_166 = arith.constant 0 : i32
    %dma_start3A_167 = tpu.memref_slice %arg7[%dma_start3A_165, %dma_start3A_166] : memref<1600x32xf32, #tpu.memory_space<vmem>> -> memref<80x32xf32, #tpu.memory_space<vmem>>
    %dma_start3A_168 = arith.constant 0 : i32
    %dma_start3A_169 = tpu.memref_slice %arg6[%dma_start3A_164, %dma_start3A_168] : memref<320x80xi32, #tpu.memory_space<vmem>> -> memref<1x80xi32, #tpu.memory_space<vmem>>
    %dma_start3A_170 = tpu.memref_squeeze %dma_start3A_169 : memref<1x80xi32, #tpu.memory_space<vmem>> -> memref<80xi32, #tpu.memory_space<vmem>>
    %dma_start3A_171 = arith.constant 0 : i32
    %dma_start3A_172 = arith.constant 0 : i32
    %dma_start3A_173 = tpu.memref_slice %arg3[%dma_start3A_171, %dma_start3A_172] : memref<1015808x32xf32, #tpu.memory_space<hbm>> -> memref<1015808x32xf32, #tpu.memory_space<hbm>>
    tpu.enqueue_indirect_dma source(%dma_start3A_173 : memref<1015808x32xf32, #tpu.memory_space<hbm>>) target(%dma_start3A_167 : memref<80x32xf32, #tpu.memory_space<vmem>>) offsets(%dma_start3A_170 : memref<80xi32, #tpu.memory_space<vmem>>) semaphore(%arg11 : memref<!tpu.dma_semaphore, #tpu.memory_space<semaphore_mem>>)
    %dma_start3A_174 = arith.constant 12 : i32
    %dma_start3A_175 = arith.constant 960 : i32
    %dma_start3A_176 = arith.constant 0 : i32
    %dma_start3A_177 = tpu.memref_slice %arg7[%dma_start3A_175, %dma_start3A_176] : memref<1600x32xf32, #tpu.memory_space<vmem>> -> memref<80x32xf32, #tpu.memory_space<vmem>>
    %dma_start3A_178 = arith.constant 0 : i32
    %dma_start3A_179 = tpu.memref_slice %arg6[%dma_start3A_174, %dma_start3A_178] : memref<320x80xi32, #tpu.memory_space<vmem>> -> memref<1x80xi32, #tpu.memory_space<vmem>>
    %dma_start3A_180 = tpu.memref_squeeze %dma_start3A_179 : memref<1x80xi32, #tpu.memory_space<vmem>> -> memref<80xi32, #tpu.memory_space<vmem>>
    %dma_start3A_181 = arith.constant 0 : i32
    %dma_start3A_182 = arith.constant 0 : i32
    %dma_start3A_183 = tpu.memref_slice %arg3[%dma_start3A_181, %dma_start3A_182] : memref<1015808x32xf32, #tpu.memory_space<hbm>> -> memref<1015808x32xf32, #tpu.memory_space<hbm>>
    tpu.enqueue_indirect_dma source(%dma_start3A_183 : memref<1015808x32xf32, #tpu.memory_space<hbm>>) target(%dma_start3A_177 : memref<80x32xf32, #tpu.memory_space<vmem>>) offsets(%dma_start3A_180 : memref<80xi32, #tpu.memory_space<vmem>>) semaphore(%arg11 : memref<!tpu.dma_semaphore, #tpu.memory_space<semaphore_mem>>)
    %dma_start3A_184 = arith.constant 13 : i32
    %dma_start3A_185 = arith.constant 1040 : i32
    %dma_start3A_186 = arith.constant 0 : i32
    %dma_start3A_187 = tpu.memref_slice %arg7[%dma_start3A_185, %dma_start3A_186] : memref<1600x32xf32, #tpu.memory_space<vmem>> -> memref<80x32xf32, #tpu.memory_space<vmem>>
    %dma_start3A_188 = arith.constant 0 : i32
    %dma_start3A_189 = tpu.memref_slice %arg6[%dma_start3A_184, %dma_start3A_188] : memref<320x80xi32, #tpu.memory_space<vmem>> -> memref<1x80xi32, #tpu.memory_space<vmem>>
    %dma_start3A_190 = tpu.memref_squeeze %dma_start3A_189 : memref<1x80xi32, #tpu.memory_space<vmem>> -> memref<80xi32, #tpu.memory_space<vmem>>
    %dma_start3A_191 = arith.constant 0 : i32
    %dma_start3A_192 = arith.constant 0 : i32
    %dma_start3A_193 = tpu.memref_slice %arg3[%dma_start3A_191, %dma_start3A_192] : memref<1015808x32xf32, #tpu.memory_space<hbm>> -> memref<1015808x32xf32, #tpu.memory_space<hbm>>
    tpu.enqueue_indirect_dma source(%dma_start3A_193 : memref<1015808x32xf32, #tpu.memory_space<hbm>>) target(%dma_start3A_187 : memref<80x32xf32, #tpu.memory_space<vmem>>) offsets(%dma_start3A_190 : memref<80xi32, #tpu.memory_space<vmem>>) semaphore(%arg11 : memref<!tpu.dma_semaphore, #tpu.memory_space<semaphore_mem>>)
    %dma_start3A_194 = arith.constant 14 : i32
    %dma_start3A_195 = arith.constant 1120 : i32
    %dma_start3A_196 = arith.constant 0 : i32
    %dma_start3A_197 = tpu.memref_slice %arg7[%dma_start3A_195, %dma_start3A_196] : memref<1600x32xf32, #tpu.memory_space<vmem>> -> memref<80x32xf32, #tpu.memory_space<vmem>>
    %dma_start3A_198 = arith.constant 0 : i32
    %dma_start3A_199 = tpu.memref_slice %arg6[%dma_start3A_194, %dma_start3A_198] : memref<320x80xi32, #tpu.memory_space<vmem>> -> memref<1x80xi32, #tpu.memory_space<vmem>>
    %dma_start3A_200 = tpu.memref_squeeze %dma_start3A_199 : memref<1x80xi32, #tpu.memory_space<vmem>> -> memref<80xi32, #tpu.memory_space<vmem>>
    %dma_start3A_201 = arith.constant 0 : i32
    %dma_start3A_202 = arith.constant 0 : i32
    %dma_start3A_203 = tpu.memref_slice %arg3[%dma_start3A_201, %dma_start3A_202] : memref<1015808x32xf32, #tpu.memory_space<hbm>> -> memref<1015808x32xf32, #tpu.memory_space<hbm>>
    tpu.enqueue_indirect_dma source(%dma_start3A_203 : memref<1015808x32xf32, #tpu.memory_space<hbm>>) target(%dma_start3A_197 : memref<80x32xf32, #tpu.memory_space<vmem>>) offsets(%dma_start3A_200 : memref<80xi32, #tpu.memory_space<vmem>>) semaphore(%arg11 : memref<!tpu.dma_semaphore, #tpu.memory_space<semaphore_mem>>)
    %dma_start3A_204 = arith.constant 15 : i32
    %dma_start3A_205 = arith.constant 1200 : i32
    %dma_start3A_206 = arith.constant 0 : i32
    %dma_start3A_207 = tpu.memref_slice %arg7[%dma_start3A_205, %dma_start3A_206] : memref<1600x32xf32, #tpu.memory_space<vmem>> -> memref<80x32xf32, #tpu.memory_space<vmem>>
    %dma_start3A_208 = arith.constant 0 : i32
    %dma_start3A_209 = tpu.memref_slice %arg6[%dma_start3A_204, %dma_start3A_208] : memref<320x80xi32, #tpu.memory_space<vmem>> -> memref<1x80xi32, #tpu.memory_space<vmem>>
    %dma_start3A_210 = tpu.memref_squeeze %dma_start3A_209 : memref<1x80xi32, #tpu.memory_space<vmem>> -> memref<80xi32, #tpu.memory_space<vmem>>
    %dma_start3A_211 = arith.constant 0 : i32
    %dma_start3A_212 = arith.constant 0 : i32
    %dma_start3A_213 = tpu.memref_slice %arg3[%dma_start3A_211, %dma_start3A_212] : memref<1015808x32xf32, #tpu.memory_space<hbm>> -> memref<1015808x32xf32, #tpu.memory_space<hbm>>
    tpu.enqueue_indirect_dma source(%dma_start3A_213 : memref<1015808x32xf32, #tpu.memory_space<hbm>>) target(%dma_start3A_207 : memref<80x32xf32, #tpu.memory_space<vmem>>) offsets(%dma_start3A_210 : memref<80xi32, #tpu.memory_space<vmem>>) semaphore(%arg11 : memref<!tpu.dma_semaphore, #tpu.memory_space<semaphore_mem>>)
    %dma_start3A_214 = arith.constant 16 : i32
    %dma_start3A_215 = arith.constant 1280 : i32
    %dma_start3A_216 = arith.constant 0 : i32
    %dma_start3A_217 = tpu.memref_slice %arg7[%dma_start3A_215, %dma_start3A_216] : memref<1600x32xf32, #tpu.memory_space<vmem>> -> memref<80x32xf32, #tpu.memory_space<vmem>>
    %dma_start3A_218 = arith.constant 0 : i32
    %dma_start3A_219 = tpu.memref_slice %arg6[%dma_start3A_214, %dma_start3A_218] : memref<320x80xi32, #tpu.memory_space<vmem>> -> memref<1x80xi32, #tpu.memory_space<vmem>>
    %dma_start3A_220 = tpu.memref_squeeze %dma_start3A_219 : memref<1x80xi32, #tpu.memory_space<vmem>> -> memref<80xi32, #tpu.memory_space<vmem>>
    %dma_start3A_221 = arith.constant 0 : i32
    %dma_start3A_222 = arith.constant 0 : i32
    %dma_start3A_223 = tpu.memref_slice %arg3[%dma_start3A_221, %dma_start3A_222] : memref<1015808x32xf32, #tpu.memory_space<hbm>> -> memref<1015808x32xf32, #tpu.memory_space<hbm>>
    tpu.enqueue_indirect_dma source(%dma_start3A_223 : memref<1015808x32xf32, #tpu.memory_space<hbm>>) target(%dma_start3A_217 : memref<80x32xf32, #tpu.memory_space<vmem>>) offsets(%dma_start3A_220 : memref<80xi32, #tpu.memory_space<vmem>>) semaphore(%arg11 : memref<!tpu.dma_semaphore, #tpu.memory_space<semaphore_mem>>)
    %dma_start3A_224 = arith.constant 17 : i32
    %dma_start3A_225 = arith.constant 1360 : i32
    %dma_start3A_226 = arith.constant 0 : i32
    %dma_start3A_227 = tpu.memref_slice %arg7[%dma_start3A_225, %dma_start3A_226] : memref<1600x32xf32, #tpu.memory_space<vmem>> -> memref<80x32xf32, #tpu.memory_space<vmem>>
    %dma_start3A_228 = arith.constant 0 : i32
    %dma_start3A_229 = tpu.memref_slice %arg6[%dma_start3A_224, %dma_start3A_228] : memref<320x80xi32, #tpu.memory_space<vmem>> -> memref<1x80xi32, #tpu.memory_space<vmem>>
    %dma_start3A_230 = tpu.memref_squeeze %dma_start3A_229 : memref<1x80xi32, #tpu.memory_space<vmem>> -> memref<80xi32, #tpu.memory_space<vmem>>
    %dma_start3A_231 = arith.constant 0 : i32
    %dma_start3A_232 = arith.constant 0 : i32
    %dma_start3A_233 = tpu.memref_slice %arg3[%dma_start3A_231, %dma_start3A_232] : memref<1015808x32xf32, #tpu.memory_space<hbm>> -> memref<1015808x32xf32, #tpu.memory_space<hbm>>
    tpu.enqueue_indirect_dma source(%dma_start3A_233 : memref<1015808x32xf32, #tpu.memory_space<hbm>>) target(%dma_start3A_227 : memref<80x32xf32, #tpu.memory_space<vmem>>) offsets(%dma_start3A_230 : memref<80xi32, #tpu.memory_space<vmem>>) semaphore(%arg11 : memref<!tpu.dma_semaphore, #tpu.memory_space<semaphore_mem>>)
    %dma_start3A_234 = arith.constant 18 : i32
    %dma_start3A_235 = arith.constant 1440 : i32
    %dma_start3A_236 = arith.constant 0 : i32
    %dma_start3A_237 = tpu.memref_slice %arg7[%dma_start3A_235, %dma_start3A_236] : memref<1600x32xf32, #tpu.memory_space<vmem>> -> memref<80x32xf32, #tpu.memory_space<vmem>>
    %dma_start3A_238 = arith.constant 0 : i32
    %dma_start3A_239 = tpu.memref_slice %arg6[%dma_start3A_234, %dma_start3A_238] : memref<320x80xi32, #tpu.memory_space<vmem>> -> memref<1x80xi32, #tpu.memory_space<vmem>>
    %dma_start3A_240 = tpu.memref_squeeze %dma_start3A_239 : memref<1x80xi32, #tpu.memory_space<vmem>> -> memref<80xi32, #tpu.memory_space<vmem>>
    %dma_start3A_241 = arith.constant 0 : i32
    %dma_start3A_242 = arith.constant 0 : i32
    %dma_start3A_243 = tpu.memref_slice %arg3[%dma_start3A_241, %dma_start3A_242] : memref<1015808x32xf32, #tpu.memory_space<hbm>> -> memref<1015808x32xf32, #tpu.memory_space<hbm>>
    tpu.enqueue_indirect_dma source(%dma_start3A_243 : memref<1015808x32xf32, #tpu.memory_space<hbm>>) target(%dma_start3A_237 : memref<80x32xf32, #tpu.memory_space<vmem>>) offsets(%dma_start3A_240 : memref<80xi32, #tpu.memory_space<vmem>>) semaphore(%arg11 : memref<!tpu.dma_semaphore, #tpu.memory_space<semaphore_mem>>)
    %dma_start3A_244 = arith.constant 19 : i32
    %dma_start3A_245 = arith.constant 1520 : i32
    %dma_start3A_246 = arith.constant 0 : i32
    %dma_start3A_247 = tpu.memref_slice %arg7[%dma_start3A_245, %dma_start3A_246] : memref<1600x32xf32, #tpu.memory_space<vmem>> -> memref<80x32xf32, #tpu.memory_space<vmem>>
    %dma_start3A_248 = arith.constant 0 : i32
    %dma_start3A_249 = tpu.memref_slice %arg6[%dma_start3A_244, %dma_start3A_248] : memref<320x80xi32, #tpu.memory_space<vmem>> -> memref<1x80xi32, #tpu.memory_space<vmem>>
    %dma_start3A_250 = tpu.memref_squeeze %dma_start3A_249 : memref<1x80xi32, #tpu.memory_space<vmem>> -> memref<80xi32, #tpu.memory_space<vmem>>
    %dma_start3A_251 = arith.constant 0 : i32
    %dma_start3A_252 = arith.constant 0 : i32
    %dma_start3A_253 = tpu.memref_slice %arg3[%dma_start3A_251, %dma_start3A_252] : memref<1015808x32xf32, #tpu.memory_space<hbm>> -> memref<1015808x32xf32, #tpu.memory_space<hbm>>
    tpu.enqueue_indirect_dma source(%dma_start3A_253 : memref<1015808x32xf32, #tpu.memory_space<hbm>>) target(%dma_start3A_247 : memref<80x32xf32, #tpu.memory_space<vmem>>) offsets(%dma_start3A_250 : memref<80xi32, #tpu.memory_space<vmem>>) semaphore(%arg11 : memref<!tpu.dma_semaphore, #tpu.memory_space<semaphore_mem>>)
    %dma_start3A_254 = arith.constant 20 : i32
    %dma_start3A_255 = arith.constant 0 : i32
    %dma_start3A_256 = arith.constant 0 : i32
    %dma_start3A_257 = tpu.memref_slice %arg8[%dma_start3A_255, %dma_start3A_256] : memref<1600x32xf32, #tpu.memory_space<vmem>> -> memref<80x32xf32, #tpu.memory_space<vmem>>
    %dma_start3A_258 = arith.constant 0 : i32
    %dma_start3A_259 = tpu.memref_slice %arg6[%dma_start3A_254, %dma_start3A_258] : memref<320x80xi32, #tpu.memory_space<vmem>> -> memref<1x80xi32, #tpu.memory_space<vmem>>
    %dma_start3A_260 = tpu.memref_squeeze %dma_start3A_259 : memref<1x80xi32, #tpu.memory_space<vmem>> -> memref<80xi32, #tpu.memory_space<vmem>>
    %dma_start3A_261 = arith.constant 0 : i32
    %dma_start3A_262 = arith.constant 0 : i32
    %dma_start3A_263 = tpu.memref_slice %arg3[%dma_start3A_261, %dma_start3A_262] : memref<1015808x32xf32, #tpu.memory_space<hbm>> -> memref<1015808x32xf32, #tpu.memory_space<hbm>>
    tpu.enqueue_indirect_dma source(%dma_start3A_263 : memref<1015808x32xf32, #tpu.memory_space<hbm>>) target(%dma_start3A_257 : memref<80x32xf32, #tpu.memory_space<vmem>>) offsets(%dma_start3A_260 : memref<80xi32, #tpu.memory_space<vmem>>) semaphore(%arg12 : memref<!tpu.dma_semaphore, #tpu.memory_space<semaphore_mem>>)
    %dma_start3A_264 = arith.constant 21 : i32
    %dma_start3A_265 = arith.constant 80 : i32
    %dma_start3A_266 = arith.constant 0 : i32
    %dma_start3A_267 = tpu.memref_slice %arg8[%dma_start3A_265, %dma_start3A_266] : memref<1600x32xf32, #tpu.memory_space<vmem>> -> memref<80x32xf32, #tpu.memory_space<vmem>>
    %dma_start3A_268 = arith.constant 0 : i32
    %dma_start3A_269 = tpu.memref_slice %arg6[%dma_start3A_264, %dma_start3A_268] : memref<320x80xi32, #tpu.memory_space<vmem>> -> memref<1x80xi32, #tpu.memory_space<vmem>>
    %dma_start3A_270 = tpu.memref_squeeze %dma_start3A_269 : memref<1x80xi32, #tpu.memory_space<vmem>> -> memref<80xi32, #tpu.memory_space<vmem>>
    %dma_start3A_271 = arith.constant 0 : i32
    %dma_start3A_272 = arith.constant 0 : i32
    %dma_start3A_273 = tpu.memref_slice %arg3[%dma_start3A_271, %dma_start3A_272] : memref<1015808x32xf32, #tpu.memory_space<hbm>> -> memref<1015808x32xf32, #tpu.memory_space<hbm>>
    tpu.enqueue_indirect_dma source(%dma_start3A_273 : memref<1015808x32xf32, #tpu.memory_space<hbm>>) target(%dma_start3A_267 : memref<80x32xf32, #tpu.memory_space<vmem>>) offsets(%dma_start3A_270 : memref<80xi32, #tpu.memory_space<vmem>>) semaphore(%arg12 : memref<!tpu.dma_semaphore, #tpu.memory_space<semaphore_mem>>)
    %dma_start3A_274 = arith.constant 22 : i32
    %dma_start3A_275 = arith.constant 160 : i32
    %dma_start3A_276 = arith.constant 0 : i32
    %dma_start3A_277 = tpu.memref_slice %arg8[%dma_start3A_275, %dma_start3A_276] : memref<1600x32xf32, #tpu.memory_space<vmem>> -> memref<80x32xf32, #tpu.memory_space<vmem>>
    %dma_start3A_278 = arith.constant 0 : i32
    %dma_start3A_279 = tpu.memref_slice %arg6[%dma_start3A_274, %dma_start3A_278] : memref<320x80xi32, #tpu.memory_space<vmem>> -> memref<1x80xi32, #tpu.memory_space<vmem>>
    %dma_start3A_280 = tpu.memref_squeeze %dma_start3A_279 : memref<1x80xi32, #tpu.memory_space<vmem>> -> memref<80xi32, #tpu.memory_space<vmem>>
    %dma_start3A_281 = arith.constant 0 : i32
    %dma_start3A_282 = arith.constant 0 : i32
    %dma_start3A_283 = tpu.memref_slice %arg3[%dma_start3A_281, %dma_start3A_282] : memref<1015808x32xf32, #tpu.memory_space<hbm>> -> memref<1015808x32xf32, #tpu.memory_space<hbm>>
    tpu.enqueue_indirect_dma source(%dma_start3A_283 : memref<1015808x32xf32, #tpu.memory_space<hbm>>) target(%dma_start3A_277 : memref<80x32xf32, #tpu.memory_space<vmem>>) offsets(%dma_start3A_280 : memref<80xi32, #tpu.memory_space<vmem>>) semaphore(%arg12 : memref<!tpu.dma_semaphore, #tpu.memory_space<semaphore_mem>>)
    %dma_start3A_284 = arith.constant 23 : i32
    %dma_start3A_285 = arith.constant 240 : i32
    %dma_start3A_286 = arith.constant 0 : i32
    %dma_start3A_287 = tpu.memref_slice %arg8[%dma_start3A_285, %dma_start3A_286] : memref<1600x32xf32, #tpu.memory_space<vmem>> -> memref<80x32xf32, #tpu.memory_space<vmem>>
    %dma_start3A_288 = arith.constant 0 : i32
    %dma_start3A_289 = tpu.memref_slice %arg6[%dma_start3A_284, %dma_start3A_288] : memref<320x80xi32, #tpu.memory_space<vmem>> -> memref<1x80xi32, #tpu.memory_space<vmem>>
    %dma_start3A_290 = tpu.memref_squeeze %dma_start3A_289 : memref<1x80xi32, #tpu.memory_space<vmem>> -> memref<80xi32, #tpu.memory_space<vmem>>
    %dma_start3A_291 = arith.constant 0 : i32
    %dma_start3A_292 = arith.constant 0 : i32
    %dma_start3A_293 = tpu.memref_slice %arg3[%dma_start3A_291, %dma_start3A_292] : memref<1015808x32xf32, #tpu.memory_space<hbm>> -> memref<1015808x32xf32, #tpu.memory_space<hbm>>
    tpu.enqueue_indirect_dma source(%dma_start3A_293 : memref<1015808x32xf32, #tpu.memory_space<hbm>>) target(%dma_start3A_287 : memref<80x32xf32, #tpu.memory_space<vmem>>) offsets(%dma_start3A_290 : memref<80xi32, #tpu.memory_space<vmem>>) semaphore(%arg12 : memref<!tpu.dma_semaphore, #tpu.memory_space<semaphore_mem>>)
    %dma_start3A_294 = arith.constant 24 : i32
    %dma_start3A_295 = arith.constant 320 : i32
    %dma_start3A_296 = arith.constant 0 : i32
    %dma_start3A_297 = tpu.memref_slice %arg8[%dma_start3A_295, %dma_start3A_296] : memref<1600x32xf32, #tpu.memory_space<vmem>> -> memref<80x32xf32, #tpu.memory_space<vmem>>
    %dma_start3A_298 = arith.constant 0 : i32
    %dma_start3A_299 = tpu.memref_slice %arg6[%dma_start3A_294, %dma_start3A_298] : memref<320x80xi32, #tpu.memory_space<vmem>> -> memref<1x80xi32, #tpu.memory_space<vmem>>
    %dma_start3A_300 = tpu.memref_squeeze %dma_start3A_299 : memref<1x80xi32, #tpu.memory_space<vmem>> -> memref<80xi32, #tpu.memory_space<vmem>>
    %dma_start3A_301 = arith.constant 0 : i32
    %dma_start3A_302 = arith.constant 0 : i32
    %dma_start3A_303 = tpu.memref_slice %arg3[%dma_start3A_301, %dma_start3A_302] : memref<1015808x32xf32, #tpu.memory_space<hbm>> -> memref<1015808x32xf32, #tpu.memory_space<hbm>>
    tpu.enqueue_indirect_dma source(%dma_start3A_303 : memref<1015808x32xf32, #tpu.memory_space<hbm>>) target(%dma_start3A_297 : memref<80x32xf32, #tpu.memory_space<vmem>>) offsets(%dma_start3A_300 : memref<80xi32, #tpu.memory_space<vmem>>) semaphore(%arg12 : memref<!tpu.dma_semaphore, #tpu.memory_space<semaphore_mem>>)
    %dma_start3A_304 = arith.constant 25 : i32
    %dma_start3A_305 = arith.constant 400 : i32
    %dma_start3A_306 = arith.constant 0 : i32
    %dma_start3A_307 = tpu.memref_slice %arg8[%dma_start3A_305, %dma_start3A_306] : memref<1600x32xf32, #tpu.memory_space<vmem>> -> memref<80x32xf32, #tpu.memory_space<vmem>>
    %dma_start3A_308 = arith.constant 0 : i32
    %dma_start3A_309 = tpu.memref_slice %arg6[%dma_start3A_304, %dma_start3A_308] : memref<320x80xi32, #tpu.memory_space<vmem>> -> memref<1x80xi32, #tpu.memory_space<vmem>>
    %dma_start3A_310 = tpu.memref_squeeze %dma_start3A_309 : memref<1x80xi32, #tpu.memory_space<vmem>> -> memref<80xi32, #tpu.memory_space<vmem>>
    %dma_start3A_311 = arith.constant 0 : i32
    %dma_start3A_312 = arith.constant 0 : i32
    %dma_start3A_313 = tpu.memref_slice %arg3[%dma_start3A_311, %dma_start3A_312] : memref<1015808x32xf32, #tpu.memory_space<hbm>> -> memref<1015808x32xf32, #tpu.memory_space<hbm>>
    tpu.enqueue_indirect_dma source(%dma_start3A_313 : memref<1015808x32xf32, #tpu.memory_space<hbm>>) target(%dma_start3A_307 : memref<80x32xf32, #tpu.memory_space<vmem>>) offsets(%dma_start3A_310 : memref<80xi32, #tpu.memory_space<vmem>>) semaphore(%arg12 : memref<!tpu.dma_semaphore, #tpu.memory_space<semaphore_mem>>)
    %dma_start3A_314 = arith.constant 26 : i32
    %dma_start3A_315 = arith.constant 480 : i32
    %dma_start3A_316 = arith.constant 0 : i32
    %dma_start3A_317 = tpu.memref_slice %arg8[%dma_start3A_315, %dma_start3A_316] : memref<1600x32xf32, #tpu.memory_space<vmem>> -> memref<80x32xf32, #tpu.memory_space<vmem>>
    %dma_start3A_318 = arith.constant 0 : i32
    %dma_start3A_319 = tpu.memref_slice %arg6[%dma_start3A_314, %dma_start3A_318] : memref<320x80xi32, #tpu.memory_space<vmem>> -> memref<1x80xi32, #tpu.memory_space<vmem>>
    %dma_start3A_320 = tpu.memref_squeeze %dma_start3A_319 : memref<1x80xi32, #tpu.memory_space<vmem>> -> memref<80xi32, #tpu.memory_space<vmem>>
    %dma_start3A_321 = arith.constant 0 : i32
    %dma_start3A_322 = arith.constant 0 : i32
    %dma_start3A_323 = tpu.memref_slice %arg3[%dma_start3A_321, %dma_start3A_322] : memref<1015808x32xf32, #tpu.memory_space<hbm>> -> memref<1015808x32xf32, #tpu.memory_space<hbm>>
    tpu.enqueue_indirect_dma source(%dma_start3A_323 : memref<1015808x32xf32, #tpu.memory_space<hbm>>) target(%dma_start3A_317 : memref<80x32xf32, #tpu.memory_space<vmem>>) offsets(%dma_start3A_320 : memref<80xi32, #tpu.memory_space<vmem>>) semaphore(%arg12 : memref<!tpu.dma_semaphore, #tpu.memory_space<semaphore_mem>>)
    %dma_start3A_324 = arith.constant 27 : i32
    %dma_start3A_325 = arith.constant 560 : i32
    %dma_start3A_326 = arith.constant 0 : i32
    %dma_start3A_327 = tpu.memref_slice %arg8[%dma_start3A_325, %dma_start3A_326] : memref<1600x32xf32, #tpu.memory_space<vmem>> -> memref<80x32xf32, #tpu.memory_space<vmem>>
    %dma_start3A_328 = arith.constant 0 : i32
    %dma_start3A_329 = tpu.memref_slice %arg6[%dma_start3A_324, %dma_start3A_328] : memref<320x80xi32, #tpu.memory_space<vmem>> -> memref<1x80xi32, #tpu.memory_space<vmem>>
    %dma_start3A_330 = tpu.memref_squeeze %dma_start3A_329 : memref<1x80xi32, #tpu.memory_space<vmem>> -> memref<80xi32, #tpu.memory_space<vmem>>
    %dma_start3A_331 = arith.constant 0 : i32
    %dma_start3A_332 = arith.constant 0 : i32
    %dma_start3A_333 = tpu.memref_slice %arg3[%dma_start3A_331, %dma_start3A_332] : memref<1015808x32xf32, #tpu.memory_space<hbm>> -> memref<1015808x32xf32, #tpu.memory_space<hbm>>
    tpu.enqueue_indirect_dma source(%dma_start3A_333 : memref<1015808x32xf32, #tpu.memory_space<hbm>>) target(%dma_start3A_327 : memref<80x32xf32, #tpu.memory_space<vmem>>) offsets(%dma_start3A_330 : memref<80xi32, #tpu.memory_space<vmem>>) semaphore(%arg12 : memref<!tpu.dma_semaphore, #tpu.memory_space<semaphore_mem>>)
    %dma_start3A_334 = arith.constant 28 : i32
    %dma_start3A_335 = arith.constant 640 : i32
    %dma_start3A_336 = arith.constant 0 : i32
    %dma_start3A_337 = tpu.memref_slice %arg8[%dma_start3A_335, %dma_start3A_336] : memref<1600x32xf32, #tpu.memory_space<vmem>> -> memref<80x32xf32, #tpu.memory_space<vmem>>
    %dma_start3A_338 = arith.constant 0 : i32
    %dma_start3A_339 = tpu.memref_slice %arg6[%dma_start3A_334, %dma_start3A_338] : memref<320x80xi32, #tpu.memory_space<vmem>> -> memref<1x80xi32, #tpu.memory_space<vmem>>
    %dma_start3A_340 = tpu.memref_squeeze %dma_start3A_339 : memref<1x80xi32, #tpu.memory_space<vmem>> -> memref<80xi32, #tpu.memory_space<vmem>>
    %dma_start3A_341 = arith.constant 0 : i32
    %dma_start3A_342 = arith.constant 0 : i32
    %dma_start3A_343 = tpu.memref_slice %arg3[%dma_start3A_341, %dma_start3A_342] : memref<1015808x32xf32, #tpu.memory_space<hbm>> -> memref<1015808x32xf32, #tpu.memory_space<hbm>>
    tpu.enqueue_indirect_dma source(%dma_start3A_343 : memref<1015808x32xf32, #tpu.memory_space<hbm>>) target(%dma_start3A_337 : memref<80x32xf32, #tpu.memory_space<vmem>>) offsets(%dma_start3A_340 : memref<80xi32, #tpu.memory_space<vmem>>) semaphore(%arg12 : memref<!tpu.dma_semaphore, #tpu.memory_space<semaphore_mem>>)
    %dma_start3A_344 = arith.constant 29 : i32
    %dma_start3A_345 = arith.constant 720 : i32
    %dma_start3A_346 = arith.constant 0 : i32
    %dma_start3A_347 = tpu.memref_slice %arg8[%dma_start3A_345, %dma_start3A_346] : memref<1600x32xf32, #tpu.memory_space<vmem>> -> memref<80x32xf32, #tpu.memory_space<vmem>>
    %dma_start3A_348 = arith.constant 0 : i32
    %dma_start3A_349 = tpu.memref_slice %arg6[%dma_start3A_344, %dma_start3A_348] : memref<320x80xi32, #tpu.memory_space<vmem>> -> memref<1x80xi32, #tpu.memory_space<vmem>>
    %dma_start3A_350 = tpu.memref_squeeze %dma_start3A_349 : memref<1x80xi32, #tpu.memory_space<vmem>> -> memref<80xi32, #tpu.memory_space<vmem>>
    %dma_start3A_351 = arith.constant 0 : i32
    %dma_start3A_352 = arith.constant 0 : i32
    %dma_start3A_353 = tpu.memref_slice %arg3[%dma_start3A_351, %dma_start3A_352] : memref<1015808x32xf32, #tpu.memory_space<hbm>> -> memref<1015808x32xf32, #tpu.memory_space<hbm>>
    tpu.enqueue_indirect_dma source(%dma_start3A_353 : memref<1015808x32xf32, #tpu.memory_space<hbm>>) target(%dma_start3A_347 : memref<80x32xf32, #tpu.memory_space<vmem>>) offsets(%dma_start3A_350 : memref<80xi32, #tpu.memory_space<vmem>>) semaphore(%arg12 : memref<!tpu.dma_semaphore, #tpu.memory_space<semaphore_mem>>)
    %dma_start3A_354 = arith.constant 30 : i32
    %dma_start3A_355 = arith.constant 800 : i32
    %dma_start3A_356 = arith.constant 0 : i32
    %dma_start3A_357 = tpu.memref_slice %arg8[%dma_start3A_355, %dma_start3A_356] : memref<1600x32xf32, #tpu.memory_space<vmem>> -> memref<80x32xf32, #tpu.memory_space<vmem>>
    %dma_start3A_358 = arith.constant 0 : i32
    %dma_start3A_359 = tpu.memref_slice %arg6[%dma_start3A_354, %dma_start3A_358] : memref<320x80xi32, #tpu.memory_space<vmem>> -> memref<1x80xi32, #tpu.memory_space<vmem>>
    %dma_start3A_360 = tpu.memref_squeeze %dma_start3A_359 : memref<1x80xi32, #tpu.memory_space<vmem>> -> memref<80xi32, #tpu.memory_space<vmem>>
    %dma_start3A_361 = arith.constant 0 : i32
    %dma_start3A_362 = arith.constant 0 : i32
    %dma_start3A_363 = tpu.memref_slice %arg3[%dma_start3A_361, %dma_start3A_362] : memref<1015808x32xf32, #tpu.memory_space<hbm>> -> memref<1015808x32xf32, #tpu.memory_space<hbm>>
    tpu.enqueue_indirect_dma source(%dma_start3A_363 : memref<1015808x32xf32, #tpu.memory_space<hbm>>) target(%dma_start3A_357 : memref<80x32xf32, #tpu.memory_space<vmem>>) offsets(%dma_start3A_360 : memref<80xi32, #tpu.memory_space<vmem>>) semaphore(%arg12 : memref<!tpu.dma_semaphore, #tpu.memory_space<semaphore_mem>>)
    %dma_start3A_364 = arith.constant 31 : i32
    %dma_start3A_365 = arith.constant 880 : i32
    %dma_start3A_366 = arith.constant 0 : i32
    %dma_start3A_367 = tpu.memref_slice %arg8[%dma_start3A_365, %dma_start3A_366] : memref<1600x32xf32, #tpu.memory_space<vmem>> -> memref<80x32xf32, #tpu.memory_space<vmem>>
    %dma_start3A_368 = arith.constant 0 : i32
    %dma_start3A_369 = tpu.memref_slice %arg6[%dma_start3A_364, %dma_start3A_368] : memref<320x80xi32, #tpu.memory_space<vmem>> -> memref<1x80xi32, #tpu.memory_space<vmem>>
    %dma_start3A_370 = tpu.memref_squeeze %dma_start3A_369 : memref<1x80xi32, #tpu.memory_space<vmem>> -> memref<80xi32, #tpu.memory_space<vmem>>
    %dma_start3A_371 = arith.constant 0 : i32
    %dma_start3A_372 = arith.constant 0 : i32
    %dma_start3A_373 = tpu.memref_slice %arg3[%dma_start3A_371, %dma_start3A_372] : memref<1015808x32xf32, #tpu.memory_space<hbm>> -> memref<1015808x32xf32, #tpu.memory_space<hbm>>
    tpu.enqueue_indirect_dma source(%dma_start3A_373 : memref<1015808x32xf32, #tpu.memory_space<hbm>>) target(%dma_start3A_367 : memref<80x32xf32, #tpu.memory_space<vmem>>) offsets(%dma_start3A_370 : memref<80xi32, #tpu.memory_space<vmem>>) semaphore(%arg12 : memref<!tpu.dma_semaphore, #tpu.memory_space<semaphore_mem>>)
    %dma_start3A_374 = arith.constant 32 : i32
    %dma_start3A_375 = arith.constant 960 : i32
    %dma_start3A_376 = arith.constant 0 : i32
    %dma_start3A_377 = tpu.memref_slice %arg8[%dma_start3A_375, %dma_start3A_376] : memref<1600x32xf32, #tpu.memory_space<vmem>> -> memref<80x32xf32, #tpu.memory_space<vmem>>
    %dma_start3A_378 = arith.constant 0 : i32
    %dma_start3A_379 = tpu.memref_slice %arg6[%dma_start3A_374, %dma_start3A_378] : memref<320x80xi32, #tpu.memory_space<vmem>> -> memref<1x80xi32, #tpu.memory_space<vmem>>
    %dma_start3A_380 = tpu.memref_squeeze %dma_start3A_379 : memref<1x80xi32, #tpu.memory_space<vmem>> -> memref<80xi32, #tpu.memory_space<vmem>>
    %dma_start3A_381 = arith.constant 0 : i32
    %dma_start3A_382 = arith.constant 0 : i32
    %dma_start3A_383 = tpu.memref_slice %arg3[%dma_start3A_381, %dma_start3A_382] : memref<1015808x32xf32, #tpu.memory_space<hbm>> -> memref<1015808x32xf32, #tpu.memory_space<hbm>>
    tpu.enqueue_indirect_dma source(%dma_start3A_383 : memref<1015808x32xf32, #tpu.memory_space<hbm>>) target(%dma_start3A_377 : memref<80x32xf32, #tpu.memory_space<vmem>>) offsets(%dma_start3A_380 : memref<80xi32, #tpu.memory_space<vmem>>) semaphore(%arg12 : memref<!tpu.dma_semaphore, #tpu.memory_space<semaphore_mem>>)
    %dma_start3A_384 = arith.constant 33 : i32
    %dma_start3A_385 = arith.constant 1040 : i32
    %dma_start3A_386 = arith.constant 0 : i32
    %dma_start3A_387 = tpu.memref_slice %arg8[%dma_start3A_385, %dma_start3A_386] : memref<1600x32xf32, #tpu.memory_space<vmem>> -> memref<80x32xf32, #tpu.memory_space<vmem>>
    %dma_start3A_388 = arith.constant 0 : i32
    %dma_start3A_389 = tpu.memref_slice %arg6[%dma_start3A_384, %dma_start3A_388] : memref<320x80xi32, #tpu.memory_space<vmem>> -> memref<1x80xi32, #tpu.memory_space<vmem>>
    %dma_start3A_390 = tpu.memref_squeeze %dma_start3A_389 : memref<1x80xi32, #tpu.memory_space<vmem>> -> memref<80xi32, #tpu.memory_space<vmem>>
    %dma_start3A_391 = arith.constant 0 : i32
    %dma_start3A_392 = arith.constant 0 : i32
    %dma_start3A_393 = tpu.memref_slice %arg3[%dma_start3A_391, %dma_start3A_392] : memref<1015808x32xf32, #tpu.memory_space<hbm>> -> memref<1015808x32xf32, #tpu.memory_space<hbm>>
    tpu.enqueue_indirect_dma source(%dma_start3A_393 : memref<1015808x32xf32, #tpu.memory_space<hbm>>) target(%dma_start3A_387 : memref<80x32xf32, #tpu.memory_space<vmem>>) offsets(%dma_start3A_390 : memref<80xi32, #tpu.memory_space<vmem>>) semaphore(%arg12 : memref<!tpu.dma_semaphore, #tpu.memory_space<semaphore_mem>>)
    %dma_start3A_394 = arith.constant 34 : i32
    %dma_start3A_395 = arith.constant 1120 : i32
    %dma_start3A_396 = arith.constant 0 : i32
    %dma_start3A_397 = tpu.memref_slice %arg8[%dma_start3A_395, %dma_start3A_396] : memref<1600x32xf32, #tpu.memory_space<vmem>> -> memref<80x32xf32, #tpu.memory_space<vmem>>
    %dma_start3A_398 = arith.constant 0 : i32
    %dma_start3A_399 = tpu.memref_slice %arg6[%dma_start3A_394, %dma_start3A_398] : memref<320x80xi32, #tpu.memory_space<vmem>> -> memref<1x80xi32, #tpu.memory_space<vmem>>
    %dma_start3A_400 = tpu.memref_squeeze %dma_start3A_399 : memref<1x80xi32, #tpu.memory_space<vmem>> -> memref<80xi32, #tpu.memory_space<vmem>>
    %dma_start3A_401 = arith.constant 0 : i32
    %dma_start3A_402 = arith.constant 0 : i32
    %dma_start3A_403 = tpu.memref_slice %arg3[%dma_start3A_401, %dma_start3A_402] : memref<1015808x32xf32, #tpu.memory_space<hbm>> -> memref<1015808x32xf32, #tpu.memory_space<hbm>>
    tpu.enqueue_indirect_dma source(%dma_start3A_403 : memref<1015808x32xf32, #tpu.memory_space<hbm>>) target(%dma_start3A_397 : memref<80x32xf32, #tpu.memory_space<vmem>>) offsets(%dma_start3A_400 : memref<80xi32, #tpu.memory_space<vmem>>) semaphore(%arg12 : memref<!tpu.dma_semaphore, #tpu.memory_space<semaphore_mem>>)
    %dma_start3A_404 = arith.constant 35 : i32
    %dma_start3A_405 = arith.constant 1200 : i32
    %dma_start3A_406 = arith.constant 0 : i32
    %dma_start3A_407 = tpu.memref_slice %arg8[%dma_start3A_405, %dma_start3A_406] : memref<1600x32xf32, #tpu.memory_space<vmem>> -> memref<80x32xf32, #tpu.memory_space<vmem>>
    %dma_start3A_408 = arith.constant 0 : i32
    %dma_start3A_409 = tpu.memref_slice %arg6[%dma_start3A_404, %dma_start3A_408] : memref<320x80xi32, #tpu.memory_space<vmem>> -> memref<1x80xi32, #tpu.memory_space<vmem>>
    %dma_start3A_410 = tpu.memref_squeeze %dma_start3A_409 : memref<1x80xi32, #tpu.memory_space<vmem>> -> memref<80xi32, #tpu.memory_space<vmem>>
    %dma_start3A_411 = arith.constant 0 : i32
    %dma_start3A_412 = arith.constant 0 : i32
    %dma_start3A_413 = tpu.memref_slice %arg3[%dma_start3A_411, %dma_start3A_412] : memref<1015808x32xf32, #tpu.memory_space<hbm>> -> memref<1015808x32xf32, #tpu.memory_space<hbm>>
    tpu.enqueue_indirect_dma source(%dma_start3A_413 : memref<1015808x32xf32, #tpu.memory_space<hbm>>) target(%dma_start3A_407 : memref<80x32xf32, #tpu.memory_space<vmem>>) offsets(%dma_start3A_410 : memref<80xi32, #tpu.memory_space<vmem>>) semaphore(%arg12 : memref<!tpu.dma_semaphore, #tpu.memory_space<semaphore_mem>>)
    %dma_start3A_414 = arith.constant 36 : i32
    %dma_start3A_415 = arith.constant 1280 : i32
    %dma_start3A_416 = arith.constant 0 : i32
    %dma_start3A_417 = tpu.memref_slice %arg8[%dma_start3A_415, %dma_start3A_416] : memref<1600x32xf32, #tpu.memory_space<vmem>> -> memref<80x32xf32, #tpu.memory_space<vmem>>
    %dma_start3A_418 = arith.constant 0 : i32
    %dma_start3A_419 = tpu.memref_slice %arg6[%dma_start3A_414, %dma_start3A_418] : memref<320x80xi32, #tpu.memory_space<vmem>> -> memref<1x80xi32, #tpu.memory_space<vmem>>
    %dma_start3A_420 = tpu.memref_squeeze %dma_start3A_419 : memref<1x80xi32, #tpu.memory_space<vmem>> -> memref<80xi32, #tpu.memory_space<vmem>>
    %dma_start3A_421 = arith.constant 0 : i32
    %dma_start3A_422 = arith.constant 0 : i32
    %dma_start3A_423 = tpu.memref_slice %arg3[%dma_start3A_421, %dma_start3A_422] : memref<1015808x32xf32, #tpu.memory_space<hbm>> -> memref<1015808x32xf32, #tpu.memory_space<hbm>>
    tpu.enqueue_indirect_dma source(%dma_start3A_423 : memref<1015808x32xf32, #tpu.memory_space<hbm>>) target(%dma_start3A_417 : memref<80x32xf32, #tpu.memory_space<vmem>>) offsets(%dma_start3A_420 : memref<80xi32, #tpu.memory_space<vmem>>) semaphore(%arg12 : memref<!tpu.dma_semaphore, #tpu.memory_space<semaphore_mem>>)
    %dma_start3A_424 = arith.constant 37 : i32
    %dma_start3A_425 = arith.constant 1360 : i32
    %dma_start3A_426 = arith.constant 0 : i32
    %dma_start3A_427 = tpu.memref_slice %arg8[%dma_start3A_425, %dma_start3A_426] : memref<1600x32xf32, #tpu.memory_space<vmem>> -> memref<80x32xf32, #tpu.memory_space<vmem>>
    %dma_start3A_428 = arith.constant 0 : i32
    %dma_start3A_429 = tpu.memref_slice %arg6[%dma_start3A_424, %dma_start3A_428] : memref<320x80xi32, #tpu.memory_space<vmem>> -> memref<1x80xi32, #tpu.memory_space<vmem>>
    %dma_start3A_430 = tpu.memref_squeeze %dma_start3A_429 : memref<1x80xi32, #tpu.memory_space<vmem>> -> memref<80xi32, #tpu.memory_space<vmem>>
    %dma_start3A_431 = arith.constant 0 : i32
    %dma_start3A_432 = arith.constant 0 : i32
    %dma_start3A_433 = tpu.memref_slice %arg3[%dma_start3A_431, %dma_start3A_432] : memref<1015808x32xf32, #tpu.memory_space<hbm>> -> memref<1015808x32xf32, #tpu.memory_space<hbm>>
    tpu.enqueue_indirect_dma source(%dma_start3A_433 : memref<1015808x32xf32, #tpu.memory_space<hbm>>) target(%dma_start3A_427 : memref<80x32xf32, #tpu.memory_space<vmem>>) offsets(%dma_start3A_430 : memref<80xi32, #tpu.memory_space<vmem>>) semaphore(%arg12 : memref<!tpu.dma_semaphore, #tpu.memory_space<semaphore_mem>>)
    %dma_start3A_434 = arith.constant 38 : i32
    %dma_start3A_435 = arith.constant 1440 : i32
    %dma_start3A_436 = arith.constant 0 : i32
    %dma_start3A_437 = tpu.memref_slice %arg8[%dma_start3A_435, %dma_start3A_436] : memref<1600x32xf32, #tpu.memory_space<vmem>> -> memref<80x32xf32, #tpu.memory_space<vmem>>
    %dma_start3A_438 = arith.constant 0 : i32
    %dma_start3A_439 = tpu.memref_slice %arg6[%dma_start3A_434, %dma_start3A_438] : memref<320x80xi32, #tpu.memory_space<vmem>> -> memref<1x80xi32, #tpu.memory_space<vmem>>
    %dma_start3A_440 = tpu.memref_squeeze %dma_start3A_439 : memref<1x80xi32, #tpu.memory_space<vmem>> -> memref<80xi32, #tpu.memory_space<vmem>>
    %dma_start3A_441 = arith.constant 0 : i32
    %dma_start3A_442 = arith.constant 0 : i32
    %dma_start3A_443 = tpu.memref_slice %arg3[%dma_start3A_441, %dma_start3A_442] : memref<1015808x32xf32, #tpu.memory_space<hbm>> -> memref<1015808x32xf32, #tpu.memory_space<hbm>>
    tpu.enqueue_indirect_dma source(%dma_start3A_443 : memref<1015808x32xf32, #tpu.memory_space<hbm>>) target(%dma_start3A_437 : memref<80x32xf32, #tpu.memory_space<vmem>>) offsets(%dma_start3A_440 : memref<80xi32, #tpu.memory_space<vmem>>) semaphore(%arg12 : memref<!tpu.dma_semaphore, #tpu.memory_space<semaphore_mem>>)
    %dma_start3A_444 = arith.constant 39 : i32
    %dma_start3A_445 = arith.constant 1520 : i32
    %dma_start3A_446 = arith.constant 0 : i32
    %dma_start3A_447 = tpu.memref_slice %arg8[%dma_start3A_445, %dma_start3A_446] : memref<1600x32xf32, #tpu.memory_space<vmem>> -> memref<80x32xf32, #tpu.memory_space<vmem>>
    %dma_start3A_448 = arith.constant 0 : i32
    %dma_start3A_449 = tpu.memref_slice %arg6[%dma_start3A_444, %dma_start3A_448] : memref<320x80xi32, #tpu.memory_space<vmem>> -> memref<1x80xi32, #tpu.memory_space<vmem>>
    %dma_start3A_450 = tpu.memref_squeeze %dma_start3A_449 : memref<1x80xi32, #tpu.memory_space<vmem>> -> memref<80xi32, #tpu.memory_space<vmem>>
    %dma_start3A_451 = arith.constant 0 : i32
    %dma_start3A_452 = arith.constant 0 : i32
    %dma_start3A_453 = tpu.memref_slice %arg3[%dma_start3A_451, %dma_start3A_452] : memref<1015808x32xf32, #tpu.memory_space<hbm>> -> memref<1015808x32xf32, #tpu.memory_space<hbm>>
    tpu.enqueue_indirect_dma source(%dma_start3A_453 : memref<1015808x32xf32, #tpu.memory_space<hbm>>) target(%dma_start3A_447 : memref<80x32xf32, #tpu.memory_space<vmem>>) offsets(%dma_start3A_450 : memref<80xi32, #tpu.memory_space<vmem>>) semaphore(%arg12 : memref<!tpu.dma_semaphore, #tpu.memory_space<semaphore_mem>>)
    %scan3A_454 = arith.constant 0 : i32
    %scan3A_455 = arith.constant 0 : i32
    %scan3A_456 = arith.constant 8 : i32
    %scan3A_457 = arith.addi %scan3A_455, %scan3A_456 : i32
    %scan3A_458 = arith.constant 1 : i32
    %scan3A_459 = scf.for %scan3A_463 = %scan3A_455 to %scan3A_457 step %scan3A_458 iter_args(%scan3A_464 = %scan3A_454) -> (i32)  : i32 {
      %mul3A_465 = arith.constant 2 : i32
      %mul3A_466 = arith.muli %mul3A_465, %scan3A_463 : i32
      %add3A_467 = arith.constant 0 : i32
      %add3A_468 = arith.addi %mul3A_466, %add3A_467 : i32
      %dma_wait3A = arith.constant 0 : i32
      %dma_wait3A_469 = arith.constant 0 : i32
      %dma_wait3A_470 = tpu.memref_slice %arg3[%dma_wait3A, %dma_wait3A_469] : memref<1015808x32xf32, #tpu.memory_space<hbm>> -> memref<1600x32xf32, #tpu.memory_space<hbm>>
      %dma_wait3A_471 = arith.constant 0 : i32
      %dma_wait3A_472 = arith.constant 0 : i32
      %dma_wait3A_473 = tpu.memref_slice %arg3[%dma_wait3A_471, %dma_wait3A_472] : memref<1015808x32xf32, #tpu.memory_space<hbm>> -> memref<1600x32xf32, #tpu.memory_space<hbm>>
      tpu.wait_dma2 semaphore(%arg11 : memref<!tpu.dma_semaphore, #tpu.memory_space<semaphore_mem>>) src(%dma_wait3A_473 : memref<1600x32xf32, #tpu.memory_space<hbm>>) dst(%arg7 : memref<1600x32xf32, #tpu.memory_space<vmem>>)
      %scan3A_474 = arith.constant 0 : i32
      %scan3A_475 = arith.constant 0 : i32
      %scan3A_476 = arith.constant 8 : i32
      %scan3A_477 = arith.addi %scan3A_475, %scan3A_476 : i32
      %scan3A_478 = arith.constant 1 : i32
      %scan3A_479 = scf.for %scan3A_510 = %scan3A_475 to %scan3A_477 step %scan3A_478 iter_args(%scan3A_511 = %scan3A_474) -> (i32)  : i32 {
        %mul3A_512 = arith.constant 200 : i32
        %mul3A_513 = arith.muli %scan3A_510, %mul3A_512 : i32
        %broadcast_in_dim3A_514 = arith.constant 0.000000e+00 : f32
        %broadcast_in_dim3A_515 = vector.broadcast %broadcast_in_dim3A_514 : f32 to vector<16xf32>
        %scan3A_516 = arith.constant 0 : i32
        %scan3A_517 = arith.constant 25 : i32
        %scan3A_518 = arith.addi %scan3A_516, %scan3A_517 : i32
        %scan3A_519 = arith.constant 1 : i32
        %scan3A_520:4 = scf.for %scan3A_599 = %scan3A_516 to %scan3A_518 step %scan3A_519 iter_args(%scan3A_600 = %broadcast_in_dim3A_515, %scan3A_601 = %broadcast_in_dim3A_515, %scan3A_602 = %broadcast_in_dim3A_515, %scan3A_603 = %broadcast_in_dim3A_515) -> (vector<16xf32>, vector<16xf32>, vector<16xf32>, vector<16xf32>)  : i32 {
          %mul3A_604 = arith.constant 8 : i32
          %mul3A_605 = arith.muli %scan3A_599, %mul3A_604 : i32
          %add3A_606 = arith.addi %mul3A_513, %mul3A_605 : i32
          %add3A_607 = arith.constant 0 : i32
          %add3A_608 = arith.addi %add3A_606, %add3A_607 : i32
          %get3A_609 = arith.index_cast %add3A_608 : i32 to index
          %get3A_610 = arith.constant 0 : index
          %get3A_611 = tpu.vector_load %arg7[%get3A_609, %get3A_610] {strides = array<i32>} : memref<1600x32xf32, #tpu.memory_space<vmem>>, vector<16xf32>,
          %add3A_612 = arith.constant 0 : i32
          %add3A_613 = arith.addi %add3A_606, %add3A_612 : i32
          %get3A_614 = arith.index_cast %add3A_613 : i32 to index
          %get3A_615 = arith.constant 16 : index
          %get3A_616 = tpu.vector_load %arg7[%get3A_614, %get3A_615] {strides = array<i32>} : memref<1600x32xf32, #tpu.memory_space<vmem>>, vector<16xf32>,
          %add3A_617 = arith.addf %scan3A_600, %get3A_611 : vector<16xf32>
          %add3A_618 = arith.addf %scan3A_601, %get3A_616 : vector<16xf32>
          %add3A_619 = arith.constant 1 : i32
          %add3A_620 = arith.addi %add3A_606, %add3A_619 : i32
          %get3A_621 = arith.index_cast %add3A_620 : i32 to index
          %get3A_622 = arith.constant 0 : index
          %get3A_623 = tpu.vector_load %arg7[%get3A_621, %get3A_622] {strides = array<i32>} : memref<1600x32xf32, #tpu.memory_space<vmem>>, vector<16xf32>,
          %add3A_624 = arith.constant 1 : i32
          %add3A_625 = arith.addi %add3A_606, %add3A_624 : i32
          %get3A_626 = arith.index_cast %add3A_625 : i32 to index
          %get3A_627 = arith.constant 16 : index
          %get3A_628 = tpu.vector_load %arg7[%get3A_626, %get3A_627] {strides = array<i32>} : memref<1600x32xf32, #tpu.memory_space<vmem>>, vector<16xf32>,
          %add3A_629 = arith.addf %scan3A_602, %get3A_623 : vector<16xf32>
          %add3A_630 = arith.addf %scan3A_603, %get3A_628 : vector<16xf32>
          %add3A_631 = arith.constant 2 : i32
          %add3A_632 = arith.addi %add3A_606, %add3A_631 : i32
          %get3A_633 = arith.index_cast %add3A_632 : i32 to index
          %get3A_634 = arith.constant 0 : index
          %get3A_635 = tpu.vector_load %arg7[%get3A_633, %get3A_634] {strides = array<i32>} : memref<1600x32xf32, #tpu.memory_space<vmem>>, vector<16xf32>,
          %add3A_636 = arith.constant 2 : i32
          %add3A_637 = arith.addi %add3A_606, %add3A_636 : i32
          %get3A_638 = arith.index_cast %add3A_637 : i32 to index
          %get3A_639 = arith.constant 16 : index
          %get3A_640 = tpu.vector_load %arg7[%get3A_638, %get3A_639] {strides = array<i32>} : memref<1600x32xf32, #tpu.memory_space<vmem>>, vector<16xf32>,
          %add3A_641 = arith.addf %add3A_617, %get3A_635 : vector<16xf32>
          %add3A_642 = arith.addf %add3A_618, %get3A_640 : vector<16xf32>
          %add3A_643 = arith.constant 3 : i32
          %add3A_644 = arith.addi %add3A_606, %add3A_643 : i32
          %get3A_645 = arith.index_cast %add3A_644 : i32 to index
          %get3A_646 = arith.constant 0 : index
          %get3A_647 = tpu.vector_load %arg7[%get3A_645, %get3A_646] {strides = array<i32>} : memref<1600x32xf32, #tpu.memory_space<vmem>>, vector<16xf32>,
          %add3A_648 = arith.constant 3 : i32
          %add3A_649 = arith.addi %add3A_606, %add3A_648 : i32
          %get3A_650 = arith.index_cast %add3A_649 : i32 to index
          %get3A_651 = arith.constant 16 : index
          %get3A_652 = tpu.vector_load %arg7[%get3A_650, %get3A_651] {strides = array<i32>} : memref<1600x32xf32, #tpu.memory_space<vmem>>, vector<16xf32>,
          %add3A_653 = arith.addf %add3A_629, %get3A_647 : vector<16xf32>
          %add3A_654 = arith.addf %add3A_630, %get3A_652 : vector<16xf32>
          %add3A_655 = arith.constant 4 : i32
          %add3A_656 = arith.addi %add3A_606, %add3A_655 : i32
          %get3A_657 = arith.index_cast %add3A_656 : i32 to index
          %get3A_658 = arith.constant 0 : index
          %get3A_659 = tpu.vector_load %arg7[%get3A_657, %get3A_658] {strides = array<i32>} : memref<1600x32xf32, #tpu.memory_space<vmem>>, vector<16xf32>,
          %add3A_660 = arith.constant 4 : i32
          %add3A_661 = arith.addi %add3A_606, %add3A_660 : i32
          %get3A_662 = arith.index_cast %add3A_661 : i32 to index
          %get3A_663 = arith.constant 16 : index
          %get3A_664 = tpu.vector_load %arg7[%get3A_662, %get3A_663] {strides = array<i32>} : memref<1600x32xf32, #tpu.memory_space<vmem>>, vector<16xf32>,
          %add3A_665 = arith.addf %add3A_641, %get3A_659 : vector<16xf32>
          %add3A_666 = arith.addf %add3A_642, %get3A_664 : vector<16xf32>
          %add3A_667 = arith.constant 5 : i32
          %add3A_668 = arith.addi %add3A_606, %add3A_667 : i32
          %get3A_669 = arith.index_cast %add3A_668 : i32 to index
          %get3A_670 = arith.constant 0 : index
          %get3A_671 = tpu.vector_load %arg7[%get3A_669, %get3A_670] {strides = array<i32>} : memref<1600x32xf32, #tpu.memory_space<vmem>>, vector<16xf32>,
          %add3A_672 = arith.constant 5 : i32
          %add3A_673 = arith.addi %add3A_606, %add3A_672 : i32
          %get3A_674 = arith.index_cast %add3A_673 : i32 to index
          %get3A_675 = arith.constant 16 : index
          %get3A_676 = tpu.vector_load %arg7[%get3A_674, %get3A_675] {strides = array<i32>} : memref<1600x32xf32, #tpu.memory_space<vmem>>, vector<16xf32>,
          %add3A_677 = arith.addf %add3A_653, %get3A_671 : vector<16xf32>
          %add3A_678 = arith.addf %add3A_654, %get3A_676 : vector<16xf32>
          %add3A_679 = arith.constant 6 : i32
          %add3A_680 = arith.addi %add3A_606, %add3A_679 : i32
          %get3A_681 = arith.index_cast %add3A_680 : i32 to index
          %get3A_682 = arith.constant 0 : index
          %get3A_683 = tpu.vector_load %arg7[%get3A_681, %get3A_682] {strides = array<i32>} : memref<1600x32xf32, #tpu.memory_space<vmem>>, vector<16xf32>,
          %add3A_684 = arith.constant 6 : i32
          %add3A_685 = arith.addi %add3A_606, %add3A_684 : i32
          %get3A_686 = arith.index_cast %add3A_685 : i32 to index
          %get3A_687 = arith.constant 16 : index
          %get3A_688 = tpu.vector_load %arg7[%get3A_686, %get3A_687] {strides = array<i32>} : memref<1600x32xf32, #tpu.memory_space<vmem>>, vector<16xf32>,
          %add3A_689 = arith.addf %add3A_665, %get3A_683 : vector<16xf32>
          %add3A_690 = arith.addf %add3A_666, %get3A_688 : vector<16xf32>
          %add3A_691 = arith.constant 7 : i32
          %add3A_692 = arith.addi %add3A_606, %add3A_691 : i32
          %get3A_693 = arith.index_cast %add3A_692 : i32 to index
          %get3A_694 = arith.constant 0 : index
          %get3A_695 = tpu.vector_load %arg7[%get3A_693, %get3A_694] {strides = array<i32>} : memref<1600x32xf32, #tpu.memory_space<vmem>>, vector<16xf32>,
          %add3A_696 = arith.constant 7 : i32
          %add3A_697 = arith.addi %add3A_606, %add3A_696 : i32
          %get3A_698 = arith.index_cast %add3A_697 : i32 to index
          %get3A_699 = arith.constant 16 : index
          %get3A_700 = tpu.vector_load %arg7[%get3A_698, %get3A_699] {strides = array<i32>} : memref<1600x32xf32, #tpu.memory_space<vmem>>, vector<16xf32>,
          %add3A_701 = arith.addf %add3A_677, %get3A_695 : vector<16xf32>
          %add3A_702 = arith.addf %add3A_678, %get3A_700 : vector<16xf32>
          scf.yield %add3A_689, %add3A_690, %add3A_701, %add3A_702 : vector<16xf32>, vector<16xf32>, vector<16xf32>, vector<16xf32>
        }
        %scan3A_521 = arith.constant 25 : i32
        %add3A_522 = arith.addf %scan3A_520#0, %scan3A_520#2 : vector<16xf32>
        %add3A_523 = arith.addf %scan3A_520#1, %scan3A_520#3 : vector<16xf32>
        %mul3A_524 = arith.constant 5.000000e-03 : f32
        %mul3A_525 = vector.broadcast %mul3A_524 : f32 to vector<16xf32>
        %mul3A_526 = arith.mulf %add3A_522, %mul3A_525 : vector<16xf32>
        %bitcast3A_527 = vector.bitcast %mul3A_526 : vector<16xf32> to vector<16xi32>
        %add3A_528 = arith.constant 32767 : i32
        %add3A_529 = vector.broadcast %add3A_528 : i32 to vector<16xi32>
        %add3A_530 = arith.addi %bitcast3A_527, %add3A_529 : vector<16xi32>
        %shift_right_logical3A_531 = arith.constant 16 : i32
        %shift_right_logical3A_532 = vector.broadcast %shift_right_logical3A_531 : i32 to vector<16xi32>
        %shift_right_logical3A_533 = arith.shrui %bitcast3A_527, %shift_right_logical3A_532 : vector<16xi32>
        %and3A_534 = arith.constant 1 : i32
        %and3A_535 = vector.broadcast %and3A_534 : i32 to vector<16xi32>
        %and3A_536 = arith.andi %shift_right_logical3A_533, %and3A_535 : vector<16xi32>
        %add3A_537 = arith.addi %add3A_530, %and3A_536 : vector<16xi32>
        %and3A_538 = arith.constant -65536 : i32
        %and3A_539 = vector.broadcast %and3A_538 : i32 to vector<16xi32>
        %and3A_540 = arith.andi %add3A_537, %and3A_539 : vector<16xi32>
        %bitcast3A_541 = vector.bitcast %and3A_540 : vector<16xi32> to vector<16xf32>
        %mul3A_542 = arith.constant 5.000000e-03 : f32
        %mul3A_543 = vector.broadcast %mul3A_542 : f32 to vector<16xf32>
        %mul3A_544 = arith.mulf %add3A_523, %mul3A_543 : vector<16xf32>
        %bitcast3A_545 = vector.bitcast %mul3A_544 : vector<16xf32> to vector<16xi32>
        %add3A_546 = arith.constant 32767 : i32
        %add3A_547 = vector.broadcast %add3A_546 : i32 to vector<16xi32>
        %add3A_548 = arith.addi %bitcast3A_545, %add3A_547 : vector<16xi32>
        %shift_right_logical3A_549 = arith.constant 16 : i32
        %shift_right_logical3A_550 = vector.broadcast %shift_right_logical3A_549 : i32 to vector<16xi32>
        %shift_right_logical3A_551 = arith.shrui %bitcast3A_545, %shift_right_logical3A_550 : vector<16xi32>
        %and3A_552 = arith.constant 1 : i32
        %and3A_553 = vector.broadcast %and3A_552 : i32 to vector<16xi32>
        %and3A_554 = arith.andi %shift_right_logical3A_551, %and3A_553 : vector<16xi32>
        %add3A_555 = arith.addi %add3A_548, %and3A_554 : vector<16xi32>
        %and3A_556 = arith.constant -65536 : i32
        %and3A_557 = vector.broadcast %and3A_556 : i32 to vector<16xi32>
        %and3A_558 = arith.andi %add3A_555, %and3A_557 : vector<16xi32>
        %bitcast3A_559 = vector.bitcast %and3A_558 : vector<16xi32> to vector<16xf32>
        %mul3A_560 = arith.mulf %bitcast3A_541, %bitcast3A_19 : vector<16xf32>
        %mul3A_561 = arith.mulf %bitcast3A_559, %bitcast3A_36 : vector<16xf32>
        %add3A_562 = arith.addf %mul3A_560, %mul3A_561 : vector<16xf32>
        %reduce_sum3A = arith.constant true
        %reduce_sum3A_563 = vector.broadcast %reduce_sum3A : i1 to vector<16xi1>
        %reduce_sum3A_564 = tpu.scan <sum>, %add3A_562 masked %reduce_sum3A_563 : vector<16xf32>, vector<16xi1> -> vector<16xf32>
        %reduce_sum3A_565 = vector.extract %reduce_sum3A_564[15] : f32 from vector<16xf32>
        %add3A_566 = arith.addf %reduce_sum3A_565, %squeeze3A : f32
        %max3A = arith.constant 0.000000e+00 : f32
        %max3A_567 = arith.maximumf %add3A_566, %max3A : f32
        %mul3A_568 = arith.constant 8 : i32
        %mul3A_569 = arith.muli %add3A_468, %mul3A_568 : i32
        %add3A_570 = arith.addi %mul3A_569, %scan3A_510 : i32
        %jit3A = arith.constant 16 : i32
        %div3A = arith.divsi %add3A_570, %jit3A : i32
        %sign3A = arith.constant 0 : i32
        %sign3A_571 = arith.cmpi sgt, %add3A_570, %sign3A : i32
        %sign3A_572 = arith.extui %sign3A_571 : i1 to i32
        %sign3A_573 = arith.constant 0 : i32
        %sign3A_574 = arith.cmpi slt, %add3A_570, %sign3A_573 : i32
        %sign3A_575 = arith.extui %sign3A_574 : i1 to i32
        %sign3A_576 = arith.subi %sign3A_572, %sign3A_575 : i32
        %sign3A_577 = arith.constant 0 : i32
        %sign3A_578 = arith.cmpi sgt, %jit3A, %sign3A_577 : i32
        %sign3A_579 = arith.extui %sign3A_578 : i1 to i32
        %sign3A_580 = arith.constant 0 : i32
        %sign3A_581 = arith.cmpi slt, %jit3A, %sign3A_580 : i32
        %sign3A_582 = arith.extui %sign3A_581 : i1 to i32
        %sign3A_583 = arith.subi %sign3A_579, %sign3A_582 : i32
        %ne3A = arith.cmpi ne, %sign3A_576, %sign3A_583 : i32
        %rem3A = arith.remsi %add3A_570, %jit3A : i32
        %ne3A_584 = arith.constant 0 : i32
        %ne3A_585 = arith.cmpi ne, %rem3A, %ne3A_584 : i32
        %and3A_586 = arith.andi %ne3A, %ne3A_585 : i1
        %sub3A = arith.constant 1 : i32
        %sub3A_587 = arith.subi %div3A, %sub3A : i32
        %select_n3A = arith.select %and3A_586, %sub3A_587, %div3A : i32
        %mul3A_588 = arith.constant 16 : i32
        %mul3A_589 = arith.muli %select_n3A, %mul3A_588 : i32
        %sub3A_590 = arith.subi %add3A_570, %mul3A_589 : i32
        %eq3A = vector.broadcast %sub3A_590 : i32 to vector<16xi32>
        %eq3A_591 = arith.cmpi eq, %iota3A, %eq3A : vector<16xi32>
        %jit3A_592 = arith.constant 0.000000e+00 : f32
        %broadcast_in_dim3A_593 = vector.broadcast %max3A_567 : f32 to vector<16xf32>
        %broadcast_in_dim3A_594 = vector.broadcast %jit3A_592 : f32 to vector<16xf32>
        %select_n3A_595 = arith.select %eq3A_591, %broadcast_in_dim3A_593, %broadcast_in_dim3A_594 : vector<16xi1>, vector<16xf32>
        %swap3A_596 = arith.index_cast %mul3A_589 : i32 to index
        %swap3A_597 = tpu.vector_load %arg10[%swap3A_596] {strides = array<i32>} : memref<128xf32, #tpu.memory_space<vmem>>, vector<16xf32>,
        tpu.vector_store %arg10[%swap3A_596], %select_n3A_595 {add = true, strides = array<i32>} : memref<128xf32, #tpu.memory_space<vmem>>, vector<16xf32>,
        %scan3A_598 = arith.constant 0 : i32
        scf.yield %scan3A_598 : i32
      }
      %scan3A_480 = arith.constant 8 : i32
      %add3A_481 = arith.constant 2 : i32
      %add3A_482 = arith.addi %add3A_468, %add3A_481 : i32
      %lt3A = arith.constant 16 : i32
      %lt3A_483 = arith.cmpi slt, %add3A_482, %lt3A : i32
      %convert_element_type3A = arith.extui %lt3A_483 : i1 to i32
      %cond3A = arith.constant 0 : i32
      %cond3A_484 = arith.cmpi ne, %convert_element_type3A, %cond3A : i32
      scf.if %cond3A_484 {
        %add3A_510 = arith.constant 2 : i32
        %add3A_511 = arith.addi %add3A_468, %add3A_510 : i32
        %mul3A_512 = arith.constant 20 : i32
        %mul3A_513 = arith.muli %add3A_511, %mul3A_512 : i32
        %add3A_514 = arith.constant 0 : i32
        %add3A_515 = arith.addi %mul3A_513, %add3A_514 : i32
        %dma_start3A_516 = arith.constant 0 : i32
        %dma_start3A_517 = arith.constant 0 : i32
        %dma_start3A_518 = tpu.memref_slice %arg7[%dma_start3A_516, %dma_start3A_517] : memref<1600x32xf32, #tpu.memory_space<vmem>> -> memref<80x32xf32, #tpu.memory_space<vmem>>
        %dma_start3A_519 = arith.constant 0 : i32
        %dma_start3A_520 = tpu.memref_slice %arg6[%add3A_515, %dma_start3A_519] : memref<320x80xi32, #tpu.memory_space<vmem>> -> memref<1x80xi32, #tpu.memory_space<vmem>>
        %dma_start3A_521 = tpu.memref_squeeze %dma_start3A_520 : memref<1x80xi32, #tpu.memory_space<vmem>> -> memref<80xi32, #tpu.memory_space<vmem>>
        %dma_start3A_522 = arith.constant 0 : i32
        %dma_start3A_523 = arith.constant 0 : i32
        %dma_start3A_524 = tpu.memref_slice %arg3[%dma_start3A_522, %dma_start3A_523] : memref<1015808x32xf32, #tpu.memory_space<hbm>> -> memref<1015808x32xf32, #tpu.memory_space<hbm>>
        tpu.enqueue_indirect_dma source(%dma_start3A_524 : memref<1015808x32xf32, #tpu.memory_space<hbm>>) target(%dma_start3A_518 : memref<80x32xf32, #tpu.memory_space<vmem>>) offsets(%dma_start3A_521 : memref<80xi32, #tpu.memory_space<vmem>>) semaphore(%arg11 : memref<!tpu.dma_semaphore, #tpu.memory_space<semaphore_mem>>)
        %mul3A_525 = arith.constant 20 : i32
        %mul3A_526 = arith.muli %add3A_511, %mul3A_525 : i32
        %add3A_527 = arith.constant 1 : i32
        %add3A_528 = arith.addi %mul3A_526, %add3A_527 : i32
        %dma_start3A_529 = arith.constant 80 : i32
        %dma_start3A_530 = arith.constant 0 : i32
        %dma_start3A_531 = tpu.memref_slice %arg7[%dma_start3A_529, %dma_start3A_530] : memref<1600x32xf32, #tpu.memory_space<vmem>> -> memref<80x32xf32, #tpu.memory_space<vmem>>
        %dma_start3A_532 = arith.constant 0 : i32
        %dma_start3A_533 = tpu.memref_slice %arg6[%add3A_528, %dma_start3A_532] : memref<320x80xi32, #tpu.memory_space<vmem>> -> memref<1x80xi32, #tpu.memory_space<vmem>>
        %dma_start3A_534 = tpu.memref_squeeze %dma_start3A_533 : memref<1x80xi32, #tpu.memory_space<vmem>> -> memref<80xi32, #tpu.memory_space<vmem>>
        %dma_start3A_535 = arith.constant 0 : i32
        %dma_start3A_536 = arith.constant 0 : i32
        %dma_start3A_537 = tpu.memref_slice %arg3[%dma_start3A_535, %dma_start3A_536] : memref<1015808x32xf32, #tpu.memory_space<hbm>> -> memref<1015808x32xf32, #tpu.memory_space<hbm>>
        tpu.enqueue_indirect_dma source(%dma_start3A_537 : memref<1015808x32xf32, #tpu.memory_space<hbm>>) target(%dma_start3A_531 : memref<80x32xf32, #tpu.memory_space<vmem>>) offsets(%dma_start3A_534 : memref<80xi32, #tpu.memory_space<vmem>>) semaphore(%arg11 : memref<!tpu.dma_semaphore, #tpu.memory_space<semaphore_mem>>)
        %mul3A_538 = arith.constant 20 : i32
        %mul3A_539 = arith.muli %add3A_511, %mul3A_538 : i32
        %add3A_540 = arith.constant 2 : i32
        %add3A_541 = arith.addi %mul3A_539, %add3A_540 : i32
        %dma_start3A_542 = arith.constant 160 : i32
        %dma_start3A_543 = arith.constant 0 : i32
        %dma_start3A_544 = tpu.memref_slice %arg7[%dma_start3A_542, %dma_start3A_543] : memref<1600x32xf32, #tpu.memory_space<vmem>> -> memref<80x32xf32, #tpu.memory_space<vmem>>
        %dma_start3A_545 = arith.constant 0 : i32
        %dma_start3A_546 = tpu.memref_slice %arg6[%add3A_541, %dma_start3A_545] : memref<320x80xi32, #tpu.memory_space<vmem>> -> memref<1x80xi32, #tpu.memory_space<vmem>>
        %dma_start3A_547 = tpu.memref_squeeze %dma_start3A_546 : memref<1x80xi32, #tpu.memory_space<vmem>> -> memref<80xi32, #tpu.memory_space<vmem>>
        %dma_start3A_548 = arith.constant 0 : i32
        %dma_start3A_549 = arith.constant 0 : i32
        %dma_start3A_550 = tpu.memref_slice %arg3[%dma_start3A_548, %dma_start3A_549] : memref<1015808x32xf32, #tpu.memory_space<hbm>> -> memref<1015808x32xf32, #tpu.memory_space<hbm>>
        tpu.enqueue_indirect_dma source(%dma_start3A_550 : memref<1015808x32xf32, #tpu.memory_space<hbm>>) target(%dma_start3A_544 : memref<80x32xf32, #tpu.memory_space<vmem>>) offsets(%dma_start3A_547 : memref<80xi32, #tpu.memory_space<vmem>>) semaphore(%arg11 : memref<!tpu.dma_semaphore, #tpu.memory_space<semaphore_mem>>)
        %mul3A_551 = arith.constant 20 : i32
        %mul3A_552 = arith.muli %add3A_511, %mul3A_551 : i32
        %add3A_553 = arith.constant 3 : i32
        %add3A_554 = arith.addi %mul3A_552, %add3A_553 : i32
        %dma_start3A_555 = arith.constant 240 : i32
        %dma_start3A_556 = arith.constant 0 : i32
        %dma_start3A_557 = tpu.memref_slice %arg7[%dma_start3A_555, %dma_start3A_556] : memref<1600x32xf32, #tpu.memory_space<vmem>> -> memref<80x32xf32, #tpu.memory_space<vmem>>
        %dma_start3A_558 = arith.constant 0 : i32
        %dma_start3A_559 = tpu.memref_slice %arg6[%add3A_554, %dma_start3A_558] : memref<320x80xi32, #tpu.memory_space<vmem>> -> memref<1x80xi32, #tpu.memory_space<vmem>>
        %dma_start3A_560 = tpu.memref_squeeze %dma_start3A_559 : memref<1x80xi32, #tpu.memory_space<vmem>> -> memref<80xi32, #tpu.memory_space<vmem>>
        %dma_start3A_561 = arith.constant 0 : i32
        %dma_start3A_562 = arith.constant 0 : i32
        %dma_start3A_563 = tpu.memref_slice %arg3[%dma_start3A_561, %dma_start3A_562] : memref<1015808x32xf32, #tpu.memory_space<hbm>> -> memref<1015808x32xf32, #tpu.memory_space<hbm>>
        tpu.enqueue_indirect_dma source(%dma_start3A_563 : memref<1015808x32xf32, #tpu.memory_space<hbm>>) target(%dma_start3A_557 : memref<80x32xf32, #tpu.memory_space<vmem>>) offsets(%dma_start3A_560 : memref<80xi32, #tpu.memory_space<vmem>>) semaphore(%arg11 : memref<!tpu.dma_semaphore, #tpu.memory_space<semaphore_mem>>)
        %mul3A_564 = arith.constant 20 : i32
        %mul3A_565 = arith.muli %add3A_511, %mul3A_564 : i32
        %add3A_566 = arith.constant 4 : i32
        %add3A_567 = arith.addi %mul3A_565, %add3A_566 : i32
        %dma_start3A_568 = arith.constant 320 : i32
        %dma_start3A_569 = arith.constant 0 : i32
        %dma_start3A_570 = tpu.memref_slice %arg7[%dma_start3A_568, %dma_start3A_569] : memref<1600x32xf32, #tpu.memory_space<vmem>> -> memref<80x32xf32, #tpu.memory_space<vmem>>
        %dma_start3A_571 = arith.constant 0 : i32
        %dma_start3A_572 = tpu.memref_slice %arg6[%add3A_567, %dma_start3A_571] : memref<320x80xi32, #tpu.memory_space<vmem>> -> memref<1x80xi32, #tpu.memory_space<vmem>>
        %dma_start3A_573 = tpu.memref_squeeze %dma_start3A_572 : memref<1x80xi32, #tpu.memory_space<vmem>> -> memref<80xi32, #tpu.memory_space<vmem>>
        %dma_start3A_574 = arith.constant 0 : i32
        %dma_start3A_575 = arith.constant 0 : i32
        %dma_start3A_576 = tpu.memref_slice %arg3[%dma_start3A_574, %dma_start3A_575] : memref<1015808x32xf32, #tpu.memory_space<hbm>> -> memref<1015808x32xf32, #tpu.memory_space<hbm>>
        tpu.enqueue_indirect_dma source(%dma_start3A_576 : memref<1015808x32xf32, #tpu.memory_space<hbm>>) target(%dma_start3A_570 : memref<80x32xf32, #tpu.memory_space<vmem>>) offsets(%dma_start3A_573 : memref<80xi32, #tpu.memory_space<vmem>>) semaphore(%arg11 : memref<!tpu.dma_semaphore, #tpu.memory_space<semaphore_mem>>)
        %mul3A_577 = arith.constant 20 : i32
        %mul3A_578 = arith.muli %add3A_511, %mul3A_577 : i32
        %add3A_579 = arith.constant 5 : i32
        %add3A_580 = arith.addi %mul3A_578, %add3A_579 : i32
        %dma_start3A_581 = arith.constant 400 : i32
        %dma_start3A_582 = arith.constant 0 : i32
        %dma_start3A_583 = tpu.memref_slice %arg7[%dma_start3A_581, %dma_start3A_582] : memref<1600x32xf32, #tpu.memory_space<vmem>> -> memref<80x32xf32, #tpu.memory_space<vmem>>
        %dma_start3A_584 = arith.constant 0 : i32
        %dma_start3A_585 = tpu.memref_slice %arg6[%add3A_580, %dma_start3A_584] : memref<320x80xi32, #tpu.memory_space<vmem>> -> memref<1x80xi32, #tpu.memory_space<vmem>>
        %dma_start3A_586 = tpu.memref_squeeze %dma_start3A_585 : memref<1x80xi32, #tpu.memory_space<vmem>> -> memref<80xi32, #tpu.memory_space<vmem>>
        %dma_start3A_587 = arith.constant 0 : i32
        %dma_start3A_588 = arith.constant 0 : i32
        %dma_start3A_589 = tpu.memref_slice %arg3[%dma_start3A_587, %dma_start3A_588] : memref<1015808x32xf32, #tpu.memory_space<hbm>> -> memref<1015808x32xf32, #tpu.memory_space<hbm>>
        tpu.enqueue_indirect_dma source(%dma_start3A_589 : memref<1015808x32xf32, #tpu.memory_space<hbm>>) target(%dma_start3A_583 : memref<80x32xf32, #tpu.memory_space<vmem>>) offsets(%dma_start3A_586 : memref<80xi32, #tpu.memory_space<vmem>>) semaphore(%arg11 : memref<!tpu.dma_semaphore, #tpu.memory_space<semaphore_mem>>)
        %mul3A_590 = arith.constant 20 : i32
        %mul3A_591 = arith.muli %add3A_511, %mul3A_590 : i32
        %add3A_592 = arith.constant 6 : i32
        %add3A_593 = arith.addi %mul3A_591, %add3A_592 : i32
        %dma_start3A_594 = arith.constant 480 : i32
        %dma_start3A_595 = arith.constant 0 : i32
        %dma_start3A_596 = tpu.memref_slice %arg7[%dma_start3A_594, %dma_start3A_595] : memref<1600x32xf32, #tpu.memory_space<vmem>> -> memref<80x32xf32, #tpu.memory_space<vmem>>
        %dma_start3A_597 = arith.constant 0 : i32
        %dma_start3A_598 = tpu.memref_slice %arg6[%add3A_593, %dma_start3A_597] : memref<320x80xi32, #tpu.memory_space<vmem>> -> memref<1x80xi32, #tpu.memory_space<vmem>>
        %dma_start3A_599 = tpu.memref_squeeze %dma_start3A_598 : memref<1x80xi32, #tpu.memory_space<vmem>> -> memref<80xi32, #tpu.memory_space<vmem>>
        %dma_start3A_600 = arith.constant 0 : i32
        %dma_start3A_601 = arith.constant 0 : i32
        %dma_start3A_602 = tpu.memref_slice %arg3[%dma_start3A_600, %dma_start3A_601] : memref<1015808x32xf32, #tpu.memory_space<hbm>> -> memref<1015808x32xf32, #tpu.memory_space<hbm>>
        tpu.enqueue_indirect_dma source(%dma_start3A_602 : memref<1015808x32xf32, #tpu.memory_space<hbm>>) target(%dma_start3A_596 : memref<80x32xf32, #tpu.memory_space<vmem>>) offsets(%dma_start3A_599 : memref<80xi32, #tpu.memory_space<vmem>>) semaphore(%arg11 : memref<!tpu.dma_semaphore, #tpu.memory_space<semaphore_mem>>)
        %mul3A_603 = arith.constant 20 : i32
        %mul3A_604 = arith.muli %add3A_511, %mul3A_603 : i32
        %add3A_605 = arith.constant 7 : i32
        %add3A_606 = arith.addi %mul3A_604, %add3A_605 : i32
        %dma_start3A_607 = arith.constant 560 : i32
        %dma_start3A_608 = arith.constant 0 : i32
        %dma_start3A_609 = tpu.memref_slice %arg7[%dma_start3A_607, %dma_start3A_608] : memref<1600x32xf32, #tpu.memory_space<vmem>> -> memref<80x32xf32, #tpu.memory_space<vmem>>
        %dma_start3A_610 = arith.constant 0 : i32
        %dma_start3A_611 = tpu.memref_slice %arg6[%add3A_606, %dma_start3A_610] : memref<320x80xi32, #tpu.memory_space<vmem>> -> memref<1x80xi32, #tpu.memory_space<vmem>>
        %dma_start3A_612 = tpu.memref_squeeze %dma_start3A_611 : memref<1x80xi32, #tpu.memory_space<vmem>> -> memref<80xi32, #tpu.memory_space<vmem>>
        %dma_start3A_613 = arith.constant 0 : i32
        %dma_start3A_614 = arith.constant 0 : i32
        %dma_start3A_615 = tpu.memref_slice %arg3[%dma_start3A_613, %dma_start3A_614] : memref<1015808x32xf32, #tpu.memory_space<hbm>> -> memref<1015808x32xf32, #tpu.memory_space<hbm>>
        tpu.enqueue_indirect_dma source(%dma_start3A_615 : memref<1015808x32xf32, #tpu.memory_space<hbm>>) target(%dma_start3A_609 : memref<80x32xf32, #tpu.memory_space<vmem>>) offsets(%dma_start3A_612 : memref<80xi32, #tpu.memory_space<vmem>>) semaphore(%arg11 : memref<!tpu.dma_semaphore, #tpu.memory_space<semaphore_mem>>)
        %mul3A_616 = arith.constant 20 : i32
        %mul3A_617 = arith.muli %add3A_511, %mul3A_616 : i32
        %add3A_618 = arith.constant 8 : i32
        %add3A_619 = arith.addi %mul3A_617, %add3A_618 : i32
        %dma_start3A_620 = arith.constant 640 : i32
        %dma_start3A_621 = arith.constant 0 : i32
        %dma_start3A_622 = tpu.memref_slice %arg7[%dma_start3A_620, %dma_start3A_621] : memref<1600x32xf32, #tpu.memory_space<vmem>> -> memref<80x32xf32, #tpu.memory_space<vmem>>
        %dma_start3A_623 = arith.constant 0 : i32
        %dma_start3A_624 = tpu.memref_slice %arg6[%add3A_619, %dma_start3A_623] : memref<320x80xi32, #tpu.memory_space<vmem>> -> memref<1x80xi32, #tpu.memory_space<vmem>>
        %dma_start3A_625 = tpu.memref_squeeze %dma_start3A_624 : memref<1x80xi32, #tpu.memory_space<vmem>> -> memref<80xi32, #tpu.memory_space<vmem>>
        %dma_start3A_626 = arith.constant 0 : i32
        %dma_start3A_627 = arith.constant 0 : i32
        %dma_start3A_628 = tpu.memref_slice %arg3[%dma_start3A_626, %dma_start3A_627] : memref<1015808x32xf32, #tpu.memory_space<hbm>> -> memref<1015808x32xf32, #tpu.memory_space<hbm>>
        tpu.enqueue_indirect_dma source(%dma_start3A_628 : memref<1015808x32xf32, #tpu.memory_space<hbm>>) target(%dma_start3A_622 : memref<80x32xf32, #tpu.memory_space<vmem>>) offsets(%dma_start3A_625 : memref<80xi32, #tpu.memory_space<vmem>>) semaphore(%arg11 : memref<!tpu.dma_semaphore, #tpu.memory_space<semaphore_mem>>)
        %mul3A_629 = arith.constant 20 : i32
        %mul3A_630 = arith.muli %add3A_511, %mul3A_629 : i32
        %add3A_631 = arith.constant 9 : i32
        %add3A_632 = arith.addi %mul3A_630, %add3A_631 : i32
        %dma_start3A_633 = arith.constant 720 : i32
        %dma_start3A_634 = arith.constant 0 : i32
        %dma_start3A_635 = tpu.memref_slice %arg7[%dma_start3A_633, %dma_start3A_634] : memref<1600x32xf32, #tpu.memory_space<vmem>> -> memref<80x32xf32, #tpu.memory_space<vmem>>
        %dma_start3A_636 = arith.constant 0 : i32
        %dma_start3A_637 = tpu.memref_slice %arg6[%add3A_632, %dma_start3A_636] : memref<320x80xi32, #tpu.memory_space<vmem>> -> memref<1x80xi32, #tpu.memory_space<vmem>>
        %dma_start3A_638 = tpu.memref_squeeze %dma_start3A_637 : memref<1x80xi32, #tpu.memory_space<vmem>> -> memref<80xi32, #tpu.memory_space<vmem>>
        %dma_start3A_639 = arith.constant 0 : i32
        %dma_start3A_640 = arith.constant 0 : i32
        %dma_start3A_641 = tpu.memref_slice %arg3[%dma_start3A_639, %dma_start3A_640] : memref<1015808x32xf32, #tpu.memory_space<hbm>> -> memref<1015808x32xf32, #tpu.memory_space<hbm>>
        tpu.enqueue_indirect_dma source(%dma_start3A_641 : memref<1015808x32xf32, #tpu.memory_space<hbm>>) target(%dma_start3A_635 : memref<80x32xf32, #tpu.memory_space<vmem>>) offsets(%dma_start3A_638 : memref<80xi32, #tpu.memory_space<vmem>>) semaphore(%arg11 : memref<!tpu.dma_semaphore, #tpu.memory_space<semaphore_mem>>)
        %mul3A_642 = arith.constant 20 : i32
        %mul3A_643 = arith.muli %add3A_511, %mul3A_642 : i32
        %add3A_644 = arith.constant 10 : i32
        %add3A_645 = arith.addi %mul3A_643, %add3A_644 : i32
        %dma_start3A_646 = arith.constant 800 : i32
        %dma_start3A_647 = arith.constant 0 : i32
        %dma_start3A_648 = tpu.memref_slice %arg7[%dma_start3A_646, %dma_start3A_647] : memref<1600x32xf32, #tpu.memory_space<vmem>> -> memref<80x32xf32, #tpu.memory_space<vmem>>
        %dma_start3A_649 = arith.constant 0 : i32
        %dma_start3A_650 = tpu.memref_slice %arg6[%add3A_645, %dma_start3A_649] : memref<320x80xi32, #tpu.memory_space<vmem>> -> memref<1x80xi32, #tpu.memory_space<vmem>>
        %dma_start3A_651 = tpu.memref_squeeze %dma_start3A_650 : memref<1x80xi32, #tpu.memory_space<vmem>> -> memref<80xi32, #tpu.memory_space<vmem>>
        %dma_start3A_652 = arith.constant 0 : i32
        %dma_start3A_653 = arith.constant 0 : i32
        %dma_start3A_654 = tpu.memref_slice %arg3[%dma_start3A_652, %dma_start3A_653] : memref<1015808x32xf32, #tpu.memory_space<hbm>> -> memref<1015808x32xf32, #tpu.memory_space<hbm>>
        tpu.enqueue_indirect_dma source(%dma_start3A_654 : memref<1015808x32xf32, #tpu.memory_space<hbm>>) target(%dma_start3A_648 : memref<80x32xf32, #tpu.memory_space<vmem>>) offsets(%dma_start3A_651 : memref<80xi32, #tpu.memory_space<vmem>>) semaphore(%arg11 : memref<!tpu.dma_semaphore, #tpu.memory_space<semaphore_mem>>)
        %mul3A_655 = arith.constant 20 : i32
        %mul3A_656 = arith.muli %add3A_511, %mul3A_655 : i32
        %add3A_657 = arith.constant 11 : i32
        %add3A_658 = arith.addi %mul3A_656, %add3A_657 : i32
        %dma_start3A_659 = arith.constant 880 : i32
        %dma_start3A_660 = arith.constant 0 : i32
        %dma_start3A_661 = tpu.memref_slice %arg7[%dma_start3A_659, %dma_start3A_660] : memref<1600x32xf32, #tpu.memory_space<vmem>> -> memref<80x32xf32, #tpu.memory_space<vmem>>
        %dma_start3A_662 = arith.constant 0 : i32
        %dma_start3A_663 = tpu.memref_slice %arg6[%add3A_658, %dma_start3A_662] : memref<320x80xi32, #tpu.memory_space<vmem>> -> memref<1x80xi32, #tpu.memory_space<vmem>>
        %dma_start3A_664 = tpu.memref_squeeze %dma_start3A_663 : memref<1x80xi32, #tpu.memory_space<vmem>> -> memref<80xi32, #tpu.memory_space<vmem>>
        %dma_start3A_665 = arith.constant 0 : i32
        %dma_start3A_666 = arith.constant 0 : i32
        %dma_start3A_667 = tpu.memref_slice %arg3[%dma_start3A_665, %dma_start3A_666] : memref<1015808x32xf32, #tpu.memory_space<hbm>> -> memref<1015808x32xf32, #tpu.memory_space<hbm>>
        tpu.enqueue_indirect_dma source(%dma_start3A_667 : memref<1015808x32xf32, #tpu.memory_space<hbm>>) target(%dma_start3A_661 : memref<80x32xf32, #tpu.memory_space<vmem>>) offsets(%dma_start3A_664 : memref<80xi32, #tpu.memory_space<vmem>>) semaphore(%arg11 : memref<!tpu.dma_semaphore, #tpu.memory_space<semaphore_mem>>)
        %mul3A_668 = arith.constant 20 : i32
        %mul3A_669 = arith.muli %add3A_511, %mul3A_668 : i32
        %add3A_670 = arith.constant 12 : i32
        %add3A_671 = arith.addi %mul3A_669, %add3A_670 : i32
        %dma_start3A_672 = arith.constant 960 : i32
        %dma_start3A_673 = arith.constant 0 : i32
        %dma_start3A_674 = tpu.memref_slice %arg7[%dma_start3A_672, %dma_start3A_673] : memref<1600x32xf32, #tpu.memory_space<vmem>> -> memref<80x32xf32, #tpu.memory_space<vmem>>
        %dma_start3A_675 = arith.constant 0 : i32
        %dma_start3A_676 = tpu.memref_slice %arg6[%add3A_671, %dma_start3A_675] : memref<320x80xi32, #tpu.memory_space<vmem>> -> memref<1x80xi32, #tpu.memory_space<vmem>>
        %dma_start3A_677 = tpu.memref_squeeze %dma_start3A_676 : memref<1x80xi32, #tpu.memory_space<vmem>> -> memref<80xi32, #tpu.memory_space<vmem>>
        %dma_start3A_678 = arith.constant 0 : i32
        %dma_start3A_679 = arith.constant 0 : i32
        %dma_start3A_680 = tpu.memref_slice %arg3[%dma_start3A_678, %dma_start3A_679] : memref<1015808x32xf32, #tpu.memory_space<hbm>> -> memref<1015808x32xf32, #tpu.memory_space<hbm>>
        tpu.enqueue_indirect_dma source(%dma_start3A_680 : memref<1015808x32xf32, #tpu.memory_space<hbm>>) target(%dma_start3A_674 : memref<80x32xf32, #tpu.memory_space<vmem>>) offsets(%dma_start3A_677 : memref<80xi32, #tpu.memory_space<vmem>>) semaphore(%arg11 : memref<!tpu.dma_semaphore, #tpu.memory_space<semaphore_mem>>)
        %mul3A_681 = arith.constant 20 : i32
        %mul3A_682 = arith.muli %add3A_511, %mul3A_681 : i32
        %add3A_683 = arith.constant 13 : i32
        %add3A_684 = arith.addi %mul3A_682, %add3A_683 : i32
        %dma_start3A_685 = arith.constant 1040 : i32
        %dma_start3A_686 = arith.constant 0 : i32
        %dma_start3A_687 = tpu.memref_slice %arg7[%dma_start3A_685, %dma_start3A_686] : memref<1600x32xf32, #tpu.memory_space<vmem>> -> memref<80x32xf32, #tpu.memory_space<vmem>>
        %dma_start3A_688 = arith.constant 0 : i32
        %dma_start3A_689 = tpu.memref_slice %arg6[%add3A_684, %dma_start3A_688] : memref<320x80xi32, #tpu.memory_space<vmem>> -> memref<1x80xi32, #tpu.memory_space<vmem>>
        %dma_start3A_690 = tpu.memref_squeeze %dma_start3A_689 : memref<1x80xi32, #tpu.memory_space<vmem>> -> memref<80xi32, #tpu.memory_space<vmem>>
        %dma_start3A_691 = arith.constant 0 : i32
        %dma_start3A_692 = arith.constant 0 : i32
        %dma_start3A_693 = tpu.memref_slice %arg3[%dma_start3A_691, %dma_start3A_692] : memref<1015808x32xf32, #tpu.memory_space<hbm>> -> memref<1015808x32xf32, #tpu.memory_space<hbm>>
        tpu.enqueue_indirect_dma source(%dma_start3A_693 : memref<1015808x32xf32, #tpu.memory_space<hbm>>) target(%dma_start3A_687 : memref<80x32xf32, #tpu.memory_space<vmem>>) offsets(%dma_start3A_690 : memref<80xi32, #tpu.memory_space<vmem>>) semaphore(%arg11 : memref<!tpu.dma_semaphore, #tpu.memory_space<semaphore_mem>>)
        %mul3A_694 = arith.constant 20 : i32
        %mul3A_695 = arith.muli %add3A_511, %mul3A_694 : i32
        %add3A_696 = arith.constant 14 : i32
        %add3A_697 = arith.addi %mul3A_695, %add3A_696 : i32
        %dma_start3A_698 = arith.constant 1120 : i32
        %dma_start3A_699 = arith.constant 0 : i32
        %dma_start3A_700 = tpu.memref_slice %arg7[%dma_start3A_698, %dma_start3A_699] : memref<1600x32xf32, #tpu.memory_space<vmem>> -> memref<80x32xf32, #tpu.memory_space<vmem>>
        %dma_start3A_701 = arith.constant 0 : i32
        %dma_start3A_702 = tpu.memref_slice %arg6[%add3A_697, %dma_start3A_701] : memref<320x80xi32, #tpu.memory_space<vmem>> -> memref<1x80xi32, #tpu.memory_space<vmem>>
        %dma_start3A_703 = tpu.memref_squeeze %dma_start3A_702 : memref<1x80xi32, #tpu.memory_space<vmem>> -> memref<80xi32, #tpu.memory_space<vmem>>
        %dma_start3A_704 = arith.constant 0 : i32
        %dma_start3A_705 = arith.constant 0 : i32
        %dma_start3A_706 = tpu.memref_slice %arg3[%dma_start3A_704, %dma_start3A_705] : memref<1015808x32xf32, #tpu.memory_space<hbm>> -> memref<1015808x32xf32, #tpu.memory_space<hbm>>
        tpu.enqueue_indirect_dma source(%dma_start3A_706 : memref<1015808x32xf32, #tpu.memory_space<hbm>>) target(%dma_start3A_700 : memref<80x32xf32, #tpu.memory_space<vmem>>) offsets(%dma_start3A_703 : memref<80xi32, #tpu.memory_space<vmem>>) semaphore(%arg11 : memref<!tpu.dma_semaphore, #tpu.memory_space<semaphore_mem>>)
        %mul3A_707 = arith.constant 20 : i32
        %mul3A_708 = arith.muli %add3A_511, %mul3A_707 : i32
        %add3A_709 = arith.constant 15 : i32
        %add3A_710 = arith.addi %mul3A_708, %add3A_709 : i32
        %dma_start3A_711 = arith.constant 1200 : i32
        %dma_start3A_712 = arith.constant 0 : i32
        %dma_start3A_713 = tpu.memref_slice %arg7[%dma_start3A_711, %dma_start3A_712] : memref<1600x32xf32, #tpu.memory_space<vmem>> -> memref<80x32xf32, #tpu.memory_space<vmem>>
        %dma_start3A_714 = arith.constant 0 : i32
        %dma_start3A_715 = tpu.memref_slice %arg6[%add3A_710, %dma_start3A_714] : memref<320x80xi32, #tpu.memory_space<vmem>> -> memref<1x80xi32, #tpu.memory_space<vmem>>
        %dma_start3A_716 = tpu.memref_squeeze %dma_start3A_715 : memref<1x80xi32, #tpu.memory_space<vmem>> -> memref<80xi32, #tpu.memory_space<vmem>>
        %dma_start3A_717 = arith.constant 0 : i32
        %dma_start3A_718 = arith.constant 0 : i32
        %dma_start3A_719 = tpu.memref_slice %arg3[%dma_start3A_717, %dma_start3A_718] : memref<1015808x32xf32, #tpu.memory_space<hbm>> -> memref<1015808x32xf32, #tpu.memory_space<hbm>>
        tpu.enqueue_indirect_dma source(%dma_start3A_719 : memref<1015808x32xf32, #tpu.memory_space<hbm>>) target(%dma_start3A_713 : memref<80x32xf32, #tpu.memory_space<vmem>>) offsets(%dma_start3A_716 : memref<80xi32, #tpu.memory_space<vmem>>) semaphore(%arg11 : memref<!tpu.dma_semaphore, #tpu.memory_space<semaphore_mem>>)
        %mul3A_720 = arith.constant 20 : i32
        %mul3A_721 = arith.muli %add3A_511, %mul3A_720 : i32
        %add3A_722 = arith.constant 16 : i32
        %add3A_723 = arith.addi %mul3A_721, %add3A_722 : i32
        %dma_start3A_724 = arith.constant 1280 : i32
        %dma_start3A_725 = arith.constant 0 : i32
        %dma_start3A_726 = tpu.memref_slice %arg7[%dma_start3A_724, %dma_start3A_725] : memref<1600x32xf32, #tpu.memory_space<vmem>> -> memref<80x32xf32, #tpu.memory_space<vmem>>
        %dma_start3A_727 = arith.constant 0 : i32
        %dma_start3A_728 = tpu.memref_slice %arg6[%add3A_723, %dma_start3A_727] : memref<320x80xi32, #tpu.memory_space<vmem>> -> memref<1x80xi32, #tpu.memory_space<vmem>>
        %dma_start3A_729 = tpu.memref_squeeze %dma_start3A_728 : memref<1x80xi32, #tpu.memory_space<vmem>> -> memref<80xi32, #tpu.memory_space<vmem>>
        %dma_start3A_730 = arith.constant 0 : i32
        %dma_start3A_731 = arith.constant 0 : i32
        %dma_start3A_732 = tpu.memref_slice %arg3[%dma_start3A_730, %dma_start3A_731] : memref<1015808x32xf32, #tpu.memory_space<hbm>> -> memref<1015808x32xf32, #tpu.memory_space<hbm>>
        tpu.enqueue_indirect_dma source(%dma_start3A_732 : memref<1015808x32xf32, #tpu.memory_space<hbm>>) target(%dma_start3A_726 : memref<80x32xf32, #tpu.memory_space<vmem>>) offsets(%dma_start3A_729 : memref<80xi32, #tpu.memory_space<vmem>>) semaphore(%arg11 : memref<!tpu.dma_semaphore, #tpu.memory_space<semaphore_mem>>)
        %mul3A_733 = arith.constant 20 : i32
        %mul3A_734 = arith.muli %add3A_511, %mul3A_733 : i32
        %add3A_735 = arith.constant 17 : i32
        %add3A_736 = arith.addi %mul3A_734, %add3A_735 : i32
        %dma_start3A_737 = arith.constant 1360 : i32
        %dma_start3A_738 = arith.constant 0 : i32
        %dma_start3A_739 = tpu.memref_slice %arg7[%dma_start3A_737, %dma_start3A_738] : memref<1600x32xf32, #tpu.memory_space<vmem>> -> memref<80x32xf32, #tpu.memory_space<vmem>>
        %dma_start3A_740 = arith.constant 0 : i32
        %dma_start3A_741 = tpu.memref_slice %arg6[%add3A_736, %dma_start3A_740] : memref<320x80xi32, #tpu.memory_space<vmem>> -> memref<1x80xi32, #tpu.memory_space<vmem>>
        %dma_start3A_742 = tpu.memref_squeeze %dma_start3A_741 : memref<1x80xi32, #tpu.memory_space<vmem>> -> memref<80xi32, #tpu.memory_space<vmem>>
        %dma_start3A_743 = arith.constant 0 : i32
        %dma_start3A_744 = arith.constant 0 : i32
        %dma_start3A_745 = tpu.memref_slice %arg3[%dma_start3A_743, %dma_start3A_744] : memref<1015808x32xf32, #tpu.memory_space<hbm>> -> memref<1015808x32xf32, #tpu.memory_space<hbm>>
        tpu.enqueue_indirect_dma source(%dma_start3A_745 : memref<1015808x32xf32, #tpu.memory_space<hbm>>) target(%dma_start3A_739 : memref<80x32xf32, #tpu.memory_space<vmem>>) offsets(%dma_start3A_742 : memref<80xi32, #tpu.memory_space<vmem>>) semaphore(%arg11 : memref<!tpu.dma_semaphore, #tpu.memory_space<semaphore_mem>>)
        %mul3A_746 = arith.constant 20 : i32
        %mul3A_747 = arith.muli %add3A_511, %mul3A_746 : i32
        %add3A_748 = arith.constant 18 : i32
        %add3A_749 = arith.addi %mul3A_747, %add3A_748 : i32
        %dma_start3A_750 = arith.constant 1440 : i32
        %dma_start3A_751 = arith.constant 0 : i32
        %dma_start3A_752 = tpu.memref_slice %arg7[%dma_start3A_750, %dma_start3A_751] : memref<1600x32xf32, #tpu.memory_space<vmem>> -> memref<80x32xf32, #tpu.memory_space<vmem>>
        %dma_start3A_753 = arith.constant 0 : i32
        %dma_start3A_754 = tpu.memref_slice %arg6[%add3A_749, %dma_start3A_753] : memref<320x80xi32, #tpu.memory_space<vmem>> -> memref<1x80xi32, #tpu.memory_space<vmem>>
        %dma_start3A_755 = tpu.memref_squeeze %dma_start3A_754 : memref<1x80xi32, #tpu.memory_space<vmem>> -> memref<80xi32, #tpu.memory_space<vmem>>
        %dma_start3A_756 = arith.constant 0 : i32
        %dma_start3A_757 = arith.constant 0 : i32
        %dma_start3A_758 = tpu.memref_slice %arg3[%dma_start3A_756, %dma_start3A_757] : memref<1015808x32xf32, #tpu.memory_space<hbm>> -> memref<1015808x32xf32, #tpu.memory_space<hbm>>
        tpu.enqueue_indirect_dma source(%dma_start3A_758 : memref<1015808x32xf32, #tpu.memory_space<hbm>>) target(%dma_start3A_752 : memref<80x32xf32, #tpu.memory_space<vmem>>) offsets(%dma_start3A_755 : memref<80xi32, #tpu.memory_space<vmem>>) semaphore(%arg11 : memref<!tpu.dma_semaphore, #tpu.memory_space<semaphore_mem>>)
        %mul3A_759 = arith.constant 20 : i32
        %mul3A_760 = arith.muli %add3A_511, %mul3A_759 : i32
        %add3A_761 = arith.constant 19 : i32
        %add3A_762 = arith.addi %mul3A_760, %add3A_761 : i32
        %dma_start3A_763 = arith.constant 1520 : i32
        %dma_start3A_764 = arith.constant 0 : i32
        %dma_start3A_765 = tpu.memref_slice %arg7[%dma_start3A_763, %dma_start3A_764] : memref<1600x32xf32, #tpu.memory_space<vmem>> -> memref<80x32xf32, #tpu.memory_space<vmem>>
        %dma_start3A_766 = arith.constant 0 : i32
        %dma_start3A_767 = tpu.memref_slice %arg6[%add3A_762, %dma_start3A_766] : memref<320x80xi32, #tpu.memory_space<vmem>> -> memref<1x80xi32, #tpu.memory_space<vmem>>
        %dma_start3A_768 = tpu.memref_squeeze %dma_start3A_767 : memref<1x80xi32, #tpu.memory_space<vmem>> -> memref<80xi32, #tpu.memory_space<vmem>>
        %dma_start3A_769 = arith.constant 0 : i32
        %dma_start3A_770 = arith.constant 0 : i32
        %dma_start3A_771 = tpu.memref_slice %arg3[%dma_start3A_769, %dma_start3A_770] : memref<1015808x32xf32, #tpu.memory_space<hbm>> -> memref<1015808x32xf32, #tpu.memory_space<hbm>>
        tpu.enqueue_indirect_dma source(%dma_start3A_771 : memref<1015808x32xf32, #tpu.memory_space<hbm>>) target(%dma_start3A_765 : memref<80x32xf32, #tpu.memory_space<vmem>>) offsets(%dma_start3A_768 : memref<80xi32, #tpu.memory_space<vmem>>) semaphore(%arg11 : memref<!tpu.dma_semaphore, #tpu.memory_space<semaphore_mem>>)
      } else {
      }
      %mul3A_485 = arith.constant 2 : i32
      %mul3A_486 = arith.muli %mul3A_485, %scan3A_463 : i32
      %add3A_487 = arith.constant 1 : i32
      %add3A_488 = arith.addi %mul3A_486, %add3A_487 : i32
      %dma_wait3A_489 = arith.constant 0 : i32
      %dma_wait3A_490 = arith.constant 0 : i32
      %dma_wait3A_491 = tpu.memref_slice %arg3[%dma_wait3A_489, %dma_wait3A_490] : memref<1015808x32xf32, #tpu.memory_space<hbm>> -> memref<1600x32xf32, #tpu.memory_space<hbm>>
      %dma_wait3A_492 = arith.constant 0 : i32
      %dma_wait3A_493 = arith.constant 0 : i32
      %dma_wait3A_494 = tpu.memref_slice %arg3[%dma_wait3A_492, %dma_wait3A_493] : memref<1015808x32xf32, #tpu.memory_space<hbm>> -> memref<1600x32xf32, #tpu.memory_space<hbm>>
      tpu.wait_dma2 semaphore(%arg12 : memref<!tpu.dma_semaphore, #tpu.memory_space<semaphore_mem>>) src(%dma_wait3A_494 : memref<1600x32xf32, #tpu.memory_space<hbm>>) dst(%arg8 : memref<1600x32xf32, #tpu.memory_space<vmem>>)
      %scan3A_495 = arith.constant 0 : i32
      %scan3A_496 = arith.constant 0 : i32
      %scan3A_497 = arith.constant 8 : i32
      %scan3A_498 = arith.addi %scan3A_496, %scan3A_497 : i32
      %scan3A_499 = arith.constant 1 : i32
      %scan3A_500 = scf.for %scan3A_510 = %scan3A_496 to %scan3A_498 step %scan3A_499 iter_args(%scan3A_511 = %scan3A_495) -> (i32)  : i32 {
        %mul3A_512 = arith.constant 200 : i32
        %mul3A_513 = arith.muli %scan3A_510, %mul3A_512 : i32
        %broadcast_in_dim3A_514 = arith.constant 0.000000e+00 : f32
        %broadcast_in_dim3A_515 = vector.broadcast %broadcast_in_dim3A_514 : f32 to vector<16xf32>
        %scan3A_516 = arith.constant 0 : i32
        %scan3A_517 = arith.constant 25 : i32
        %scan3A_518 = arith.addi %scan3A_516, %scan3A_517 : i32
        %scan3A_519 = arith.constant 1 : i32
        %scan3A_520:4 = scf.for %scan3A_599 = %scan3A_516 to %scan3A_518 step %scan3A_519 iter_args(%scan3A_600 = %broadcast_in_dim3A_515, %scan3A_601 = %broadcast_in_dim3A_515, %scan3A_602 = %broadcast_in_dim3A_515, %scan3A_603 = %broadcast_in_dim3A_515) -> (vector<16xf32>, vector<16xf32>, vector<16xf32>, vector<16xf32>)  : i32 {
          %mul3A_604 = arith.constant 8 : i32
          %mul3A_605 = arith.muli %scan3A_599, %mul3A_604 : i32
          %add3A_606 = arith.addi %mul3A_513, %mul3A_605 : i32
          %add3A_607 = arith.constant 0 : i32
          %add3A_608 = arith.addi %add3A_606, %add3A_607 : i32
          %get3A_609 = arith.index_cast %add3A_608 : i32 to index
          %get3A_610 = arith.constant 0 : index
          %get3A_611 = tpu.vector_load %arg8[%get3A_609, %get3A_610] {strides = array<i32>} : memref<1600x32xf32, #tpu.memory_space<vmem>>, vector<16xf32>,
          %add3A_612 = arith.constant 0 : i32
          %add3A_613 = arith.addi %add3A_606, %add3A_612 : i32
          %get3A_614 = arith.index_cast %add3A_613 : i32 to index
          %get3A_615 = arith.constant 16 : index
          %get3A_616 = tpu.vector_load %arg8[%get3A_614, %get3A_615] {strides = array<i32>} : memref<1600x32xf32, #tpu.memory_space<vmem>>, vector<16xf32>,
          %add3A_617 = arith.addf %scan3A_600, %get3A_611 : vector<16xf32>
          %add3A_618 = arith.addf %scan3A_601, %get3A_616 : vector<16xf32>
          %add3A_619 = arith.constant 1 : i32
          %add3A_620 = arith.addi %add3A_606, %add3A_619 : i32
          %get3A_621 = arith.index_cast %add3A_620 : i32 to index
          %get3A_622 = arith.constant 0 : index
          %get3A_623 = tpu.vector_load %arg8[%get3A_621, %get3A_622] {strides = array<i32>} : memref<1600x32xf32, #tpu.memory_space<vmem>>, vector<16xf32>,
          %add3A_624 = arith.constant 1 : i32
          %add3A_625 = arith.addi %add3A_606, %add3A_624 : i32
          %get3A_626 = arith.index_cast %add3A_625 : i32 to index
          %get3A_627 = arith.constant 16 : index
          %get3A_628 = tpu.vector_load %arg8[%get3A_626, %get3A_627] {strides = array<i32>} : memref<1600x32xf32, #tpu.memory_space<vmem>>, vector<16xf32>,
          %add3A_629 = arith.addf %scan3A_602, %get3A_623 : vector<16xf32>
          %add3A_630 = arith.addf %scan3A_603, %get3A_628 : vector<16xf32>
          %add3A_631 = arith.constant 2 : i32
          %add3A_632 = arith.addi %add3A_606, %add3A_631 : i32
          %get3A_633 = arith.index_cast %add3A_632 : i32 to index
          %get3A_634 = arith.constant 0 : index
          %get3A_635 = tpu.vector_load %arg8[%get3A_633, %get3A_634] {strides = array<i32>} : memref<1600x32xf32, #tpu.memory_space<vmem>>, vector<16xf32>,
          %add3A_636 = arith.constant 2 : i32
          %add3A_637 = arith.addi %add3A_606, %add3A_636 : i32
          %get3A_638 = arith.index_cast %add3A_637 : i32 to index
          %get3A_639 = arith.constant 16 : index
          %get3A_640 = tpu.vector_load %arg8[%get3A_638, %get3A_639] {strides = array<i32>} : memref<1600x32xf32, #tpu.memory_space<vmem>>, vector<16xf32>,
          %add3A_641 = arith.addf %add3A_617, %get3A_635 : vector<16xf32>
          %add3A_642 = arith.addf %add3A_618, %get3A_640 : vector<16xf32>
          %add3A_643 = arith.constant 3 : i32
          %add3A_644 = arith.addi %add3A_606, %add3A_643 : i32
          %get3A_645 = arith.index_cast %add3A_644 : i32 to index
          %get3A_646 = arith.constant 0 : index
          %get3A_647 = tpu.vector_load %arg8[%get3A_645, %get3A_646] {strides = array<i32>} : memref<1600x32xf32, #tpu.memory_space<vmem>>, vector<16xf32>,
          %add3A_648 = arith.constant 3 : i32
          %add3A_649 = arith.addi %add3A_606, %add3A_648 : i32
          %get3A_650 = arith.index_cast %add3A_649 : i32 to index
          %get3A_651 = arith.constant 16 : index
          %get3A_652 = tpu.vector_load %arg8[%get3A_650, %get3A_651] {strides = array<i32>} : memref<1600x32xf32, #tpu.memory_space<vmem>>, vector<16xf32>,
          %add3A_653 = arith.addf %add3A_629, %get3A_647 : vector<16xf32>
          %add3A_654 = arith.addf %add3A_630, %get3A_652 : vector<16xf32>
          %add3A_655 = arith.constant 4 : i32
          %add3A_656 = arith.addi %add3A_606, %add3A_655 : i32
          %get3A_657 = arith.index_cast %add3A_656 : i32 to index
          %get3A_658 = arith.constant 0 : index
          %get3A_659 = tpu.vector_load %arg8[%get3A_657, %get3A_658] {strides = array<i32>} : memref<1600x32xf32, #tpu.memory_space<vmem>>, vector<16xf32>,
          %add3A_660 = arith.constant 4 : i32
          %add3A_661 = arith.addi %add3A_606, %add3A_660 : i32
          %get3A_662 = arith.index_cast %add3A_661 : i32 to index
          %get3A_663 = arith.constant 16 : index
          %get3A_664 = tpu.vector_load %arg8[%get3A_662, %get3A_663] {strides = array<i32>} : memref<1600x32xf32, #tpu.memory_space<vmem>>, vector<16xf32>,
          %add3A_665 = arith.addf %add3A_641, %get3A_659 : vector<16xf32>
          %add3A_666 = arith.addf %add3A_642, %get3A_664 : vector<16xf32>
          %add3A_667 = arith.constant 5 : i32
          %add3A_668 = arith.addi %add3A_606, %add3A_667 : i32
          %get3A_669 = arith.index_cast %add3A_668 : i32 to index
          %get3A_670 = arith.constant 0 : index
          %get3A_671 = tpu.vector_load %arg8[%get3A_669, %get3A_670] {strides = array<i32>} : memref<1600x32xf32, #tpu.memory_space<vmem>>, vector<16xf32>,
          %add3A_672 = arith.constant 5 : i32
          %add3A_673 = arith.addi %add3A_606, %add3A_672 : i32
          %get3A_674 = arith.index_cast %add3A_673 : i32 to index
          %get3A_675 = arith.constant 16 : index
          %get3A_676 = tpu.vector_load %arg8[%get3A_674, %get3A_675] {strides = array<i32>} : memref<1600x32xf32, #tpu.memory_space<vmem>>, vector<16xf32>,
          %add3A_677 = arith.addf %add3A_653, %get3A_671 : vector<16xf32>
          %add3A_678 = arith.addf %add3A_654, %get3A_676 : vector<16xf32>
          %add3A_679 = arith.constant 6 : i32
          %add3A_680 = arith.addi %add3A_606, %add3A_679 : i32
          %get3A_681 = arith.index_cast %add3A_680 : i32 to index
          %get3A_682 = arith.constant 0 : index
          %get3A_683 = tpu.vector_load %arg8[%get3A_681, %get3A_682] {strides = array<i32>} : memref<1600x32xf32, #tpu.memory_space<vmem>>, vector<16xf32>,
          %add3A_684 = arith.constant 6 : i32
          %add3A_685 = arith.addi %add3A_606, %add3A_684 : i32
          %get3A_686 = arith.index_cast %add3A_685 : i32 to index
          %get3A_687 = arith.constant 16 : index
          %get3A_688 = tpu.vector_load %arg8[%get3A_686, %get3A_687] {strides = array<i32>} : memref<1600x32xf32, #tpu.memory_space<vmem>>, vector<16xf32>,
          %add3A_689 = arith.addf %add3A_665, %get3A_683 : vector<16xf32>
          %add3A_690 = arith.addf %add3A_666, %get3A_688 : vector<16xf32>
          %add3A_691 = arith.constant 7 : i32
          %add3A_692 = arith.addi %add3A_606, %add3A_691 : i32
          %get3A_693 = arith.index_cast %add3A_692 : i32 to index
          %get3A_694 = arith.constant 0 : index
          %get3A_695 = tpu.vector_load %arg8[%get3A_693, %get3A_694] {strides = array<i32>} : memref<1600x32xf32, #tpu.memory_space<vmem>>, vector<16xf32>,
          %add3A_696 = arith.constant 7 : i32
          %add3A_697 = arith.addi %add3A_606, %add3A_696 : i32
          %get3A_698 = arith.index_cast %add3A_697 : i32 to index
          %get3A_699 = arith.constant 16 : index
          %get3A_700 = tpu.vector_load %arg8[%get3A_698, %get3A_699] {strides = array<i32>} : memref<1600x32xf32, #tpu.memory_space<vmem>>, vector<16xf32>,
          %add3A_701 = arith.addf %add3A_677, %get3A_695 : vector<16xf32>
          %add3A_702 = arith.addf %add3A_678, %get3A_700 : vector<16xf32>
          scf.yield %add3A_689, %add3A_690, %add3A_701, %add3A_702 : vector<16xf32>, vector<16xf32>, vector<16xf32>, vector<16xf32>
        }
        %scan3A_521 = arith.constant 25 : i32
        %add3A_522 = arith.addf %scan3A_520#0, %scan3A_520#2 : vector<16xf32>
        %add3A_523 = arith.addf %scan3A_520#1, %scan3A_520#3 : vector<16xf32>
        %mul3A_524 = arith.constant 5.000000e-03 : f32
        %mul3A_525 = vector.broadcast %mul3A_524 : f32 to vector<16xf32>
        %mul3A_526 = arith.mulf %add3A_522, %mul3A_525 : vector<16xf32>
        %bitcast3A_527 = vector.bitcast %mul3A_526 : vector<16xf32> to vector<16xi32>
        %add3A_528 = arith.constant 32767 : i32
        %add3A_529 = vector.broadcast %add3A_528 : i32 to vector<16xi32>
        %add3A_530 = arith.addi %bitcast3A_527, %add3A_529 : vector<16xi32>
        %shift_right_logical3A_531 = arith.constant 16 : i32
        %shift_right_logical3A_532 = vector.broadcast %shift_right_logical3A_531 : i32 to vector<16xi32>
        %shift_right_logical3A_533 = arith.shrui %bitcast3A_527, %shift_right_logical3A_532 : vector<16xi32>
        %and3A_534 = arith.constant 1 : i32
        %and3A_535 = vector.broadcast %and3A_534 : i32 to vector<16xi32>
        %and3A_536 = arith.andi %shift_right_logical3A_533, %and3A_535 : vector<16xi32>
        %add3A_537 = arith.addi %add3A_530, %and3A_536 : vector<16xi32>
        %and3A_538 = arith.constant -65536 : i32
        %and3A_539 = vector.broadcast %and3A_538 : i32 to vector<16xi32>
        %and3A_540 = arith.andi %add3A_537, %and3A_539 : vector<16xi32>
        %bitcast3A_541 = vector.bitcast %and3A_540 : vector<16xi32> to vector<16xf32>
        %mul3A_542 = arith.constant 5.000000e-03 : f32
        %mul3A_543 = vector.broadcast %mul3A_542 : f32 to vector<16xf32>
        %mul3A_544 = arith.mulf %add3A_523, %mul3A_543 : vector<16xf32>
        %bitcast3A_545 = vector.bitcast %mul3A_544 : vector<16xf32> to vector<16xi32>
        %add3A_546 = arith.constant 32767 : i32
        %add3A_547 = vector.broadcast %add3A_546 : i32 to vector<16xi32>
        %add3A_548 = arith.addi %bitcast3A_545, %add3A_547 : vector<16xi32>
        %shift_right_logical3A_549 = arith.constant 16 : i32
        %shift_right_logical3A_550 = vector.broadcast %shift_right_logical3A_549 : i32 to vector<16xi32>
        %shift_right_logical3A_551 = arith.shrui %bitcast3A_545, %shift_right_logical3A_550 : vector<16xi32>
        %and3A_552 = arith.constant 1 : i32
        %and3A_553 = vector.broadcast %and3A_552 : i32 to vector<16xi32>
        %and3A_554 = arith.andi %shift_right_logical3A_551, %and3A_553 : vector<16xi32>
        %add3A_555 = arith.addi %add3A_548, %and3A_554 : vector<16xi32>
        %and3A_556 = arith.constant -65536 : i32
        %and3A_557 = vector.broadcast %and3A_556 : i32 to vector<16xi32>
        %and3A_558 = arith.andi %add3A_555, %and3A_557 : vector<16xi32>
        %bitcast3A_559 = vector.bitcast %and3A_558 : vector<16xi32> to vector<16xf32>
        %mul3A_560 = arith.mulf %bitcast3A_541, %bitcast3A_19 : vector<16xf32>
        %mul3A_561 = arith.mulf %bitcast3A_559, %bitcast3A_36 : vector<16xf32>
        %add3A_562 = arith.addf %mul3A_560, %mul3A_561 : vector<16xf32>
        %reduce_sum3A = arith.constant true
        %reduce_sum3A_563 = vector.broadcast %reduce_sum3A : i1 to vector<16xi1>
        %reduce_sum3A_564 = tpu.scan <sum>, %add3A_562 masked %reduce_sum3A_563 : vector<16xf32>, vector<16xi1> -> vector<16xf32>
        %reduce_sum3A_565 = vector.extract %reduce_sum3A_564[15] : f32 from vector<16xf32>
        %add3A_566 = arith.addf %reduce_sum3A_565, %squeeze3A : f32
        %max3A = arith.constant 0.000000e+00 : f32
        %max3A_567 = arith.maximumf %add3A_566, %max3A : f32
        %mul3A_568 = arith.constant 8 : i32
        %mul3A_569 = arith.muli %add3A_488, %mul3A_568 : i32
        %add3A_570 = arith.addi %mul3A_569, %scan3A_510 : i32
        %jit3A = arith.constant 16 : i32
        %div3A = arith.divsi %add3A_570, %jit3A : i32
        %sign3A = arith.constant 0 : i32
        %sign3A_571 = arith.cmpi sgt, %add3A_570, %sign3A : i32
        %sign3A_572 = arith.extui %sign3A_571 : i1 to i32
        %sign3A_573 = arith.constant 0 : i32
        %sign3A_574 = arith.cmpi slt, %add3A_570, %sign3A_573 : i32
        %sign3A_575 = arith.extui %sign3A_574 : i1 to i32
        %sign3A_576 = arith.subi %sign3A_572, %sign3A_575 : i32
        %sign3A_577 = arith.constant 0 : i32
        %sign3A_578 = arith.cmpi sgt, %jit3A, %sign3A_577 : i32
        %sign3A_579 = arith.extui %sign3A_578 : i1 to i32
        %sign3A_580 = arith.constant 0 : i32
        %sign3A_581 = arith.cmpi slt, %jit3A, %sign3A_580 : i32
        %sign3A_582 = arith.extui %sign3A_581 : i1 to i32
        %sign3A_583 = arith.subi %sign3A_579, %sign3A_582 : i32
        %ne3A = arith.cmpi ne, %sign3A_576, %sign3A_583 : i32
        %rem3A = arith.remsi %add3A_570, %jit3A : i32
        %ne3A_584 = arith.constant 0 : i32
        %ne3A_585 = arith.cmpi ne, %rem3A, %ne3A_584 : i32
        %and3A_586 = arith.andi %ne3A, %ne3A_585 : i1
        %sub3A = arith.constant 1 : i32
        %sub3A_587 = arith.subi %div3A, %sub3A : i32
        %select_n3A = arith.select %and3A_586, %sub3A_587, %div3A : i32
        %mul3A_588 = arith.constant 16 : i32
        %mul3A_589 = arith.muli %select_n3A, %mul3A_588 : i32
        %sub3A_590 = arith.subi %add3A_570, %mul3A_589 : i32
        %eq3A = vector.broadcast %sub3A_590 : i32 to vector<16xi32>
        %eq3A_591 = arith.cmpi eq, %iota3A, %eq3A : vector<16xi32>
        %jit3A_592 = arith.constant 0.000000e+00 : f32
        %broadcast_in_dim3A_593 = vector.broadcast %max3A_567 : f32 to vector<16xf32>
        %broadcast_in_dim3A_594 = vector.broadcast %jit3A_592 : f32 to vector<16xf32>
        %select_n3A_595 = arith.select %eq3A_591, %broadcast_in_dim3A_593, %broadcast_in_dim3A_594 : vector<16xi1>, vector<16xf32>
        %swap3A_596 = arith.index_cast %mul3A_589 : i32 to index
        %swap3A_597 = tpu.vector_load %arg10[%swap3A_596] {strides = array<i32>} : memref<128xf32, #tpu.memory_space<vmem>>, vector<16xf32>,
        tpu.vector_store %arg10[%swap3A_596], %select_n3A_595 {add = true, strides = array<i32>} : memref<128xf32, #tpu.memory_space<vmem>>, vector<16xf32>,
        %scan3A_598 = arith.constant 0 : i32
        scf.yield %scan3A_598 : i32
      }
      %scan3A_501 = arith.constant 8 : i32
      %add3A_502 = arith.constant 2 : i32
      %add3A_503 = arith.addi %add3A_488, %add3A_502 : i32
      %lt3A_504 = arith.constant 16 : i32
      %lt3A_505 = arith.cmpi slt, %add3A_503, %lt3A_504 : i32
      %convert_element_type3A_506 = arith.extui %lt3A_505 : i1 to i32
      %cond3A_507 = arith.constant 0 : i32
      %cond3A_508 = arith.cmpi ne, %convert_element_type3A_506, %cond3A_507 : i32
      scf.if %cond3A_508 {
        %add3A_510 = arith.constant 2 : i32
        %add3A_511 = arith.addi %add3A_488, %add3A_510 : i32
        %mul3A_512 = arith.constant 20 : i32
        %mul3A_513 = arith.muli %add3A_511, %mul3A_512 : i32
        %add3A_514 = arith.constant 0 : i32
        %add3A_515 = arith.addi %mul3A_513, %add3A_514 : i32
        %dma_start3A_516 = arith.constant 0 : i32
        %dma_start3A_517 = arith.constant 0 : i32
        %dma_start3A_518 = tpu.memref_slice %arg8[%dma_start3A_516, %dma_start3A_517] : memref<1600x32xf32, #tpu.memory_space<vmem>> -> memref<80x32xf32, #tpu.memory_space<vmem>>
        %dma_start3A_519 = arith.constant 0 : i32
        %dma_start3A_520 = tpu.memref_slice %arg6[%add3A_515, %dma_start3A_519] : memref<320x80xi32, #tpu.memory_space<vmem>> -> memref<1x80xi32, #tpu.memory_space<vmem>>
        %dma_start3A_521 = tpu.memref_squeeze %dma_start3A_520 : memref<1x80xi32, #tpu.memory_space<vmem>> -> memref<80xi32, #tpu.memory_space<vmem>>
        %dma_start3A_522 = arith.constant 0 : i32
        %dma_start3A_523 = arith.constant 0 : i32
        %dma_start3A_524 = tpu.memref_slice %arg3[%dma_start3A_522, %dma_start3A_523] : memref<1015808x32xf32, #tpu.memory_space<hbm>> -> memref<1015808x32xf32, #tpu.memory_space<hbm>>
        tpu.enqueue_indirect_dma source(%dma_start3A_524 : memref<1015808x32xf32, #tpu.memory_space<hbm>>) target(%dma_start3A_518 : memref<80x32xf32, #tpu.memory_space<vmem>>) offsets(%dma_start3A_521 : memref<80xi32, #tpu.memory_space<vmem>>) semaphore(%arg12 : memref<!tpu.dma_semaphore, #tpu.memory_space<semaphore_mem>>)
        %mul3A_525 = arith.constant 20 : i32
        %mul3A_526 = arith.muli %add3A_511, %mul3A_525 : i32
        %add3A_527 = arith.constant 1 : i32
        %add3A_528 = arith.addi %mul3A_526, %add3A_527 : i32
        %dma_start3A_529 = arith.constant 80 : i32
        %dma_start3A_530 = arith.constant 0 : i32
        %dma_start3A_531 = tpu.memref_slice %arg8[%dma_start3A_529, %dma_start3A_530] : memref<1600x32xf32, #tpu.memory_space<vmem>> -> memref<80x32xf32, #tpu.memory_space<vmem>>
        %dma_start3A_532 = arith.constant 0 : i32
        %dma_start3A_533 = tpu.memref_slice %arg6[%add3A_528, %dma_start3A_532] : memref<320x80xi32, #tpu.memory_space<vmem>> -> memref<1x80xi32, #tpu.memory_space<vmem>>
        %dma_start3A_534 = tpu.memref_squeeze %dma_start3A_533 : memref<1x80xi32, #tpu.memory_space<vmem>> -> memref<80xi32, #tpu.memory_space<vmem>>
        %dma_start3A_535 = arith.constant 0 : i32
        %dma_start3A_536 = arith.constant 0 : i32
        %dma_start3A_537 = tpu.memref_slice %arg3[%dma_start3A_535, %dma_start3A_536] : memref<1015808x32xf32, #tpu.memory_space<hbm>> -> memref<1015808x32xf32, #tpu.memory_space<hbm>>
        tpu.enqueue_indirect_dma source(%dma_start3A_537 : memref<1015808x32xf32, #tpu.memory_space<hbm>>) target(%dma_start3A_531 : memref<80x32xf32, #tpu.memory_space<vmem>>) offsets(%dma_start3A_534 : memref<80xi32, #tpu.memory_space<vmem>>) semaphore(%arg12 : memref<!tpu.dma_semaphore, #tpu.memory_space<semaphore_mem>>)
        %mul3A_538 = arith.constant 20 : i32
        %mul3A_539 = arith.muli %add3A_511, %mul3A_538 : i32
        %add3A_540 = arith.constant 2 : i32
        %add3A_541 = arith.addi %mul3A_539, %add3A_540 : i32
        %dma_start3A_542 = arith.constant 160 : i32
        %dma_start3A_543 = arith.constant 0 : i32
        %dma_start3A_544 = tpu.memref_slice %arg8[%dma_start3A_542, %dma_start3A_543] : memref<1600x32xf32, #tpu.memory_space<vmem>> -> memref<80x32xf32, #tpu.memory_space<vmem>>
        %dma_start3A_545 = arith.constant 0 : i32
        %dma_start3A_546 = tpu.memref_slice %arg6[%add3A_541, %dma_start3A_545] : memref<320x80xi32, #tpu.memory_space<vmem>> -> memref<1x80xi32, #tpu.memory_space<vmem>>
        %dma_start3A_547 = tpu.memref_squeeze %dma_start3A_546 : memref<1x80xi32, #tpu.memory_space<vmem>> -> memref<80xi32, #tpu.memory_space<vmem>>
        %dma_start3A_548 = arith.constant 0 : i32
        %dma_start3A_549 = arith.constant 0 : i32
        %dma_start3A_550 = tpu.memref_slice %arg3[%dma_start3A_548, %dma_start3A_549] : memref<1015808x32xf32, #tpu.memory_space<hbm>> -> memref<1015808x32xf32, #tpu.memory_space<hbm>>
        tpu.enqueue_indirect_dma source(%dma_start3A_550 : memref<1015808x32xf32, #tpu.memory_space<hbm>>) target(%dma_start3A_544 : memref<80x32xf32, #tpu.memory_space<vmem>>) offsets(%dma_start3A_547 : memref<80xi32, #tpu.memory_space<vmem>>) semaphore(%arg12 : memref<!tpu.dma_semaphore, #tpu.memory_space<semaphore_mem>>)
        %mul3A_551 = arith.constant 20 : i32
        %mul3A_552 = arith.muli %add3A_511, %mul3A_551 : i32
        %add3A_553 = arith.constant 3 : i32
        %add3A_554 = arith.addi %mul3A_552, %add3A_553 : i32
        %dma_start3A_555 = arith.constant 240 : i32
        %dma_start3A_556 = arith.constant 0 : i32
        %dma_start3A_557 = tpu.memref_slice %arg8[%dma_start3A_555, %dma_start3A_556] : memref<1600x32xf32, #tpu.memory_space<vmem>> -> memref<80x32xf32, #tpu.memory_space<vmem>>
        %dma_start3A_558 = arith.constant 0 : i32
        %dma_start3A_559 = tpu.memref_slice %arg6[%add3A_554, %dma_start3A_558] : memref<320x80xi32, #tpu.memory_space<vmem>> -> memref<1x80xi32, #tpu.memory_space<vmem>>
        %dma_start3A_560 = tpu.memref_squeeze %dma_start3A_559 : memref<1x80xi32, #tpu.memory_space<vmem>> -> memref<80xi32, #tpu.memory_space<vmem>>
        %dma_start3A_561 = arith.constant 0 : i32
        %dma_start3A_562 = arith.constant 0 : i32
        %dma_start3A_563 = tpu.memref_slice %arg3[%dma_start3A_561, %dma_start3A_562] : memref<1015808x32xf32, #tpu.memory_space<hbm>> -> memref<1015808x32xf32, #tpu.memory_space<hbm>>
        tpu.enqueue_indirect_dma source(%dma_start3A_563 : memref<1015808x32xf32, #tpu.memory_space<hbm>>) target(%dma_start3A_557 : memref<80x32xf32, #tpu.memory_space<vmem>>) offsets(%dma_start3A_560 : memref<80xi32, #tpu.memory_space<vmem>>) semaphore(%arg12 : memref<!tpu.dma_semaphore, #tpu.memory_space<semaphore_mem>>)
        %mul3A_564 = arith.constant 20 : i32
        %mul3A_565 = arith.muli %add3A_511, %mul3A_564 : i32
        %add3A_566 = arith.constant 4 : i32
        %add3A_567 = arith.addi %mul3A_565, %add3A_566 : i32
        %dma_start3A_568 = arith.constant 320 : i32
        %dma_start3A_569 = arith.constant 0 : i32
        %dma_start3A_570 = tpu.memref_slice %arg8[%dma_start3A_568, %dma_start3A_569] : memref<1600x32xf32, #tpu.memory_space<vmem>> -> memref<80x32xf32, #tpu.memory_space<vmem>>
        %dma_start3A_571 = arith.constant 0 : i32
        %dma_start3A_572 = tpu.memref_slice %arg6[%add3A_567, %dma_start3A_571] : memref<320x80xi32, #tpu.memory_space<vmem>> -> memref<1x80xi32, #tpu.memory_space<vmem>>
        %dma_start3A_573 = tpu.memref_squeeze %dma_start3A_572 : memref<1x80xi32, #tpu.memory_space<vmem>> -> memref<80xi32, #tpu.memory_space<vmem>>
        %dma_start3A_574 = arith.constant 0 : i32
        %dma_start3A_575 = arith.constant 0 : i32
        %dma_start3A_576 = tpu.memref_slice %arg3[%dma_start3A_574, %dma_start3A_575] : memref<1015808x32xf32, #tpu.memory_space<hbm>> -> memref<1015808x32xf32, #tpu.memory_space<hbm>>
        tpu.enqueue_indirect_dma source(%dma_start3A_576 : memref<1015808x32xf32, #tpu.memory_space<hbm>>) target(%dma_start3A_570 : memref<80x32xf32, #tpu.memory_space<vmem>>) offsets(%dma_start3A_573 : memref<80xi32, #tpu.memory_space<vmem>>) semaphore(%arg12 : memref<!tpu.dma_semaphore, #tpu.memory_space<semaphore_mem>>)
        %mul3A_577 = arith.constant 20 : i32
        %mul3A_578 = arith.muli %add3A_511, %mul3A_577 : i32
        %add3A_579 = arith.constant 5 : i32
        %add3A_580 = arith.addi %mul3A_578, %add3A_579 : i32
        %dma_start3A_581 = arith.constant 400 : i32
        %dma_start3A_582 = arith.constant 0 : i32
        %dma_start3A_583 = tpu.memref_slice %arg8[%dma_start3A_581, %dma_start3A_582] : memref<1600x32xf32, #tpu.memory_space<vmem>> -> memref<80x32xf32, #tpu.memory_space<vmem>>
        %dma_start3A_584 = arith.constant 0 : i32
        %dma_start3A_585 = tpu.memref_slice %arg6[%add3A_580, %dma_start3A_584] : memref<320x80xi32, #tpu.memory_space<vmem>> -> memref<1x80xi32, #tpu.memory_space<vmem>>
        %dma_start3A_586 = tpu.memref_squeeze %dma_start3A_585 : memref<1x80xi32, #tpu.memory_space<vmem>> -> memref<80xi32, #tpu.memory_space<vmem>>
        %dma_start3A_587 = arith.constant 0 : i32
        %dma_start3A_588 = arith.constant 0 : i32
        %dma_start3A_589 = tpu.memref_slice %arg3[%dma_start3A_587, %dma_start3A_588] : memref<1015808x32xf32, #tpu.memory_space<hbm>> -> memref<1015808x32xf32, #tpu.memory_space<hbm>>
        tpu.enqueue_indirect_dma source(%dma_start3A_589 : memref<1015808x32xf32, #tpu.memory_space<hbm>>) target(%dma_start3A_583 : memref<80x32xf32, #tpu.memory_space<vmem>>) offsets(%dma_start3A_586 : memref<80xi32, #tpu.memory_space<vmem>>) semaphore(%arg12 : memref<!tpu.dma_semaphore, #tpu.memory_space<semaphore_mem>>)
        %mul3A_590 = arith.constant 20 : i32
        %mul3A_591 = arith.muli %add3A_511, %mul3A_590 : i32
        %add3A_592 = arith.constant 6 : i32
        %add3A_593 = arith.addi %mul3A_591, %add3A_592 : i32
        %dma_start3A_594 = arith.constant 480 : i32
        %dma_start3A_595 = arith.constant 0 : i32
        %dma_start3A_596 = tpu.memref_slice %arg8[%dma_start3A_594, %dma_start3A_595] : memref<1600x32xf32, #tpu.memory_space<vmem>> -> memref<80x32xf32, #tpu.memory_space<vmem>>
        %dma_start3A_597 = arith.constant 0 : i32
        %dma_start3A_598 = tpu.memref_slice %arg6[%add3A_593, %dma_start3A_597] : memref<320x80xi32, #tpu.memory_space<vmem>> -> memref<1x80xi32, #tpu.memory_space<vmem>>
        %dma_start3A_599 = tpu.memref_squeeze %dma_start3A_598 : memref<1x80xi32, #tpu.memory_space<vmem>> -> memref<80xi32, #tpu.memory_space<vmem>>
        %dma_start3A_600 = arith.constant 0 : i32
        %dma_start3A_601 = arith.constant 0 : i32
        %dma_start3A_602 = tpu.memref_slice %arg3[%dma_start3A_600, %dma_start3A_601] : memref<1015808x32xf32, #tpu.memory_space<hbm>> -> memref<1015808x32xf32, #tpu.memory_space<hbm>>
        tpu.enqueue_indirect_dma source(%dma_start3A_602 : memref<1015808x32xf32, #tpu.memory_space<hbm>>) target(%dma_start3A_596 : memref<80x32xf32, #tpu.memory_space<vmem>>) offsets(%dma_start3A_599 : memref<80xi32, #tpu.memory_space<vmem>>) semaphore(%arg12 : memref<!tpu.dma_semaphore, #tpu.memory_space<semaphore_mem>>)
        %mul3A_603 = arith.constant 20 : i32
        %mul3A_604 = arith.muli %add3A_511, %mul3A_603 : i32
        %add3A_605 = arith.constant 7 : i32
        %add3A_606 = arith.addi %mul3A_604, %add3A_605 : i32
        %dma_start3A_607 = arith.constant 560 : i32
        %dma_start3A_608 = arith.constant 0 : i32
        %dma_start3A_609 = tpu.memref_slice %arg8[%dma_start3A_607, %dma_start3A_608] : memref<1600x32xf32, #tpu.memory_space<vmem>> -> memref<80x32xf32, #tpu.memory_space<vmem>>
        %dma_start3A_610 = arith.constant 0 : i32
        %dma_start3A_611 = tpu.memref_slice %arg6[%add3A_606, %dma_start3A_610] : memref<320x80xi32, #tpu.memory_space<vmem>> -> memref<1x80xi32, #tpu.memory_space<vmem>>
        %dma_start3A_612 = tpu.memref_squeeze %dma_start3A_611 : memref<1x80xi32, #tpu.memory_space<vmem>> -> memref<80xi32, #tpu.memory_space<vmem>>
        %dma_start3A_613 = arith.constant 0 : i32
        %dma_start3A_614 = arith.constant 0 : i32
        %dma_start3A_615 = tpu.memref_slice %arg3[%dma_start3A_613, %dma_start3A_614] : memref<1015808x32xf32, #tpu.memory_space<hbm>> -> memref<1015808x32xf32, #tpu.memory_space<hbm>>
        tpu.enqueue_indirect_dma source(%dma_start3A_615 : memref<1015808x32xf32, #tpu.memory_space<hbm>>) target(%dma_start3A_609 : memref<80x32xf32, #tpu.memory_space<vmem>>) offsets(%dma_start3A_612 : memref<80xi32, #tpu.memory_space<vmem>>) semaphore(%arg12 : memref<!tpu.dma_semaphore, #tpu.memory_space<semaphore_mem>>)
        %mul3A_616 = arith.constant 20 : i32
        %mul3A_617 = arith.muli %add3A_511, %mul3A_616 : i32
        %add3A_618 = arith.constant 8 : i32
        %add3A_619 = arith.addi %mul3A_617, %add3A_618 : i32
        %dma_start3A_620 = arith.constant 640 : i32
        %dma_start3A_621 = arith.constant 0 : i32
        %dma_start3A_622 = tpu.memref_slice %arg8[%dma_start3A_620, %dma_start3A_621] : memref<1600x32xf32, #tpu.memory_space<vmem>> -> memref<80x32xf32, #tpu.memory_space<vmem>>
        %dma_start3A_623 = arith.constant 0 : i32
        %dma_start3A_624 = tpu.memref_slice %arg6[%add3A_619, %dma_start3A_623] : memref<320x80xi32, #tpu.memory_space<vmem>> -> memref<1x80xi32, #tpu.memory_space<vmem>>
        %dma_start3A_625 = tpu.memref_squeeze %dma_start3A_624 : memref<1x80xi32, #tpu.memory_space<vmem>> -> memref<80xi32, #tpu.memory_space<vmem>>
        %dma_start3A_626 = arith.constant 0 : i32
        %dma_start3A_627 = arith.constant 0 : i32
        %dma_start3A_628 = tpu.memref_slice %arg3[%dma_start3A_626, %dma_start3A_627] : memref<1015808x32xf32, #tpu.memory_space<hbm>> -> memref<1015808x32xf32, #tpu.memory_space<hbm>>
        tpu.enqueue_indirect_dma source(%dma_start3A_628 : memref<1015808x32xf32, #tpu.memory_space<hbm>>) target(%dma_start3A_622 : memref<80x32xf32, #tpu.memory_space<vmem>>) offsets(%dma_start3A_625 : memref<80xi32, #tpu.memory_space<vmem>>) semaphore(%arg12 : memref<!tpu.dma_semaphore, #tpu.memory_space<semaphore_mem>>)
        %mul3A_629 = arith.constant 20 : i32
        %mul3A_630 = arith.muli %add3A_511, %mul3A_629 : i32
        %add3A_631 = arith.constant 9 : i32
        %add3A_632 = arith.addi %mul3A_630, %add3A_631 : i32
        %dma_start3A_633 = arith.constant 720 : i32
        %dma_start3A_634 = arith.constant 0 : i32
        %dma_start3A_635 = tpu.memref_slice %arg8[%dma_start3A_633, %dma_start3A_634] : memref<1600x32xf32, #tpu.memory_space<vmem>> -> memref<80x32xf32, #tpu.memory_space<vmem>>
        %dma_start3A_636 = arith.constant 0 : i32
        %dma_start3A_637 = tpu.memref_slice %arg6[%add3A_632, %dma_start3A_636] : memref<320x80xi32, #tpu.memory_space<vmem>> -> memref<1x80xi32, #tpu.memory_space<vmem>>
        %dma_start3A_638 = tpu.memref_squeeze %dma_start3A_637 : memref<1x80xi32, #tpu.memory_space<vmem>> -> memref<80xi32, #tpu.memory_space<vmem>>
        %dma_start3A_639 = arith.constant 0 : i32
        %dma_start3A_640 = arith.constant 0 : i32
        %dma_start3A_641 = tpu.memref_slice %arg3[%dma_start3A_639, %dma_start3A_640] : memref<1015808x32xf32, #tpu.memory_space<hbm>> -> memref<1015808x32xf32, #tpu.memory_space<hbm>>
        tpu.enqueue_indirect_dma source(%dma_start3A_641 : memref<1015808x32xf32, #tpu.memory_space<hbm>>) target(%dma_start3A_635 : memref<80x32xf32, #tpu.memory_space<vmem>>) offsets(%dma_start3A_638 : memref<80xi32, #tpu.memory_space<vmem>>) semaphore(%arg12 : memref<!tpu.dma_semaphore, #tpu.memory_space<semaphore_mem>>)
        %mul3A_642 = arith.constant 20 : i32
        %mul3A_643 = arith.muli %add3A_511, %mul3A_642 : i32
        %add3A_644 = arith.constant 10 : i32
        %add3A_645 = arith.addi %mul3A_643, %add3A_644 : i32
        %dma_start3A_646 = arith.constant 800 : i32
        %dma_start3A_647 = arith.constant 0 : i32
        %dma_start3A_648 = tpu.memref_slice %arg8[%dma_start3A_646, %dma_start3A_647] : memref<1600x32xf32, #tpu.memory_space<vmem>> -> memref<80x32xf32, #tpu.memory_space<vmem>>
        %dma_start3A_649 = arith.constant 0 : i32
        %dma_start3A_650 = tpu.memref_slice %arg6[%add3A_645, %dma_start3A_649] : memref<320x80xi32, #tpu.memory_space<vmem>> -> memref<1x80xi32, #tpu.memory_space<vmem>>
        %dma_start3A_651 = tpu.memref_squeeze %dma_start3A_650 : memref<1x80xi32, #tpu.memory_space<vmem>> -> memref<80xi32, #tpu.memory_space<vmem>>
        %dma_start3A_652 = arith.constant 0 : i32
        %dma_start3A_653 = arith.constant 0 : i32
        %dma_start3A_654 = tpu.memref_slice %arg3[%dma_start3A_652, %dma_start3A_653] : memref<1015808x32xf32, #tpu.memory_space<hbm>> -> memref<1015808x32xf32, #tpu.memory_space<hbm>>
        tpu.enqueue_indirect_dma source(%dma_start3A_654 : memref<1015808x32xf32, #tpu.memory_space<hbm>>) target(%dma_start3A_648 : memref<80x32xf32, #tpu.memory_space<vmem>>) offsets(%dma_start3A_651 : memref<80xi32, #tpu.memory_space<vmem>>) semaphore(%arg12 : memref<!tpu.dma_semaphore, #tpu.memory_space<semaphore_mem>>)
        %mul3A_655 = arith.constant 20 : i32
        %mul3A_656 = arith.muli %add3A_511, %mul3A_655 : i32
        %add3A_657 = arith.constant 11 : i32
        %add3A_658 = arith.addi %mul3A_656, %add3A_657 : i32
        %dma_start3A_659 = arith.constant 880 : i32
        %dma_start3A_660 = arith.constant 0 : i32
        %dma_start3A_661 = tpu.memref_slice %arg8[%dma_start3A_659, %dma_start3A_660] : memref<1600x32xf32, #tpu.memory_space<vmem>> -> memref<80x32xf32, #tpu.memory_space<vmem>>
        %dma_start3A_662 = arith.constant 0 : i32
        %dma_start3A_663 = tpu.memref_slice %arg6[%add3A_658, %dma_start3A_662] : memref<320x80xi32, #tpu.memory_space<vmem>> -> memref<1x80xi32, #tpu.memory_space<vmem>>
        %dma_start3A_664 = tpu.memref_squeeze %dma_start3A_663 : memref<1x80xi32, #tpu.memory_space<vmem>> -> memref<80xi32, #tpu.memory_space<vmem>>
        %dma_start3A_665 = arith.constant 0 : i32
        %dma_start3A_666 = arith.constant 0 : i32
        %dma_start3A_667 = tpu.memref_slice %arg3[%dma_start3A_665, %dma_start3A_666] : memref<1015808x32xf32, #tpu.memory_space<hbm>> -> memref<1015808x32xf32, #tpu.memory_space<hbm>>
        tpu.enqueue_indirect_dma source(%dma_start3A_667 : memref<1015808x32xf32, #tpu.memory_space<hbm>>) target(%dma_start3A_661 : memref<80x32xf32, #tpu.memory_space<vmem>>) offsets(%dma_start3A_664 : memref<80xi32, #tpu.memory_space<vmem>>) semaphore(%arg12 : memref<!tpu.dma_semaphore, #tpu.memory_space<semaphore_mem>>)
        %mul3A_668 = arith.constant 20 : i32
        %mul3A_669 = arith.muli %add3A_511, %mul3A_668 : i32
        %add3A_670 = arith.constant 12 : i32
        %add3A_671 = arith.addi %mul3A_669, %add3A_670 : i32
        %dma_start3A_672 = arith.constant 960 : i32
        %dma_start3A_673 = arith.constant 0 : i32
        %dma_start3A_674 = tpu.memref_slice %arg8[%dma_start3A_672, %dma_start3A_673] : memref<1600x32xf32, #tpu.memory_space<vmem>> -> memref<80x32xf32, #tpu.memory_space<vmem>>
        %dma_start3A_675 = arith.constant 0 : i32
        %dma_start3A_676 = tpu.memref_slice %arg6[%add3A_671, %dma_start3A_675] : memref<320x80xi32, #tpu.memory_space<vmem>> -> memref<1x80xi32, #tpu.memory_space<vmem>>
        %dma_start3A_677 = tpu.memref_squeeze %dma_start3A_676 : memref<1x80xi32, #tpu.memory_space<vmem>> -> memref<80xi32, #tpu.memory_space<vmem>>
        %dma_start3A_678 = arith.constant 0 : i32
        %dma_start3A_679 = arith.constant 0 : i32
        %dma_start3A_680 = tpu.memref_slice %arg3[%dma_start3A_678, %dma_start3A_679] : memref<1015808x32xf32, #tpu.memory_space<hbm>> -> memref<1015808x32xf32, #tpu.memory_space<hbm>>
        tpu.enqueue_indirect_dma source(%dma_start3A_680 : memref<1015808x32xf32, #tpu.memory_space<hbm>>) target(%dma_start3A_674 : memref<80x32xf32, #tpu.memory_space<vmem>>) offsets(%dma_start3A_677 : memref<80xi32, #tpu.memory_space<vmem>>) semaphore(%arg12 : memref<!tpu.dma_semaphore, #tpu.memory_space<semaphore_mem>>)
        %mul3A_681 = arith.constant 20 : i32
        %mul3A_682 = arith.muli %add3A_511, %mul3A_681 : i32
        %add3A_683 = arith.constant 13 : i32
        %add3A_684 = arith.addi %mul3A_682, %add3A_683 : i32
        %dma_start3A_685 = arith.constant 1040 : i32
        %dma_start3A_686 = arith.constant 0 : i32
        %dma_start3A_687 = tpu.memref_slice %arg8[%dma_start3A_685, %dma_start3A_686] : memref<1600x32xf32, #tpu.memory_space<vmem>> -> memref<80x32xf32, #tpu.memory_space<vmem>>
        %dma_start3A_688 = arith.constant 0 : i32
        %dma_start3A_689 = tpu.memref_slice %arg6[%add3A_684, %dma_start3A_688] : memref<320x80xi32, #tpu.memory_space<vmem>> -> memref<1x80xi32, #tpu.memory_space<vmem>>
        %dma_start3A_690 = tpu.memref_squeeze %dma_start3A_689 : memref<1x80xi32, #tpu.memory_space<vmem>> -> memref<80xi32, #tpu.memory_space<vmem>>
        %dma_start3A_691 = arith.constant 0 : i32
        %dma_start3A_692 = arith.constant 0 : i32
        %dma_start3A_693 = tpu.memref_slice %arg3[%dma_start3A_691, %dma_start3A_692] : memref<1015808x32xf32, #tpu.memory_space<hbm>> -> memref<1015808x32xf32, #tpu.memory_space<hbm>>
        tpu.enqueue_indirect_dma source(%dma_start3A_693 : memref<1015808x32xf32, #tpu.memory_space<hbm>>) target(%dma_start3A_687 : memref<80x32xf32, #tpu.memory_space<vmem>>) offsets(%dma_start3A_690 : memref<80xi32, #tpu.memory_space<vmem>>) semaphore(%arg12 : memref<!tpu.dma_semaphore, #tpu.memory_space<semaphore_mem>>)
        %mul3A_694 = arith.constant 20 : i32
        %mul3A_695 = arith.muli %add3A_511, %mul3A_694 : i32
        %add3A_696 = arith.constant 14 : i32
        %add3A_697 = arith.addi %mul3A_695, %add3A_696 : i32
        %dma_start3A_698 = arith.constant 1120 : i32
        %dma_start3A_699 = arith.constant 0 : i32
        %dma_start3A_700 = tpu.memref_slice %arg8[%dma_start3A_698, %dma_start3A_699] : memref<1600x32xf32, #tpu.memory_space<vmem>> -> memref<80x32xf32, #tpu.memory_space<vmem>>
        %dma_start3A_701 = arith.constant 0 : i32
        %dma_start3A_702 = tpu.memref_slice %arg6[%add3A_697, %dma_start3A_701] : memref<320x80xi32, #tpu.memory_space<vmem>> -> memref<1x80xi32, #tpu.memory_space<vmem>>
        %dma_start3A_703 = tpu.memref_squeeze %dma_start3A_702 : memref<1x80xi32, #tpu.memory_space<vmem>> -> memref<80xi32, #tpu.memory_space<vmem>>
        %dma_start3A_704 = arith.constant 0 : i32
        %dma_start3A_705 = arith.constant 0 : i32
        %dma_start3A_706 = tpu.memref_slice %arg3[%dma_start3A_704, %dma_start3A_705] : memref<1015808x32xf32, #tpu.memory_space<hbm>> -> memref<1015808x32xf32, #tpu.memory_space<hbm>>
        tpu.enqueue_indirect_dma source(%dma_start3A_706 : memref<1015808x32xf32, #tpu.memory_space<hbm>>) target(%dma_start3A_700 : memref<80x32xf32, #tpu.memory_space<vmem>>) offsets(%dma_start3A_703 : memref<80xi32, #tpu.memory_space<vmem>>) semaphore(%arg12 : memref<!tpu.dma_semaphore, #tpu.memory_space<semaphore_mem>>)
        %mul3A_707 = arith.constant 20 : i32
        %mul3A_708 = arith.muli %add3A_511, %mul3A_707 : i32
        %add3A_709 = arith.constant 15 : i32
        %add3A_710 = arith.addi %mul3A_708, %add3A_709 : i32
        %dma_start3A_711 = arith.constant 1200 : i32
        %dma_start3A_712 = arith.constant 0 : i32
        %dma_start3A_713 = tpu.memref_slice %arg8[%dma_start3A_711, %dma_start3A_712] : memref<1600x32xf32, #tpu.memory_space<vmem>> -> memref<80x32xf32, #tpu.memory_space<vmem>>
        %dma_start3A_714 = arith.constant 0 : i32
        %dma_start3A_715 = tpu.memref_slice %arg6[%add3A_710, %dma_start3A_714] : memref<320x80xi32, #tpu.memory_space<vmem>> -> memref<1x80xi32, #tpu.memory_space<vmem>>
        %dma_start3A_716 = tpu.memref_squeeze %dma_start3A_715 : memref<1x80xi32, #tpu.memory_space<vmem>> -> memref<80xi32, #tpu.memory_space<vmem>>
        %dma_start3A_717 = arith.constant 0 : i32
        %dma_start3A_718 = arith.constant 0 : i32
        %dma_start3A_719 = tpu.memref_slice %arg3[%dma_start3A_717, %dma_start3A_718] : memref<1015808x32xf32, #tpu.memory_space<hbm>> -> memref<1015808x32xf32, #tpu.memory_space<hbm>>
        tpu.enqueue_indirect_dma source(%dma_start3A_719 : memref<1015808x32xf32, #tpu.memory_space<hbm>>) target(%dma_start3A_713 : memref<80x32xf32, #tpu.memory_space<vmem>>) offsets(%dma_start3A_716 : memref<80xi32, #tpu.memory_space<vmem>>) semaphore(%arg12 : memref<!tpu.dma_semaphore, #tpu.memory_space<semaphore_mem>>)
        %mul3A_720 = arith.constant 20 : i32
        %mul3A_721 = arith.muli %add3A_511, %mul3A_720 : i32
        %add3A_722 = arith.constant 16 : i32
        %add3A_723 = arith.addi %mul3A_721, %add3A_722 : i32
        %dma_start3A_724 = arith.constant 1280 : i32
        %dma_start3A_725 = arith.constant 0 : i32
        %dma_start3A_726 = tpu.memref_slice %arg8[%dma_start3A_724, %dma_start3A_725] : memref<1600x32xf32, #tpu.memory_space<vmem>> -> memref<80x32xf32, #tpu.memory_space<vmem>>
        %dma_start3A_727 = arith.constant 0 : i32
        %dma_start3A_728 = tpu.memref_slice %arg6[%add3A_723, %dma_start3A_727] : memref<320x80xi32, #tpu.memory_space<vmem>> -> memref<1x80xi32, #tpu.memory_space<vmem>>
        %dma_start3A_729 = tpu.memref_squeeze %dma_start3A_728 : memref<1x80xi32, #tpu.memory_space<vmem>> -> memref<80xi32, #tpu.memory_space<vmem>>
        %dma_start3A_730 = arith.constant 0 : i32
        %dma_start3A_731 = arith.constant 0 : i32
        %dma_start3A_732 = tpu.memref_slice %arg3[%dma_start3A_730, %dma_start3A_731] : memref<1015808x32xf32, #tpu.memory_space<hbm>> -> memref<1015808x32xf32, #tpu.memory_space<hbm>>
        tpu.enqueue_indirect_dma source(%dma_start3A_732 : memref<1015808x32xf32, #tpu.memory_space<hbm>>) target(%dma_start3A_726 : memref<80x32xf32, #tpu.memory_space<vmem>>) offsets(%dma_start3A_729 : memref<80xi32, #tpu.memory_space<vmem>>) semaphore(%arg12 : memref<!tpu.dma_semaphore, #tpu.memory_space<semaphore_mem>>)
        %mul3A_733 = arith.constant 20 : i32
        %mul3A_734 = arith.muli %add3A_511, %mul3A_733 : i32
        %add3A_735 = arith.constant 17 : i32
        %add3A_736 = arith.addi %mul3A_734, %add3A_735 : i32
        %dma_start3A_737 = arith.constant 1360 : i32
        %dma_start3A_738 = arith.constant 0 : i32
        %dma_start3A_739 = tpu.memref_slice %arg8[%dma_start3A_737, %dma_start3A_738] : memref<1600x32xf32, #tpu.memory_space<vmem>> -> memref<80x32xf32, #tpu.memory_space<vmem>>
        %dma_start3A_740 = arith.constant 0 : i32
        %dma_start3A_741 = tpu.memref_slice %arg6[%add3A_736, %dma_start3A_740] : memref<320x80xi32, #tpu.memory_space<vmem>> -> memref<1x80xi32, #tpu.memory_space<vmem>>
        %dma_start3A_742 = tpu.memref_squeeze %dma_start3A_741 : memref<1x80xi32, #tpu.memory_space<vmem>> -> memref<80xi32, #tpu.memory_space<vmem>>
        %dma_start3A_743 = arith.constant 0 : i32
        %dma_start3A_744 = arith.constant 0 : i32
        %dma_start3A_745 = tpu.memref_slice %arg3[%dma_start3A_743, %dma_start3A_744] : memref<1015808x32xf32, #tpu.memory_space<hbm>> -> memref<1015808x32xf32, #tpu.memory_space<hbm>>
        tpu.enqueue_indirect_dma source(%dma_start3A_745 : memref<1015808x32xf32, #tpu.memory_space<hbm>>) target(%dma_start3A_739 : memref<80x32xf32, #tpu.memory_space<vmem>>) offsets(%dma_start3A_742 : memref<80xi32, #tpu.memory_space<vmem>>) semaphore(%arg12 : memref<!tpu.dma_semaphore, #tpu.memory_space<semaphore_mem>>)
        %mul3A_746 = arith.constant 20 : i32
        %mul3A_747 = arith.muli %add3A_511, %mul3A_746 : i32
        %add3A_748 = arith.constant 18 : i32
        %add3A_749 = arith.addi %mul3A_747, %add3A_748 : i32
        %dma_start3A_750 = arith.constant 1440 : i32
        %dma_start3A_751 = arith.constant 0 : i32
        %dma_start3A_752 = tpu.memref_slice %arg8[%dma_start3A_750, %dma_start3A_751] : memref<1600x32xf32, #tpu.memory_space<vmem>> -> memref<80x32xf32, #tpu.memory_space<vmem>>
        %dma_start3A_753 = arith.constant 0 : i32
        %dma_start3A_754 = tpu.memref_slice %arg6[%add3A_749, %dma_start3A_753] : memref<320x80xi32, #tpu.memory_space<vmem>> -> memref<1x80xi32, #tpu.memory_space<vmem>>
        %dma_start3A_755 = tpu.memref_squeeze %dma_start3A_754 : memref<1x80xi32, #tpu.memory_space<vmem>> -> memref<80xi32, #tpu.memory_space<vmem>>
        %dma_start3A_756 = arith.constant 0 : i32
        %dma_start3A_757 = arith.constant 0 : i32
        %dma_start3A_758 = tpu.memref_slice %arg3[%dma_start3A_756, %dma_start3A_757] : memref<1015808x32xf32, #tpu.memory_space<hbm>> -> memref<1015808x32xf32, #tpu.memory_space<hbm>>
        tpu.enqueue_indirect_dma source(%dma_start3A_758 : memref<1015808x32xf32, #tpu.memory_space<hbm>>) target(%dma_start3A_752 : memref<80x32xf32, #tpu.memory_space<vmem>>) offsets(%dma_start3A_755 : memref<80xi32, #tpu.memory_space<vmem>>) semaphore(%arg12 : memref<!tpu.dma_semaphore, #tpu.memory_space<semaphore_mem>>)
        %mul3A_759 = arith.constant 20 : i32
        %mul3A_760 = arith.muli %add3A_511, %mul3A_759 : i32
        %add3A_761 = arith.constant 19 : i32
        %add3A_762 = arith.addi %mul3A_760, %add3A_761 : i32
        %dma_start3A_763 = arith.constant 1520 : i32
        %dma_start3A_764 = arith.constant 0 : i32
        %dma_start3A_765 = tpu.memref_slice %arg8[%dma_start3A_763, %dma_start3A_764] : memref<1600x32xf32, #tpu.memory_space<vmem>> -> memref<80x32xf32, #tpu.memory_space<vmem>>
        %dma_start3A_766 = arith.constant 0 : i32
        %dma_start3A_767 = tpu.memref_slice %arg6[%add3A_762, %dma_start3A_766] : memref<320x80xi32, #tpu.memory_space<vmem>> -> memref<1x80xi32, #tpu.memory_space<vmem>>
        %dma_start3A_768 = tpu.memref_squeeze %dma_start3A_767 : memref<1x80xi32, #tpu.memory_space<vmem>> -> memref<80xi32, #tpu.memory_space<vmem>>
        %dma_start3A_769 = arith.constant 0 : i32
        %dma_start3A_770 = arith.constant 0 : i32
        %dma_start3A_771 = tpu.memref_slice %arg3[%dma_start3A_769, %dma_start3A_770] : memref<1015808x32xf32, #tpu.memory_space<hbm>> -> memref<1015808x32xf32, #tpu.memory_space<hbm>>
        tpu.enqueue_indirect_dma source(%dma_start3A_771 : memref<1015808x32xf32, #tpu.memory_space<hbm>>) target(%dma_start3A_765 : memref<80x32xf32, #tpu.memory_space<vmem>>) offsets(%dma_start3A_768 : memref<80xi32, #tpu.memory_space<vmem>>) semaphore(%arg12 : memref<!tpu.dma_semaphore, #tpu.memory_space<semaphore_mem>>)
      } else {
      }
      %scan3A_509 = arith.constant 0 : i32
      scf.yield %scan3A_509 : i32
    }
    %scan3A_460 = arith.constant 8 : i32
    %mul3A_461 = arith.constant 128 : i32
    %mul3A_462 = arith.muli %add3A, %mul3A_461 : i32
    "tpu.region"() ({
      %run_scoped3A = tpu.sem_alloc : memref<!tpu.dma_semaphore, #tpu.memory_space<semaphore_mem>>
      %dma_start3A_463 = tpu.memref_slice %arg5[%mul3A_462] : memref<4096xf32, #tpu.memory_space<hbm>> -> memref<128xf32, #tpu.memory_space<hbm>>
      %dma_start3A_464 = tpu.memref_slice %arg5[%mul3A_462] : memref<4096xf32, #tpu.memory_space<hbm>> -> memref<128xf32, #tpu.memory_space<hbm>>
      tpu.enqueue_dma source(%arg10 : memref<128xf32, #tpu.memory_space<vmem>>) target(%dma_start3A_464 : memref<128xf32, #tpu.memory_space<hbm>>) target_semaphore(%run_scoped3A : memref<!tpu.dma_semaphore, #tpu.memory_space<semaphore_mem>>)
      %dma_wait3A = tpu.memref_slice %arg5[%mul3A_462] : memref<4096xf32, #tpu.memory_space<hbm>> -> memref<128xf32, #tpu.memory_space<hbm>>
      %dma_wait3A_465 = tpu.memref_slice %arg5[%mul3A_462] : memref<4096xf32, #tpu.memory_space<hbm>> -> memref<128xf32, #tpu.memory_space<hbm>>
      tpu.wait_dma2 semaphore(%run_scoped3A : memref<!tpu.dma_semaphore, #tpu.memory_space<semaphore_mem>>) src(%arg10 : memref<128xf32, #tpu.memory_space<vmem>>) dst(%dma_wait3A_465 : memref<128xf32, #tpu.memory_space<hbm>>)
      tpu.yield
    }) : () -> ()
    return
  }
}

module attributes {stable_mosaic.version = 14 : i64} {
  func.func @_tc_convert_body(%arg0: i32, %arg1: memref<32x32768xf32, #tpu.memory_space<vmem>>, %arg2: memref<8192x128xf32, #tpu.memory_space<vmem>>) attributes {dimension_semantics = [#tpu.dimension_semantics<arbitrary>], iteration_bounds = array<i64: 31>, scalar_prefetch = 0 : i64, scratch_operands = 0 : i64, tpu.core_type = #tpu.core_type<tc>, window_params = [{transform_indices = @transform_0, window_bounds = array<i64: 32, 32768>}, {transform_indices = @transform_1, window_bounds = array<i64: 8192, 128>}]} {
    %get3A = arith.constant 0 : index
    %get3A_0 = arith.constant 0 : index
    %get3A_1 = vector.load %arg1[%get3A, %get3A_0] : memref<32x32768xf32, #tpu.memory_space<vmem>>, vector<32x32768xf32>
    %max3A = arith.constant 0.000000e+00 : f32
    %max3A_2 = vector.broadcast %max3A : f32 to vector<32x32768xf32>
    %max3A_3 = arith.maximumf %get3A_1, %max3A_2 : vector<32x32768xf32>
    %slice3A = vector.extract_strided_slice %max3A_3 {offsets = [0, 0], sizes = [32, 8192], strides = [1, 1]} : vector<32x32768xf32> to vector<32x8192xf32>
    %slice3A_4 = vector.extract_strided_slice %max3A_3 {offsets = [0, 8192], sizes = [32, 8192], strides = [1, 1]} : vector<32x32768xf32> to vector<32x8192xf32>
    %slice3A_5 = vector.extract_strided_slice %max3A_3 {offsets = [0, 16384], sizes = [32, 8192], strides = [1, 1]} : vector<32x32768xf32> to vector<32x8192xf32>
    %slice3A_6 = vector.extract_strided_slice %max3A_3 {offsets = [0, 24576], sizes = [32, 8192], strides = [1, 1]} : vector<32x32768xf32> to vector<32x8192xf32>
    %concatenate3A = tpu.concatenate %slice3A, %slice3A_4, %slice3A_5, %slice3A_6 in 0 : vector<32x8192xf32>, vector<32x8192xf32>, vector<32x8192xf32>, vector<32x8192xf32> -> vector<128x8192xf32>
    %transpose3A = tpu.transpose %concatenate3A, [1, 0] : vector<128x8192xf32> -> vector<8192x128xf32>
    %swap3A = arith.constant 0 : index
    %swap3A_7 = arith.constant 0 : index
    %swap3A_8 = vector.load %arg2[%swap3A, %swap3A_7] : memref<8192x128xf32, #tpu.memory_space<vmem>>, vector<8192x128xf32>
    tpu.vector_store %arg2[%swap3A, %swap3A_7], %transpose3A {strides = array<i32>} : memref<8192x128xf32, #tpu.memory_space<vmem>>, vector<8192x128xf32>,
    return
  }
  func.func @transform_0(%arg0: i32) -> (i32, i32) {
    %c0_i32 = arith.constant 0 : i32
    %c0_i32_0 = arith.constant 0 : i32
    return %c0_i32, %arg0 : i32, i32
  }
  func.func @transform_1(%arg0: i32) -> (i32, i32) {
    %c0_i32 = arith.constant 0 : i32
    %c0_i32_0 = arith.constant 0 : i32
    return %arg0, %c0_i32 : i32, i32
  }
}

</mosaic_0001>

<sc_bundles>
// kernel: _run.4.cloned.1.call-start
scs
__scs_entry_jumppad:
0x0: {  	(pc) =	sbr.rel $0x88, $3  }
0x1: {  	(tag) =	ssettag $0x0;
	lr =	simm.s32 $0x1  }
0x2: {  	[smem:$0x3F9E] =	sst lr;
	_ =	strace $0xD0000000  }
0x3: {  	_ = 	snop  }
0x4: {  	_ = 	snop  }
0x5: {  	_ = 	snop  }
0x6: {  	_ = 	snop  }
0x7: {  	_ = 	snop  }
__scs_overlays_trampoline_lowered:
0x8: {  	[smem:$0x3FAD] =	sst s0  }
0x9: {  	[smem:$0x3FAE] =	sst s1  }
0xa: {  	[smem:$0x3FAF] =	sst s2  }
0xb: {  	[smem:$0x3FB0] =	sst s3  }
0xc: {  	[smem:$0x3FB1] =	sst s4  }
0xd: {  	[smem:$0x3FB2] =	sst s5  }
0xe: {  	[smem:$0x3FB3] =	sst s6  }
0xf: {  	[smem:$0x3FB4] =	sst s7  }
0x10: {  	[smem:$0x3FB5] =	sst s8  }
0x11: {  	[smem:$0x3FB6] =	sst s9;
	s0 =	simm.s32 @!p0 $0x0  }
0x12: {  	s1 =	sld [smem:$0x3F9C];
	s0 =	simm.s32 @p0 $0x1  }
0x13: {  	[smem:$0x3FB7] =	sst s0;
	s0 =	simm.s32 @!p1 $0x0  }
0x14: {  	s2 =	sld [smem:$0x3F9B];
	s0 =	simm.s32 @p1 $0x1  }
0x15: {  	[smem:$0x3FB8] =	sst s0;
	s0 =	simm.s32 @!p2 $0x0  }
0x16: {  	s3 =	sld [smem:$0x3FDB];
	s0 =	simm.s32 @p2 $0x1  }
0x17: {  	s4 =	simm.s32 $0x1BF5;
	[smem:$0x3FBA] =	sst s0  }
0x18: {  	s0 =	sld [smem:$0x3F9D];
	_ =	swait.ge [sflag:s4], $0x0  }
0x19: {  	s7 =	sld [smem:$0x3F9E]  }
0x1a: {  	s8 =	sadd.s32 $0xFFFFE003, lr  }
0x1b: {  	s9 =	sadd.s32 $0xFFFFFEF7, lr;
	s5 =	simm.s32 $0xFFFFFFFF;
	p2 =	slt.u32 s8, $0xFFFFF086  }
0x1c: {  	p1 =	slt.u32 s9, $0xF7A;
	s5 =	simm.s32 @!p2 $0x0  }
0x1d: {  	s5 =	simm.s32 @p1 $0x1;
	p0 =	seq.s32 s7, s2  }
0x1e: {  	s7 =	smul.u32 @!p0 $0xF7A, s2;
	p2 =	seq.s32 @!p0 s5, $0x0  }
0x1f: {  	s9 =	smul.u32 $0xF7A, s1;
	s8 =	simm.s32 @!p0 $0x1BF5;
	p2 =	por !p2, p0  }
0x20: {  	[sflag:s8] =	ssyncset.s32 @!p0 $0xFFFFF086;
	s6 =	sadd.s32 @!p0 s3, s7;
	s7 =	simm.s32 @!p0 $0x108  }
0x21: {  	s3 =	sadd.s32 s3, s9;
	s6 =	sadd.s32 @!p0 $0x88, s6;
	s7 =	simm.s32 @p2 $0x1082  }
0x22: {  	[simem:s7], [sflag:s8] =	dma.local @!p0 [hbm:s6], $0xF7A  }
0x23: {  	s9 =	sor.u32 $0xD0000000, s2;
	s6 =	simm.s32 $0x108;
	_ =	swait.ge @!p0 [sflag:s8], $0x0  }
0x24: {  	s3 =	sadd.s32 $0x88, s3;
	s6 =	simm.s32 @!p1 $0x1082;
	[sflag:s4] =	ssyncset.s32 $0xFFFFF086  }
0x25: {  	[simem:s6], [sflag:s4] =	dma.local [hbm:s3], $0xF7A  }
0x26: {  	[smem:$0x3F9E] =	sst s1;
	(tag) =	ssettag s2;
	_ =	strace s9  }
0x27: {  	s1 =	sld [smem:$0x3FAE]  }
0x28: {  	s2 =	sld [smem:$0x3FAF]  }
0x29: {  	s4 =	sld [smem:$0x3FB1]  }
0x2a: {  	p0 =	seq.s32 s5, $0x0;
	s5 =	sld [smem:$0x3FB2]  }
0x2b: {  	s6 =	sld [smem:$0x3FB3]  }
0x2c: {  	s7 =	sld [smem:$0x3FB4]  }
0x2d: {  	s3 =	simm.s32 $0x108;
	s8 =	sld [smem:$0x3FB5]  }
0x2e: {  	s3 =	simm.s32 @!p0 $0x1082;
	s9 =	sld [smem:$0x3FB6]  }
0x2f: {  	lr =	sadd.s32 s0, s3;
	s0 =	sld [smem:$0x3FAD]  }
0x30: {  	s3 =	sld [smem:$0x3FB0]  }
0x31: {  	[smem:$0x3FB9] =	sst s10  }
0x32: {  	s10 =	sld [smem:$0x3FB7];
	_ =	sdelay $0x3  }
0x33: {  	p0 =	seq.s32 s10, $0x1;
	s10 =	sld [smem:$0x3FB9];
	_ =	sdelay $0x3  }
0x34: {  	[smem:$0x3FB9] =	sst s10  }
0x35: {  	s10 =	sld [smem:$0x3FB8];
	_ =	sdelay $0x3  }
0x36: {  	p1 =	seq.s32 s10, $0x1;
	s10 =	sld [smem:$0x3FB9];
	_ =	sdelay $0x3  }
0x37: {  	[smem:$0x3FB9] =	sst s10  }
0x38: {  	s10 =	sld [smem:$0x3FBA]  }
0x39: {  	_ = 	snop;
	(pc) =	sbr.ind lr, $3  }
0x3a: {  	_ = 	snop  }
0x3b: {  	_ = 	snop  }
0x3c: {  	p2 =	seq.s32 s10, $0x1;
	s10 =	sld [smem:$0x3FB9]  }
0x3d: {  	_ =	shalt  }
0x3e: {  	_ =	shalt  }
0x3f: {  	_ =	shalt  }
0x40: {  	_ =	shalt  }
0x41: {  	_ =	shalt  }
0x42: {  	_ =	shalt  }
0x43: {  	_ =	shalt  }
0x44: {  	_ =	shalt  }
0x45: {  	_ =	shalt  }
0x46: {  	_ =	shalt  }
0x47: {  	_ =	shalt  }
0x48: {  	_ =	shalt  }
0x49: {  	_ =	shalt  }
0x4a: {  	_ =	shalt  }
0x4b: {  	_ =	shalt  }
0x4c: {  	_ =	shalt  }
0x4d: {  	_ =	shalt  }
0x4e: {  	_ =	shalt  }
0x4f: {  	_ =	shalt  }
0x50: {  	_ =	shalt  }
0x51: {  	_ =	shalt  }
0x52: {  	_ =	shalt  }
0x53: {  	_ =	shalt  }
0x54: {  	_ =	shalt  }
0x55: {  	_ =	shalt  }
0x56: {  	_ =	shalt  }
0x57: {  	_ =	shalt  }
0x58: {  	_ =	shalt  }
0x59: {  	_ =	shalt  }
0x5a: {  	_ =	shalt  }
0x5b: {  	_ =	shalt  }
0x5c: {  	_ =	shalt  }
0x5d: {  	_ =	shalt  }
0x5e: {  	_ =	shalt  }
0x5f: {  	_ =	shalt  }
0x60: {  	_ =	shalt  }
0x61: {  	_ =	shalt  }
0x62: {  	_ =	shalt  }
0x63: {  	_ =	shalt  }
0x64: {  	_ =	shalt  }
0x65: {  	_ =	shalt  }
0x66: {  	_ =	shalt  }
0x67: {  	_ =	shalt  }
0x68: {  	_ =	shalt  }
0x69: {  	_ =	shalt  }
0x6a: {  	_ =	shalt  }
0x6b: {  	_ =	shalt  }
0x6c: {  	_ =	shalt  }
0x6d: {  	_ =	shalt  }
0x6e: {  	_ =	shalt  }
0x6f: {  	_ =	shalt  }
0x70: {  	_ =	shalt  }
0x71: {  	_ =	shalt  }
0x72: {  	_ =	shalt  }
0x73: {  	_ =	shalt  }
0x74: {  	_ =	shalt  }
0x75: {  	_ =	shalt  }
0x76: {  	_ =	shalt  }
0x77: {  	_ =	shalt  }
0x78: {  	_ =	shalt  }
0x79: {  	_ =	shalt  }
0x7a: {  	_ =	shalt  }
0x7b: {  	_ =	shalt  }
0x7c: {  	_ =	shalt  }
0x7d: {  	_ =	shalt  }
0x7e: {  	_ =	shalt  }
0x7f: {  	_ =	shalt  }
0x80: {  	_ =	shalt  }
0x81: {  	_ =	shalt  }
0x82: {  	_ =	shalt  }
0x83: {  	_ =	shalt  }
0x84: {  	_ =	shalt  }
0x85: {  	_ =	shalt  }
0x86: {  	_ =	shalt  }
0x87: {  	_ =	shalt  }
.Lfunc_end0:
.L_simem_size_0:
called_computation_lowered:
.L_overlay_start_0:
0x88: {  	s2 =	sld [smem:$0x3FD9]  }
0x89: {  	s3 =	sld [smem:$0x3FFE];
	_ =	sdelay $0x1  }
0x8a: {  	s1 =	srdreg.scid  }
0x8b: {  	s0 =	sand.u32 $0x1, s1  }
0x8c: {  	s17 =	sshll.u32 s0, $0xA;
	s2 =	sadd.s32 s3, s2  }
0x8d: {  	s2 =	sadd.s32 s2, s17  }
0x8e: {  	[smem:$0x3FC5] =	sst s2  }
0x8f: {  	_ = 	snop  }
0x90: {  	s2 =	sld [smem:$0x3FC7]  }
0x91: {  	s18 =	sld [smem:$0x3FD0];
	(tm) =	ssettm $0x1  }
0x92: {  	s4 =	sld [smem:$0x3FFB];
	_ =	sdelay $0x3  }
0x93: {  	_ =	strace s4  }
0x94: {  	s4 =	sld [smem:$0x3FFC];
	_ =	sdelay $0x3  }
0x95: {  	_ =	strace s4  }
0x96: {  	s4 =	sld [smem:$0x3FFD];
	_ =	sdelay $0x3  }
0x97: {  	_ =	strace s4  }
0x98: {  	_ =	strace $0x8FFFFFFF  }
0x99: {  	s19 =	sld [smem:$0x3FDB];
	_ =	sdelay $0x1  }
0x9a: {  	s5 =	simm.s32 $_scs_section_size  }
0x9b: {  	s6 =	simm.s32 $_size__tile_overlayer_lowered;
	s7 =	simm.s32 $_tile_overlayer_lowered  }
0x9c: {  	s22 =	simm.s32 $0x1BFF;
	s21 =	sshll.u32 s7, $0x1;
	s4 =	sadd.s32 s5, s19  }
0x9d: {  	s8 =	simm.s32 $0x0;
	s20 =	sshll.u32 s6, $0x1;
	s6 =	sadd.s32 s21, s4  }
0x9e: {  	[timem:s8], [sflag:s22] =	dma.local [hbm:s6], s20  }
0x9f: {  	_ =	swait.ge [sflag:s22], s20  }
0xa0: {  	s5 =	ssub.s32 $0x0, s20;
	[sflag:s22] =	ssyncset.done $0x0  }
0xa1: {  	[sflag:s22] =	ssyncadd.s32 s5;
	_ =	sdelay $0x1  }
0xa2: {  	s23 =	simm.s32 $0x1B8B  }
0xa3: {  	_ =	swait.ge [sflag:s23], $0x1  }
0xa4: {  	[sflag:s23] =	ssyncset.done $0x0  }
0xa5: {  	s25 =	simm.s32 $0x1B8E;
	s24 =	sld [smem:$0x3FFE];
	[sflag:s23] =	ssyncadd.s32 $0xFFFFFFFF  }
0xa6: {  	s26 =	simm.s32 $execute0_lowered;
	[smem:$0x3FD2] =	sst s25  }
0xa7: {  	s6 =	sshll.u32 s26, $0x1;
	_ =	strace $0x80000046;
	[dreg:$0x1] =	wrdreg $0xFFFFFFFF  }
0xa8: {  	s28 =	simm.s32 $_size_execute0_lowered;
	s4 =	sadd.s32 s4, s6;
	[dreg:$0x0] =	wrdreg $0x0  }
0xa9: {  	s6 =	sshll.u32 s28, $0x1;
	[dreg:$0x2] =	wrdreg s4  }
0xaa: {  	[dreg:$0x3] =	wrdreg s6  }
0xab: {  	[dreg:$0x4] =	wrdreg $0xC0  }
0xac: {  	_ =	task [dreg:s8], $0x5FFFF  }
0xad: {  	[dreg:$0x1] =	wrdreg $0xFFFFFFFF  }
0xae: {  	[dreg:$0x0] =	wrdreg $0x60  }
0xaf: {  	[dreg:$0x2] =	wrdreg s24  }
0xb0: {  	[dreg:$0x3] =	wrdreg s2  }
0xb1: {  	[dreg:$0x4] =	wrdreg s18  }
0xb2: {  	[dreg:$0x5] =	wrdreg $0x9  }
0xb3: {  	_ =	task.clear_ibuf [dreg:s8], $0x6FFFF;
	_ =	strace $0x90000046  }
0xb4: {  	s29 =	simm.s32 $0x9;
	_ =	strace $0x80000048  }
0xb5: {  	_ =	swait.ge [sflag:s29], $0x1  }
0xb6: {  	[sflag:s29] =	ssyncadd.s32 $0xFFFFFFFF  }
0xb7: {  	_ =	strace $0x90000048  }
0xb8: {  	_ =	sfence  }
0xb9: {  	s30 =	sld [smem:$0x0];
	_ =	sdelay $0x2  }
0xba: {  	s31 =	sshll.u32 s1, $0xD;
	s1 =	sshrl.u32 s1, $0x2  }
0xbb: {  	s3 =	sand.u32 $0x4000, s31;
	s1 =	sadd.s32 s1, s30  }
0xbc: {  	s0 =	sor.u32 s3, s0;
	s1 =	sshll.u32 s1, $0x11  }
0xbd: {  	s0 =	sor.u32 s1, s0  }
0xbe: {  	s0 =	sadd.s32 $0x8F2B, s0  }
0xbf: {  	[sflag:s0] =	ssyncadd.remote.s32 $0x1  }
0xc0: {  	_ =	sfence.sel $0xFFFF  }
0xc1: {  	[dreg:$0x0] =	wrdreg $0xFFFFFFFF;
	(pc) =	sbr.abs _section_cstart, $3  }
0xc2: {  	[dreg:$0x1] =	wrdreg $0xFFFFFFFF  }
0xc3: {  	_ =	task.clear_ibuf [dreg:s8], $0x2FFFF;
	_ =	strace $0x9FFFFFFF  }
0xc4: {  	(tm) =	ssettm $0x7FFFFFFF  }
0xc5: {  	_ =	shalt  }
tec
execute0_lowered:
.L_overlay_start_1:
0x0: {  	(tag) =	ssettag $0x1  }
0x1: {  	s0 =	rddreg [dreg:$0x0]  }
0x2: {  	s1 =	srdreg.scid;
	s3 =	stileid.u32  }
0x3: {  	s2 =	rddreg [dreg:$0x2];
	s6 =	simm.s32 $0x0;
	s10 =	simm.s32 $0x50  }
0x4: {  	s29 =	simm.s32 $0x13600;
	s31 =	simm.s32 $0x14000;
	s9 =	simm.s32 $0x15400  }
0x5: {  	s12 =	simm.s32 $0x15E00;
	s14 =	simm.s32 $0x16800;
	s16 =	simm.s32 $0x17200  }
0x6: {  	s18 =	simm.s32 $0x17C00;
	s20 =	simm.s32 $0x18600;
	s22 =	simm.s32 $0x19000  }
0x7: {  	s28 =	simm.s32 $0x1A400;
	s11 =	simm.s32 $0x1B800;
	s15 =	simm.s32 $0x1C200  }
0x8: {  	s19 =	simm.s32 $0x1CC00;
	s23 =	simm.s32 $0x1D600;
	s30 =	simm.s32 $0x1E000  }
0x9: {  	s13 =	simm.s32 $0x1EA00;
	s1 =	sand.u32 $0x1, s1;
	s3 =	sshll.u32 s3, $0x1  }
0xa: {  	s17 =	simm.s32 $0x1;
	s21 =	simm.s32 $0x2;
	s3 =	sor.u32 s1, s3  }
0xb: {  	[smem:$0x7FF] =	sst s6;
	s1 =	ssub.s32 $0x2, s1;
	s4 =	smul.u32 $0xC80, s3  }
0xc: {  	_ =	strace $0x80000047;
	s24 =	sshrl.u32 s1, $0x1;
	s26 =	sshll.u32 s3, $0x4  }
.Ltmp0:
0xd: {  	s3 =	simm.s32 $0x3;
	s5 =	sadd.s32 s4, s0;
	(pc) =	sbr.rel .LBB2_1-.Ltmp0, $4  }
0xe: {  	s4 =	sadd.s32 $0x19400, s0;
	s0 =	ssub.s32 s1, s24;
	s1 =	sadd.s32 s2, s26  }
0xf: {  	s24 =	simm.s32 $0x19A00;
	s25 =	sadd.s32 $0x400, s5;
	[dreg:$0x5] =	wrdreg s1  }
0x10: {  	s0 =	smax.u32 s0, $0x1;
	s1 =	simm.s32 $0x1AE00;
	[dreg:$0x4] =	wrdreg s25  }
0x11: {  	v0 =	vimm.f32 $0.0e+00;
	v1 =	vlaneseq.u32;
	s5 =	simm.s32 $0x0;
	[dreg:$0x6] =	wrdreg s0;
	s0 =	simm.s32 $0x14A00  }
.LBB2_14:
0x12: {  	s6 =	simm.s32 $0x0;
	s2 =	rddreg [dreg:$0x5];
	s3 =	simm.s32 $0x1F430  }
0x13: {  	[hbm4b:s2+s6] =	stream.linear.scatter [tilespmem:s3], [sflag:$0x3], $0x80, $0x38;
	[tilespmem:$0x1F4B0] =	vst v63  }
0x14: {  	s3 =	simm.s32 $0x3  }
0x15: {  	_ =	swait.ge [sflag:s3], $0x80  }
0x16: {  	s5 =	rddreg [dreg:$0x7]  }
0x17: {  	s26 =	rddreg [dreg:$0x6];
	s5 =	sadd.s32 $0x1, s5  }
0x18: {  	p0 =	sne.s32 s5, s26  }
.Ltmp1:
0x19: {  	_ = 	snop;
	(pc) =	sbr.rel @!p0 .LBB2_15-.Ltmp1, $3  }
0x1a: {  	_ =	sdelay $0x1  }
0x1b: {  	[sflag:s3] =	ssyncset.done $0x0  }
0x1c: {  	[sflag:s3] =	ssyncadd.s32 $0xFFFFFF80  }
.LBB2_1:
0x1d: {  	[dreg:$0x7] =	wrdreg s5  }
0x1e: {  	s2 =	rddreg [dreg:$0x4]  }
0x1f: {  	[tilespmem:s6], [sflag:$0x3] =	stream.linear.gather [hbm4b:s2+s6], $0x6400, $0x38;
	[tilespmem:$0x1F4B0] =	vst v63  }
0x20: {  	_ =	swait.ge [sflag:s3], $0x6400  }
0x21: {  	[sflag:s3] =	ssyncset.done $0x0  }
0x22: {  	[sflag:s3] =	ssyncadd.s32 $0xFFFF9C00  }
0x23: {  	s26 =	simm.s32 $0x1F400;
	s25 =	rddreg [dreg:$0x1]  }
0x24: {  	[tilespmem:s26], [sflag:$0x3] =	stream.linear.gather [hbm4b:s25+s6], $0x30, $0x38;
	[tilespmem:$0x1F4B0] =	vst v63  }
0x25: {  	_ =	swait.ge [sflag:s3], $0x30  }
0x26: {  	[sflag:s3] =	ssyncset.done $0x0  }
0x27: {  	[sflag:s3] =	ssyncadd.s32 $0xFFFFFFD0;
	s3 =	simm.s32 $0x0  }
0x28: {  	v2 =	vld [tilespmem:s3+$0x40];
	_ =	sdelay $0x1  }
0x29: {  	v8 =	vld [tilespmem:s3+$0x20];
	_ =	sdelay $0x1  }
0x2a: {  	v3 =	vld [tilespmem:s3+$0x10]  }
0x2b: {  	v4 =	vshll.u32 v2, $0x2  }
0x2c: {  	v5 =	vshrl.u32 v2, $0xD;
	v6 =	vand.u32 $0xFFFF8000, v2;
	v2 =	vld [tilespmem:s3+$0x30];
	v4 =	vand.u32 $0x7FFC, v4  }
0x2d: {  	v9 =	vshll.u32 v8, $0x2;
	v7 =	vand.u32 $0x3, v5;
	v4 =	vor.u32 v6, v4  }
0x2e: {  	v5 =	vshrl.u32 v8, $0xD;
	v8 =	vand.u32 $0xFFFF8000, v8;
	v10 =	vor.u32 v7, v4  }
0x2f: {  	s2 =	simm.s32 $0x140;
	v5 =	vand.u32 $0x3, v5;
	v6 =	vshll.u32 v3, $0x2;
	v4 =	vld [tilespmem:s3+$0x0];
	v7 =	vand.u32 $0x7FFC, v9;
	[tilespmem:s3+$0x40] =	vst v10  }
.LBB2_2:
0x30: {  	s5 =	sshra.s32 s2, $0x2;
	p0 =	sne.s32 s2, $0x18EC0;
	s2 =	sadd.s32 $0x140, s2;
	v9 =	vand.u32 $0xFFFF8000, v3;
	v7 =	vor.u32 v8, v7  }
0x31: {  	v3 =	vshrl.u32 v3, $0xD;
	v6 =	vand.u32 $0x7FFC, v6;
	v8 =	vld [tilespmem:s5+$0x40];
	v10 =	vshrl.u32 v2, $0xD  }
0x32: {  	v6 =	vor.u32 v9, v6;
	v5 =	vor.u32 v5, v7;
	v7 =	vand.u32 $0xFFFF8000, v2  }
0x33: {  	v3 =	vand.u32 $0x3, v3;
	v2 =	vshll.u32 v2, $0x2;
	[tilespmem:s3+$0x20] =	vst v5;
	v5 =	vand.u32 $0x3, v10  }
0x34: {  	v3 =	vor.u32 v3, v6;
	v2 =	vand.u32 $0x7FFC, v2;
	v9 =	vld [tilespmem:s5+$0x20];
	v10 =	vand.u32 $0xFFFF8000, v4  }
0x35: {  	v2 =	vor.u32 v7, v2;
	v6 =	vshrl.u32 v4, $0xD;
	v4 =	vshll.u32 v4, $0x2;
	[tilespmem:s3+$0x10] =	vst v3  }
0x36: {  	v2 =	vor.u32 v5, v2;
	v4 =	vand.u32 $0x7FFC, v4;
	v3 =	vld [tilespmem:s5+$0x10];
	v7 =	vshrl.u32 v8, $0xD  }
.Ltmp2:
0x37: {  	v5 =	vshll.u32 v8, $0x2;
	v4 =	vor.u32 v10, v4;
	v7 =	vand.u32 $0x3, v7;
	[tilespmem:s3+$0x30] =	vst v2;
	(pc) =	sbr.rel @p0 .LBB2_2-.Ltmp2, $4  }
0x38: {  	v6 =	vand.u32 $0x3, v6;
	v8 =	vand.u32 $0xFFFF8000, v8;
	v5 =	vand.u32 $0x7FFC, v5;
	v2 =	vld [tilespmem:s5+$0x30]  }
0x39: {  	v4 =	vor.u32 v6, v4;
	v8 =	vor.u32 v8, v5;
	v10 =	vshrl.u32 v9, $0xD  }
0x3a: {  	v11 =	vor.u32 v7, v8;
	v5 =	vand.u32 $0x3, v10;
	v10 =	vshll.u32 v9, $0x2;
	[tilespmem:s3+$0x0] =	vst v4;
	s3 =	smov.u32 s5  }
0x3b: {  	v8 =	vand.u32 $0xFFFF8000, v9;
	v4 =	vld [tilespmem:s3+$0x0];
	v6 =	vshll.u32 v3, $0x2;
	v7 =	vand.u32 $0x7FFC, v10;
	[tilespmem:s3+$0x40] =	vst v11  }
0x3c: {  	v9 =	vand.u32 $0xFFFF8000, v3;
	v7 =	vor.u32 v8, v7;
	v6 =	vand.u32 $0x7FFC, v6  }
0x3d: {  	v3 =	vshrl.u32 v3, $0xD;
	v60 =	vshrl.u32 v2, $0xD;
	v6 =	vor.u32 v9, v6  }
0x3e: {  	v5 =	vor.u32 v5, v7;
	v61 =	vand.u32 $0xFFFF8000, v2;
	v2 =	vshll.u32 v2, $0x2  }
0x3f: {  	v3 =	vand.u32 $0x3, v3;
	v8 =	vand.u32 $0x3, v60;
	v2 =	vand.u32 $0x7FFC, v2  }
0x40: {  	v3 =	vor.u32 v3, v6;
	v2 =	vor.u32 v61, v2;
	v63 =	vshll.u32 v4, $0x2  }
0x41: {  	[tilespmem:s3+$0x20] =	vst v5;
	v62 =	vand.u32 $0xFFFF8000, v4;
	v4 =	vshrl.u32 v4, $0xD;
	v5 =	vand.u32 $0x7FFC, v63  }
0x42: {  	[tilespmem:s3+$0x10] =	vst v3;
	v2 =	vor.u32 v8, v2;
	v4 =	vand.u32 $0x3, v4;
	v3 =	vor.u32 v62, v5  }
0x43: {  	[tilespmem:s3+$0x30] =	vst v2;
	v2 =	vor.u32 v4, v3  }
0x44: {  	[tilespmem:s3+$0x0] =	vst v2  }
0x45: {  	[tilespmem:$0x1F430] =	vst v0  }
0x46: {  	[tilespmem:$0x1F440] =	vst v0  }
0x47: {  	[tilespmem:$0x1F450] =	vst v0  }
0x48: {  	[tilespmem:$0x1F460] =	vst v0  }
0x49: {  	[tilespmem:$0x1F470] =	vst v0  }
0x4a: {  	[tilespmem:$0x1F480] =	vst v0  }
0x4b: {  	v2 =	vld [tilespmem:$0x1F400];
	[tilespmem:$0x1F490] =	vst v0  }
0x4c: {  	s25 =	simm.s32 $0x0;
	s2 =	simm.s32 $0x6400;
	v3 =	vld [tilespmem:$0x1F410];
	[tilespmem:$0x1F4A0] =	vst v0  }
0x4d: {  	v4 =	vld [tilespmem:$0x1F420];
	[tilespmem:s2], [sflag:$0x1] =	stream.indirect.gather [hbm4b:s4+s10], $0x20, s25, s10, $0xb8  }
0x4e: {  	s5 =	simm.s32 $0x6E00  }
0x4f: {  	[tilespmem:s5], [sflag:$0x1] =	stream.indirect.gather [hbm4b:s4+s10], $0x20, s10, s10, $0xb8;
	[tilespmem:$0x1F4B0] =	vst v63  }
0x50: {  	s6 =	simm.s32 $0xA0;
	s7 =	simm.s32 $0x7800  }
0x51: {  	[tilespmem:s7], [sflag:$0x1] =	stream.indirect.gather [hbm4b:s4+s10], $0x20, s6, s10, $0xb8;
	[tilespmem:$0x1F4B0] =	vst v63  }
0x52: {  	s8 =	simm.s32 $0xF0;
	s26 =	simm.s32 $0x8200  }
0x53: {  	[tilespmem:s26], [sflag:$0x1] =	stream.indirect.gather [hbm4b:s4+s10], $0x20, s8, s10, $0xb8;
	[tilespmem:$0x1F4B0] =	vst v63  }
0x54: {  	s3 =	simm.s32 $0x140;
	s5 =	simm.s32 $0x8C00  }
0x55: {  	[tilespmem:s5], [sflag:$0x1] =	stream.indirect.gather [hbm4b:s4+s10], $0x20, s3, s10, $0xb8;
	[tilespmem:$0x1F4B0] =	vst v63  }
0x56: {  	s6 =	simm.s32 $0x190;
	s7 =	simm.s32 $0x9600  }
0x57: {  	[tilespmem:s7], [sflag:$0x1] =	stream.indirect.gather [hbm4b:s4+s10], $0x20, s6, s10, $0xb8;
	[tilespmem:$0x1F4B0] =	vst v63  }
0x58: {  	s8 =	simm.s32 $0x1E0;
	s26 =	simm.s32 $0xA000  }
0x59: {  	[tilespmem:s26], [sflag:$0x1] =	stream.indirect.gather [hbm4b:s4+s10], $0x20, s8, s10, $0xb8;
	[tilespmem:$0x1F4B0] =	vst v63  }
0x5a: {  	s3 =	simm.s32 $0x230;
	s5 =	simm.s32 $0xAA00  }
0x5b: {  	[tilespmem:s5], [sflag:$0x1] =	stream.indirect.gather [hbm4b:s4+s10], $0x20, s3, s10, $0xb8;
	[tilespmem:$0x1F4B0] =	vst v63  }
0x5c: {  	s6 =	simm.s32 $0x280;
	s7 =	simm.s32 $0xB400  }
0x5d: {  	[tilespmem:s7], [sflag:$0x1] =	stream.indirect.gather [hbm4b:s4+s10], $0x20, s6, s10, $0xb8;
	[tilespmem:$0x1F4B0] =	vst v63  }
0x5e: {  	s8 =	simm.s32 $0x2D0;
	s26 =	simm.s32 $0xBE00  }
0x5f: {  	[tilespmem:s26], [sflag:$0x1] =	stream.indirect.gather [hbm4b:s4+s10], $0x20, s8, s10, $0xb8;
	[tilespmem:$0x1F4B0] =	vst v63  }
0x60: {  	s3 =	simm.s32 $0x320;
	s5 =	simm.s32 $0xC800  }
0x61: {  	[tilespmem:s5], [sflag:$0x1] =	stream.indirect.gather [hbm4b:s4+s10], $0x20, s3, s10, $0xb8;
	[tilespmem:$0x1F4B0] =	vst v63  }
0x62: {  	s6 =	simm.s32 $0x370;
	s7 =	simm.s32 $0xD200  }
0x63: {  	[tilespmem:s7], [sflag:$0x1] =	stream.indirect.gather [hbm4b:s4+s10], $0x20, s6, s10, $0xb8;
	[tilespmem:$0x1F4B0] =	vst v63  }
0x64: {  	s8 =	simm.s32 $0x3C0;
	s26 =	simm.s32 $0xDC00  }
0x65: {  	[tilespmem:s26], [sflag:$0x1] =	stream.indirect.gather [hbm4b:s4+s10], $0x20, s8, s10, $0xb8;
	[tilespmem:$0x1F4B0] =	vst v63  }
0x66: {  	s3 =	simm.s32 $0x410;
	s5 =	simm.s32 $0xE600  }
0x67: {  	[tilespmem:s5], [sflag:$0x1] =	stream.indirect.gather [hbm4b:s4+s10], $0x20, s3, s10, $0xb8;
	[tilespmem:$0x1F4B0] =	vst v63  }
0x68: {  	s6 =	simm.s32 $0x460;
	s7 =	simm.s32 $0xF000  }
0x69: {  	[tilespmem:s7], [sflag:$0x1] =	stream.indirect.gather [hbm4b:s4+s10], $0x20, s6, s10, $0xb8;
	[tilespmem:$0x1F4B0] =	vst v63  }
0x6a: {  	s8 =	simm.s32 $0x4B0;
	s26 =	simm.s32 $0xFA00  }
0x6b: {  	[tilespmem:s26], [sflag:$0x1] =	stream.indirect.gather [hbm4b:s4+s10], $0x20, s8, s10, $0xb8;
	[tilespmem:$0x1F4B0] =	vst v63  }
0x6c: {  	s3 =	simm.s32 $0x500;
	s5 =	simm.s32 $0x10400  }
0x6d: {  	[tilespmem:s5], [sflag:$0x1] =	stream.indirect.gather [hbm4b:s4+s10], $0x20, s3, s10, $0xb8;
	[tilespmem:$0x1F4B0] =	vst v63  }
0x6e: {  	s6 =	simm.s32 $0x550;
	s7 =	simm.s32 $0x10E00  }
0x6f: {  	[tilespmem:s7], [sflag:$0x1] =	stream.indirect.gather [hbm4b:s4+s10], $0x20, s6, s10, $0xb8;
	[tilespmem:$0x1F4B0] =	vst v63  }
0x70: {  	s8 =	simm.s32 $0x5A0;
	s26 =	simm.s32 $0x11800  }
0x71: {  	[tilespmem:s26], [sflag:$0x1] =	stream.indirect.gather [hbm4b:s4+s10], $0x20, s8, s10, $0xb8;
	[tilespmem:$0x1F4B0] =	vst v63  }
0x72: {  	s5 =	simm.s32 $0x5F0;
	s6 =	simm.s32 $0x12200  }
0x73: {  	[tilespmem:s6], [sflag:$0x1] =	stream.indirect.gather [hbm4b:s4+s10], $0x20, s5, s10, $0xb8;
	[tilespmem:$0x1F4B0] =	vst v63  }
0x74: {  	s7 =	simm.s32 $0x640;
	s8 =	simm.s32 $0x12C00  }
0x75: {  	[tilespmem:s8], [sflag:$0x2] =	stream.indirect.gather [hbm4b:s4+s10], $0x20, s7, s10, $0xb8;
	[tilespmem:$0x1F4B0] =	vst v63  }
0x76: {  	s26 =	simm.s32 $0x690  }
0x77: {  	[tilespmem:s29], [sflag:$0x2] =	stream.indirect.gather [hbm4b:s4+s10], $0x20, s26, s10, $0xb8;
	[tilespmem:$0x1F4B0] =	vst v63  }
0x78: {  	s3 =	simm.s32 $0x6E0  }
0x79: {  	[tilespmem:s31], [sflag:$0x2] =	stream.indirect.gather [hbm4b:s4+s10], $0x20, s3, s10, $0xb8;
	[tilespmem:$0x1F4B0] =	vst v63  }
0x7a: {  	s5 =	simm.s32 $0x730  }
0x7b: {  	[tilespmem:s0], [sflag:$0x2] =	stream.indirect.gather [hbm4b:s4+s10], $0x20, s5, s10, $0xb8;
	[tilespmem:$0x1F4B0] =	vst v63  }
0x7c: {  	s6 =	simm.s32 $0x780  }
0x7d: {  	[tilespmem:s9], [sflag:$0x2] =	stream.indirect.gather [hbm4b:s4+s10], $0x20, s6, s10, $0xb8;
	[tilespmem:$0x1F4B0] =	vst v63  }
0x7e: {  	s7 =	simm.s32 $0x7D0  }
0x7f: {  	[tilespmem:s12], [sflag:$0x2] =	stream.indirect.gather [hbm4b:s4+s10], $0x20, s7, s10, $0xb8;
	[tilespmem:$0x1F4B0] =	vst v63  }
0x80: {  	s8 =	simm.s32 $0x820  }
0x81: {  	[tilespmem:s14], [sflag:$0x2] =	stream.indirect.gather [hbm4b:s4+s10], $0x20, s8, s10, $0xb8;
	[tilespmem:$0x1F4B0] =	vst v63  }
0x82: {  	s26 =	simm.s32 $0x870  }
0x83: {  	[tilespmem:s16], [sflag:$0x2] =	stream.indirect.gather [hbm4b:s4+s10], $0x20, s26, s10, $0xb8;
	[tilespmem:$0x1F4B0] =	vst v63  }
0x84: {  	s3 =	simm.s32 $0x8C0  }
0x85: {  	[tilespmem:s18], [sflag:$0x2] =	stream.indirect.gather [hbm4b:s4+s10], $0x20, s3, s10, $0xb8;
	[tilespmem:$0x1F4B0] =	vst v63  }
0x86: {  	s5 =	simm.s32 $0x910  }
0x87: {  	[tilespmem:s20], [sflag:$0x2] =	stream.indirect.gather [hbm4b:s4+s10], $0x20, s5, s10, $0xb8;
	[tilespmem:$0x1F4B0] =	vst v63  }
0x88: {  	s6 =	simm.s32 $0x960  }
0x89: {  	[tilespmem:s22], [sflag:$0x2] =	stream.indirect.gather [hbm4b:s4+s10], $0x20, s6, s10, $0xb8;
	[tilespmem:$0x1F4B0] =	vst v63  }
0x8a: {  	s7 =	simm.s32 $0x9B0  }
0x8b: {  	(v2sf) =	vpush v4, $0x0;
	[tilespmem:s24], [sflag:$0x2] =	stream.indirect.gather [hbm4b:s4+s10], $0x20, s7, s10, $0xb8;
	[tilespmem:$0x1F4B0] =	vst v63  }
0x8c: {  	s8 =	simm.s32 $0xA00  }
0x8d: {  	[tilespmem:s28], [sflag:$0x2] =	stream.indirect.gather [hbm4b:s4+s10], $0x20, s8, s10, $0xb8;
	[tilespmem:$0x1F4B0] =	vst v63  }
0x8e: {  	s26 =	simm.s32 $0xA50  }
0x8f: {  	[tilespmem:s1], [sflag:$0x2] =	stream.indirect.gather [hbm4b:s4+s10], $0x20, s26, s10, $0xb8;
	[tilespmem:$0x1F4B0] =	vst v63  }
0x90: {  	s3 =	simm.s32 $0xAA0  }
0x91: {  	[tilespmem:s11], [sflag:$0x2] =	stream.indirect.gather [hbm4b:s4+s10], $0x20, s3, s10, $0xb8;
	[tilespmem:$0x1F4B0] =	vst v63  }
0x92: {  	s5 =	simm.s32 $0xAF0  }
0x93: {  	[tilespmem:s15], [sflag:$0x2] =	stream.indirect.gather [hbm4b:s4+s10], $0x20, s5, s10, $0xb8;
	[tilespmem:$0x1F4B0] =	vst v63  }
0x94: {  	s6 =	simm.s32 $0xB40  }
0x95: {  	[tilespmem:s19], [sflag:$0x2] =	stream.indirect.gather [hbm4b:s4+s10], $0x20, s6, s10, $0xb8;
	[tilespmem:$0x1F4B0] =	vst v63  }
0x96: {  	s7 =	simm.s32 $0xB90  }
0x97: {  	v4 =	vshrl.u32 v2, $0x10;
	v5 =	vshrl.u32 v3, $0x10;
	[tilespmem:s23], [sflag:$0x2] =	stream.indirect.gather [hbm4b:s4+s10], $0x20, s7, s10, $0xb8;
	[tilespmem:$0x1F4B0] =	vst v63  }
0x98: {  	v4 =	vand.u32 $0x1, v4;
	v5 =	vand.u32 $0x1, v5;
	s8 =	simm.s32 $0xBE0  }
0x99: {  	v2 =	vadd.s32 v4, v2;
	v3 =	vadd.s32 v5, v3;
	[tilespmem:s30], [sflag:$0x2] =	stream.indirect.gather [hbm4b:s4+s10], $0x20, s8, s10, $0xb8;
	[tilespmem:$0x1F4B0] =	vst v63  }
0x9a: {  	v2 =	vadd.s32 $0x7FFF, v2;
	v3 =	vadd.s32 $0x7FFF, v3;
	s26 =	simm.s32 $0xC30;
	s5 =	spop (v2sf)  }
0x9b: {  	v2 =	vand.u32 $0xFFFF0000, v2;
	v3 =	vand.u32 $0xFFFF0000, v3;
	[tilespmem:s13], [sflag:$0x2] =	stream.indirect.gather [hbm4b:s4+s10], $0x20, s26, s10, $0xb8;
	[tilespmem:$0x1F4B0] =	vst v63  }
.LBB2_4:
0x9c: {  	_ =	swait.ge [sflag:s17], $0xC800  }
0x9d: {  	s2 =	sshll.u32 s25, $0x6;
	s6 =	simm.s32 $0x6480;
	[sflag:s17] =	ssyncset.done $0x0  }
0x9e: {  	s7 =	simm.s32 $0x0;
	s3 =	sshra.s32 s2, $0x2;
	[sflag:s17] =	ssyncadd.s32 $0xFFFF3800  }
.LBB2_5:
0x9f: {  	v4 =	vmov s6;
	_ =	sdelay $0x3  }
0xa0: {  	s8 =	simm.s32 $0x0  }
0xa1: {  	v6 =	vld.idx.msk [tilespmem:v4+s8+$0x40 ss:$0x1], $0xffff  }
0xa2: {  	v8 =	vld.idx.msk [tilespmem:v4+s8+$0x50 ss:$0x1], $0xffff  }
0xa3: {  	v5 =	vld.idx.msk [tilespmem:v4+s8+$0x0 ss:$0x1], $0xffff  }
0xa4: {  	v7 =	vld.idx.msk [tilespmem:v4+s8+$0x10 ss:$0x1], $0xffff  }
0xa5: {  	v9 =	vld.idx.msk [tilespmem:v4+s8+$0xFFFFFFC0 ss:$0x1], $0xffff  }
0xa6: {  	v10 =	vld.idx.msk [tilespmem:v4+s8+$0xFFFFFFD0 ss:$0x1], $0xffff  }
0xa7: {  	v15 =	vld.idx.msk [tilespmem:v4+s8+$0xFFFFFF80 ss:$0x1], $0xffff  }
0xa8: {  	v11 =	vimm.f32 $0.0e+00;
	v17 =	vld.idx.msk [tilespmem:v4+s8+$0xFFFFFF90 ss:$0x1], $0xffff  }
0xa9: {  	s2 =	simm.s32 $0x400;
	v14 =	vimm.f32 $0.0e+00;
	v12 =	vimm.f32 $0.0e+00;
	v13 =	vimm.f32 $0.0e+00;
	v16 =	vld.idx.msk [tilespmem:v4+s8+$0xFFFFFFA0 ss:$0x1], $0xffff  }
.LBB2_6:
0xaa: {  	p0 =	sne.s32 s2, $0x6000;
	v18 =	vld.idx.msk [tilespmem:v4+s8+$0xFFFFFFB0 ss:$0x1], $0xffff  }
0xab: {  	v19 =	vld.idx.msk [tilespmem:v4+s8+$0xFFFFFFE0 ss:$0x1], $0xffff  }
0xac: {  	v20 =	vld.idx.msk [tilespmem:v4+s8+$0xFFFFFFF0 ss:$0x1], $0xffff  }
0xad: {  	v21 =	vld.idx.msk [tilespmem:v4+s8+$0x20 ss:$0x1], $0xffff  }
0xae: {  	v22 =	vld.idx.msk [tilespmem:v4+s8+$0x30 ss:$0x1], $0xffff  }
0xaf: {  	v11 =	vadd.f32 v15, v11;
	v14 =	vadd.f32 v17, v14;
	v15 =	vld.idx.msk [tilespmem:v4+s8+$0x60 ss:$0x1], $0xffff  }
0xb0: {  	v12 =	vadd.f32 v16, v12;
	v13 =	vadd.f32 v18, v13;
	v16 =	vld.idx.msk [tilespmem:v4+s8+$0x70 ss:$0x1], $0xffff;
	s8 =	sshra.s32 s2, $0x2  }
0xb1: {  	v9 =	vadd.f32 v9, v11;
	v10 =	vadd.f32 v10, v14;
	v17 =	vld.idx.msk [tilespmem:v4+s8+$0x40 ss:$0x1], $0xffff  }
0xb2: {  	v11 =	vadd.f32 v19, v12;
	v12 =	vadd.f32 v20, v13;
	v18 =	vld.idx.msk [tilespmem:v4+s8+$0x50 ss:$0x1], $0xffff  }
0xb3: {  	v13 =	vadd.f32 v5, v9;
	v10 =	vadd.f32 v7, v10;
	v5 =	vld.idx.msk [tilespmem:v4+s8+$0x0 ss:$0x1], $0xffff  }
0xb4: {  	v19 =	vadd.f32 v21, v11;
	v20 =	vadd.f32 v22, v12;
	v7 =	vld.idx.msk [tilespmem:v4+s8+$0x10 ss:$0x1], $0xffff  }
.Ltmp3:
0xb5: {  	v11 =	vadd.f32 v6, v13;
	v14 =	vadd.f32 v8, v10;
	v9 =	vld.idx.msk [tilespmem:v4+s8+$0xFFFFFFC0 ss:$0x1], $0xffff;
	(pc) =	sbr.rel @p0 .LBB2_6-.Ltmp3, $4  }
0xb6: {  	v12 =	vadd.f32 v15, v19;
	v13 =	vadd.f32 v16, v20;
	v10 =	vld.idx.msk [tilespmem:v4+s8+$0xFFFFFFD0 ss:$0x1], $0xffff  }
0xb7: {  	v6 =	vmov v17;
	v15 =	vld.idx.msk [tilespmem:v4+s8+$0xFFFFFF80 ss:$0x1], $0xffff  }
0xb8: {  	v8 =	vmov v18;
	v17 =	vld.idx.msk [tilespmem:v4+s8+$0xFFFFFF90 ss:$0x1], $0xffff  }
0xb9: {  	s2 =	sadd.s32 $0x400, s2;
	v16 =	vld.idx.msk [tilespmem:v4+s8+$0xFFFFFFA0 ss:$0x1], $0xffff  }
0xba: {  	_ =	sdelay $0x3  }
0xbb: {  	v18 =	vld.idx.msk [tilespmem:v4+s8+$0xFFFFFFB0 ss:$0x1], $0xffff  }
0xbc: {  	v19 =	vld.idx.msk [tilespmem:v4+s8+$0xFFFFFFE0 ss:$0x1], $0xffff  }
0xbd: {  	v20 =	vld.idx.msk [tilespmem:v4+s8+$0xFFFFFFF0 ss:$0x1], $0xffff  }
0xbe: {  	v21 =	vld.idx.msk [tilespmem:v4+s8+$0x20 ss:$0x1], $0xffff  }
0xbf: {  	v22 =	vld.idx.msk [tilespmem:v4+s8+$0x30 ss:$0x1], $0xffff;
	v11 =	vadd.f32 v15, v11;
	v14 =	vadd.f32 v17, v14  }
0xc0: {  	v55 =	vld.idx.msk [tilespmem:v4+s8+$0x60 ss:$0x1], $0xffff;
	v12 =	vadd.f32 v16, v12;
	v13 =	vadd.f32 v18, v13  }
0xc1: {  	v4 =	vld.idx.msk [tilespmem:v4+s8+$0x70 ss:$0x1], $0xffff;
	v9 =	vadd.f32 v9, v11;
	v10 =	vadd.f32 v10, v14  }
0xc2: {  	v56 =	vadd.f32 v19, v12;
	v57 =	vadd.f32 v20, v13  }
0xc3: {  	v5 =	vadd.f32 v5, v9;
	v7 =	vadd.f32 v7, v10  }
0xc4: {  	v58 =	vadd.f32 v21, v56;
	v59 =	vadd.f32 v22, v57  }
0xc5: {  	v5 =	vadd.f32 v6, v5;
	v60 =	vadd.f32 v8, v7  }
0xc6: {  	v61 =	vadd.f32 v55, v58;
	v4 =	vadd.f32 v4, v59;
	_ =	sdelay $0x1  }
0xc7: {  	v5 =	vadd.f32 v61, v5;
	v4 =	vadd.f32 v4, v60;
	_ =	sdelay $0x1  }
0xc8: {  	v5 =	vmul.f32 $4.999999890e-03, v5;
	v4 =	vmul.f32 $4.999999890e-03, v4;
	_ =	sdelay $0x1  }
0xc9: {  	v62 =	vshrl.u32 v5, $0x10;
	v63 =	vshrl.u32 v4, $0x10  }
0xca: {  	v6 =	vand.u32 $0x1, v62;
	v7 =	vand.u32 $0x1, v63  }
0xcb: {  	v5 =	vadd.s32 v6, v5;
	v4 =	vadd.s32 v7, v4  }
0xcc: {  	v5 =	vadd.s32 $0x7FFF, v5;
	v4 =	vadd.s32 $0x7FFF, v4  }
0xcd: {  	v5 =	vand.u32 $0xFFFF0000, v5;
	v4 =	vand.u32 $0xFFFF0000, v4  }
0xce: {  	v5 =	vmul.f32 v5, v2;
	v4 =	vmul.f32 v4, v3;
	_ =	sdelay $0x1  }
0xcf: {  	v4 =	vadd.f32 v4, v5;
	_ =	sdelay $0x1  }
0xd0: {  	(xrf2) =	vadd.scan.msk.f32 $0xffff, v4;
	_ =	sdelay $0x9  }
0xd1: {  	v4, _, _ =	vpop (xrf2)  }
0xd2: {  	(v2sf) =	vpush v4, $0xF;
	_ =	sdelay $0xe  }
0xd3: {  	v4 =	vmov s7;
	s7 =	sadd.s32 $0x1, s7;
	s2 =	spop (v2sf)  }
0xd4: {  	p0 =	sne.s32 s7, $0x8;
	s2 =	sadd.f32 s2, s5  }
.Ltmp4:
0xd5: {  	_ = 	snop;
	(pc) =	sbr.rel @p0 .LBB2_5-.Ltmp4, $4  }
0xd6: {  	s2 =	smax.f32 s2, $0.0e+00  }
0xd7: {  	vm0 =	veq.s32 v4, v1;
	v4 =	vmov s2  }
0xd8: {  	v4 =	vnsel vm0, $0x0, v4  }
0xd9: {  	s6 =	sadd.s32 $0x1900, s6;
	[tilespmem:s3+$0x1F430] =	vst.add.f32.msk $0xffff, v4  }
0xda: {  	p0 =	seq.s32 s25, $0x7  }
0xdb: {  	s2 =	smul.u32 @!p0 $0x3200, s25;
	_ =	sdelay $0x1  }
0xdc: {  	s2 =	sshra.s32 @!p0 s2, $0x2  }
0xdd: {  	s6 =	simm.s32 @!p0 $0x50;
	s7 =	simm.s32 @!p0 $0x6400;
	s3 =	sadd.s32 @!p0 $0xC80, s2  }
0xde: {  	[tilespmem:s7], [sflag:$0x1] =	stream.indirect.gather @!p0 [hbm4b:s4+s6], $0x20, s3, s6, $0xb8;
	[tilespmem:$0x1F4B0] =	vst v63  }
0xdf: {  	s3 =	sadd.s32 @!p0 $0xCD0, s2;
	s7 =	simm.s32 @!p0 $0x6E00  }
0xe0: {  	[tilespmem:s7], [sflag:$0x1] =	stream.indirect.gather @!p0 [hbm4b:s4+s6], $0x20, s3, s6, $0xb8;
	[tilespmem:$0x1F4B0] =	vst v63  }
0xe1: {  	s3 =	sadd.s32 @!p0 $0xD20, s2;
	s7 =	simm.s32 @!p0 $0x7800  }
0xe2: {  	[tilespmem:s7], [sflag:$0x1] =	stream.indirect.gather @!p0 [hbm4b:s4+s6], $0x20, s3, s6, $0xb8;
	[tilespmem:$0x1F4B0] =	vst v63  }
0xe3: {  	s3 =	sadd.s32 @!p0 $0xD70, s2;
	s7 =	simm.s32 @!p0 $0x8200  }
0xe4: {  	[tilespmem:s7], [sflag:$0x1] =	stream.indirect.gather @!p0 [hbm4b:s4+s6], $0x20, s3, s6, $0xb8;
	[tilespmem:$0x1F4B0] =	vst v63  }
0xe5: {  	s3 =	sadd.s32 @!p0 $0xDC0, s2;
	s7 =	simm.s32 @!p0 $0x8C00  }
0xe6: {  	[tilespmem:s7], [sflag:$0x1] =	stream.indirect.gather @!p0 [hbm4b:s4+s6], $0x20, s3, s6, $0xb8;
	[tilespmem:$0x1F4B0] =	vst v63  }
0xe7: {  	s3 =	sadd.s32 @!p0 $0xE10, s2;
	s7 =	simm.s32 @!p0 $0x9600  }
0xe8: {  	[tilespmem:s7], [sflag:$0x1] =	stream.indirect.gather @!p0 [hbm4b:s4+s6], $0x20, s3, s6, $0xb8;
	[tilespmem:$0x1F4B0] =	vst v63  }
0xe9: {  	s3 =	sadd.s32 @!p0 $0xE60, s2;
	s7 =	simm.s32 @!p0 $0xA000  }
0xea: {  	[tilespmem:s7], [sflag:$0x1] =	stream.indirect.gather @!p0 [hbm4b:s4+s6], $0x20, s3, s6, $0xb8;
	[tilespmem:$0x1F4B0] =	vst v63  }
0xeb: {  	s3 =	sadd.s32 @!p0 $0xEB0, s2;
	s7 =	simm.s32 @!p0 $0xAA00  }
0xec: {  	[tilespmem:s7], [sflag:$0x1] =	stream.indirect.gather @!p0 [hbm4b:s4+s6], $0x20, s3, s6, $0xb8;
	[tilespmem:$0x1F4B0] =	vst v63  }
0xed: {  	s3 =	sadd.s32 @!p0 $0xF00, s2;
	s7 =	simm.s32 @!p0 $0xB400  }
0xee: {  	[tilespmem:s7], [sflag:$0x1] =	stream.indirect.gather @!p0 [hbm4b:s4+s6], $0x20, s3, s6, $0xb8;
	[tilespmem:$0x1F4B0] =	vst v63  }
0xef: {  	s3 =	sadd.s32 @!p0 $0xF50, s2;
	s7 =	simm.s32 @!p0 $0xBE00  }
0xf0: {  	[tilespmem:s7], [sflag:$0x1] =	stream.indirect.gather @!p0 [hbm4b:s4+s6], $0x20, s3, s6, $0xb8;
	[tilespmem:$0x1F4B0] =	vst v63  }
0xf1: {  	s3 =	sadd.s32 @!p0 $0xFA0, s2;
	s7 =	simm.s32 @!p0 $0xC800  }
0xf2: {  	[tilespmem:s7], [sflag:$0x1] =	stream.indirect.gather @!p0 [hbm4b:s4+s6], $0x20, s3, s6, $0xb8;
	[tilespmem:$0x1F4B0] =	vst v63  }
0xf3: {  	s3 =	sadd.s32 @!p0 $0xFF0, s2;
	s7 =	simm.s32 @!p0 $0xD200  }
0xf4: {  	[tilespmem:s7], [sflag:$0x1] =	stream.indirect.gather @!p0 [hbm4b:s4+s6], $0x20, s3, s6, $0xb8;
	[tilespmem:$0x1F4B0] =	vst v63  }
0xf5: {  	s3 =	sadd.s32 @!p0 $0x1040, s2;
	s7 =	simm.s32 @!p0 $0xDC00  }
0xf6: {  	[tilespmem:s7], [sflag:$0x1] =	stream.indirect.gather @!p0 [hbm4b:s4+s6], $0x20, s3, s6, $0xb8;
	[tilespmem:$0x1F4B0] =	vst v63  }
0xf7: {  	s3 =	sadd.s32 @!p0 $0x1090, s2;
	s7 =	simm.s32 @!p0 $0xE600  }
0xf8: {  	[tilespmem:s7], [sflag:$0x1] =	stream.indirect.gather @!p0 [hbm4b:s4+s6], $0x20, s3, s6, $0xb8;
	[tilespmem:$0x1F4B0] =	vst v63  }
0xf9: {  	s3 =	sadd.s32 @!p0 $0x10E0, s2;
	s7 =	simm.s32 @!p0 $0xF000  }
0xfa: {  	[tilespmem:s7], [sflag:$0x1] =	stream.indirect.gather @!p0 [hbm4b:s4+s6], $0x20, s3, s6, $0xb8;
	[tilespmem:$0x1F4B0] =	vst v63  }
0xfb: {  	s3 =	sadd.s32 @!p0 $0x1130, s2;
	s7 =	simm.s32 @!p0 $0xFA00  }
0xfc: {  	[tilespmem:s7], [sflag:$0x1] =	stream.indirect.gather @!p0 [hbm4b:s4+s6], $0x20, s3, s6, $0xb8;
	[tilespmem:$0x1F4B0] =	vst v63  }
0xfd: {  	s3 =	sadd.s32 @!p0 $0x1180, s2;
	s7 =	simm.s32 @!p0 $0x10400  }
0xfe: {  	[tilespmem:s7], [sflag:$0x1] =	stream.indirect.gather @!p0 [hbm4b:s4+s6], $0x20, s3, s6, $0xb8;
	[tilespmem:$0x1F4B0] =	vst v63  }
0xff: {  	s3 =	sadd.s32 @!p0 $0x11D0, s2;
	s7 =	simm.s32 @!p0 $0x10E00  }
0x100: {  	[tilespmem:s7], [sflag:$0x1] =	stream.indirect.gather @!p0 [hbm4b:s4+s6], $0x20, s3, s6, $0xb8;
	[tilespmem:$0x1F4B0] =	vst v63  }
0x101: {  	s3 =	sadd.s32 @!p0 $0x1220, s2;
	s7 =	simm.s32 @!p0 $0x11800  }
0x102: {  	[tilespmem:s7], [sflag:$0x1] =	stream.indirect.gather @!p0 [hbm4b:s4+s6], $0x20, s3, s6, $0xb8;
	[tilespmem:$0x1F4B0] =	vst v63  }
0x103: {  	s2 =	sadd.s32 @!p0 $0x1270, s2;
	s3 =	simm.s32 @!p0 $0x12200  }
0x104: {  	[tilespmem:s3], [sflag:$0x1] =	stream.indirect.gather @!p0 [hbm4b:s4+s6], $0x20, s2, s6, $0xb8;
	[tilespmem:$0x1F4B0] =	vst v63  }
0x105: {  	_ =	swait.ge [sflag:s21], $0xC800  }
0x106: {  	s8 =	simm.s32 $0x12C80;
	s6 =	sshll.u32 s25, $0x4;
	[sflag:s21] =	ssyncset.done $0x0  }
0x107: {  	s3 =	simm.s32 $0x0;
	s7 =	sxor.u32 $0xFFFFFFFF, s6;
	[sflag:s21] =	ssyncadd.s32 $0xFFFF3800  }
.LBB2_9:
0x108: {  	v4 =	vmov s8;
	_ =	sdelay $0x3  }
0x109: {  	s2 =	simm.s32 $0x0  }
0x10a: {  	v6 =	vld.idx.msk [tilespmem:v4+s2+$0x40 ss:$0x1], $0xffff  }
0x10b: {  	v8 =	vld.idx.msk [tilespmem:v4+s2+$0x50 ss:$0x1], $0xffff  }
0x10c: {  	v5 =	vld.idx.msk [tilespmem:v4+s2+$0x0 ss:$0x1], $0xffff  }
0x10d: {  	v7 =	vld.idx.msk [tilespmem:v4+s2+$0x10 ss:$0x1], $0xffff  }
0x10e: {  	v9 =	vld.idx.msk [tilespmem:v4+s2+$0xFFFFFFC0 ss:$0x1], $0xffff  }
0x10f: {  	v10 =	vld.idx.msk [tilespmem:v4+s2+$0xFFFFFFD0 ss:$0x1], $0xffff  }
0x110: {  	v15 =	vld.idx.msk [tilespmem:v4+s2+$0xFFFFFF80 ss:$0x1], $0xffff  }
0x111: {  	v11 =	vimm.f32 $0.0e+00;
	v17 =	vld.idx.msk [tilespmem:v4+s2+$0xFFFFFF90 ss:$0x1], $0xffff  }
0x112: {  	s26 =	simm.s32 $0x400;
	v14 =	vimm.f32 $0.0e+00;
	v12 =	vimm.f32 $0.0e+00;
	v13 =	vimm.f32 $0.0e+00;
	v16 =	vld.idx.msk [tilespmem:v4+s2+$0xFFFFFFA0 ss:$0x1], $0xffff  }
.LBB2_10:
0x113: {  	p1 =	sne.s32 s26, $0x6000;
	v18 =	vld.idx.msk [tilespmem:v4+s2+$0xFFFFFFB0 ss:$0x1], $0xffff  }
0x114: {  	v19 =	vld.idx.msk [tilespmem:v4+s2+$0xFFFFFFE0 ss:$0x1], $0xffff  }
0x115: {  	v20 =	vld.idx.msk [tilespmem:v4+s2+$0xFFFFFFF0 ss:$0x1], $0xffff  }
0x116: {  	v21 =	vld.idx.msk [tilespmem:v4+s2+$0x20 ss:$0x1], $0xffff  }
0x117: {  	v22 =	vld.idx.msk [tilespmem:v4+s2+$0x30 ss:$0x1], $0xffff  }
0x118: {  	v11 =	vadd.f32 v15, v11;
	v14 =	vadd.f32 v17, v14;
	v15 =	vld.idx.msk [tilespmem:v4+s2+$0x60 ss:$0x1], $0xffff  }
0x119: {  	v12 =	vadd.f32 v16, v12;
	v13 =	vadd.f32 v18, v13;
	v16 =	vld.idx.msk [tilespmem:v4+s2+$0x70 ss:$0x1], $0xffff;
	s2 =	sshra.s32 s26, $0x2  }
0x11a: {  	v9 =	vadd.f32 v9, v11;
	v10 =	vadd.f32 v10, v14;
	v17 =	vld.idx.msk [tilespmem:v4+s2+$0x40 ss:$0x1], $0xffff  }
0x11b: {  	v11 =	vadd.f32 v19, v12;
	v12 =	vadd.f32 v20, v13;
	v18 =	vld.idx.msk [tilespmem:v4+s2+$0x50 ss:$0x1], $0xffff  }
0x11c: {  	v13 =	vadd.f32 v5, v9;
	v10 =	vadd.f32 v7, v10;
	v5 =	vld.idx.msk [tilespmem:v4+s2+$0x0 ss:$0x1], $0xffff  }
0x11d: {  	v19 =	vadd.f32 v21, v11;
	v20 =	vadd.f32 v22, v12;
	v7 =	vld.idx.msk [tilespmem:v4+s2+$0x10 ss:$0x1], $0xffff  }
.Ltmp5:
0x11e: {  	v11 =	vadd.f32 v6, v13;
	v14 =	vadd.f32 v8, v10;
	v9 =	vld.idx.msk [tilespmem:v4+s2+$0xFFFFFFC0 ss:$0x1], $0xffff;
	(pc) =	sbr.rel @p1 .LBB2_10-.Ltmp5, $4  }
0x11f: {  	v12 =	vadd.f32 v15, v19;
	v13 =	vadd.f32 v16, v20;
	v10 =	vld.idx.msk [tilespmem:v4+s2+$0xFFFFFFD0 ss:$0x1], $0xffff  }
0x120: {  	v6 =	vmov v17;
	v15 =	vld.idx.msk [tilespmem:v4+s2+$0xFFFFFF80 ss:$0x1], $0xffff  }
0x121: {  	v8 =	vmov v18;
	v17 =	vld.idx.msk [tilespmem:v4+s2+$0xFFFFFF90 ss:$0x1], $0xffff  }
0x122: {  	s26 =	sadd.s32 $0x400, s26;
	v16 =	vld.idx.msk [tilespmem:v4+s2+$0xFFFFFFA0 ss:$0x1], $0xffff  }
0x123: {  	_ =	sdelay $0x3  }
0x124: {  	v18 =	vld.idx.msk [tilespmem:v4+s2+$0xFFFFFFB0 ss:$0x1], $0xffff  }
0x125: {  	v19 =	vld.idx.msk [tilespmem:v4+s2+$0xFFFFFFE0 ss:$0x1], $0xffff  }
0x126: {  	v20 =	vld.idx.msk [tilespmem:v4+s2+$0xFFFFFFF0 ss:$0x1], $0xffff  }
0x127: {  	v21 =	vld.idx.msk [tilespmem:v4+s2+$0x20 ss:$0x1], $0xffff  }
0x128: {  	v22 =	vld.idx.msk [tilespmem:v4+s2+$0x30 ss:$0x1], $0xffff;
	v11 =	vadd.f32 v15, v11;
	v14 =	vadd.f32 v17, v14  }
0x129: {  	v55 =	vld.idx.msk [tilespmem:v4+s2+$0x60 ss:$0x1], $0xffff;
	v12 =	vadd.f32 v16, v12;
	v13 =	vadd.f32 v18, v13  }
0x12a: {  	v4 =	vld.idx.msk [tilespmem:v4+s2+$0x70 ss:$0x1], $0xffff;
	v9 =	vadd.f32 v9, v11;
	v10 =	vadd.f32 v10, v14  }
0x12b: {  	v56 =	vadd.f32 v19, v12;
	v57 =	vadd.f32 v20, v13  }
0x12c: {  	v5 =	vadd.f32 v5, v9;
	v7 =	vadd.f32 v7, v10  }
0x12d: {  	v58 =	vadd.f32 v21, v56;
	v59 =	vadd.f32 v22, v57  }
0x12e: {  	v5 =	vadd.f32 v6, v5;
	v60 =	vadd.f32 v8, v7  }
0x12f: {  	v61 =	vadd.f32 v55, v58;
	v4 =	vadd.f32 v4, v59;
	_ =	sdelay $0x1  }
0x130: {  	v5 =	vadd.f32 v61, v5;
	v4 =	vadd.f32 v4, v60;
	_ =	sdelay $0x1  }
0x131: {  	v5 =	vmul.f32 $4.999999890e-03, v5;
	v4 =	vmul.f32 $4.999999890e-03, v4;
	_ =	sdelay $0x1  }
0x132: {  	v62 =	vshrl.u32 v5, $0x10;
	v63 =	vshrl.u32 v4, $0x10  }
0x133: {  	v6 =	vand.u32 $0x1, v62;
	v7 =	vand.u32 $0x1, v63  }
0x134: {  	v5 =	vadd.s32 v6, v5;
	v4 =	vadd.s32 v7, v4  }
0x135: {  	v5 =	vadd.s32 $0x7FFF, v5;
	v4 =	vadd.s32 $0x7FFF, v4  }
0x136: {  	v5 =	vand.u32 $0xFFFF0000, v5;
	v4 =	vand.u32 $0xFFFF0000, v4  }
0x137: {  	v5 =	vmul.f32 v5, v2;
	v4 =	vmul.f32 v4, v3;
	_ =	sdelay $0x1  }
0x138: {  	v4 =	vadd.f32 v4, v5;
	_ =	sdelay $0x1  }
0x139: {  	(xrf2) =	vadd.scan.msk.f32 $0xffff, v4;
	_ =	sdelay $0x9  }
0x13a: {  	v4, _, _ =	vpop (xrf2)  }
0x13b: {  	(v2sf) =	vpush v4, $0xF;
	_ =	sdelay $0xe  }
0x13c: {  	s26 =	spop (v2sf)  }
0x13d: {  	s2 =	sadd.f32 s26, s5;
	s26 =	sand.u32 s7, s3;
	s3 =	sadd.s32 $0x1, s3  }
0x13e: {  	p1 =	sne.s32 s3, $0x8  }
.Ltmp6:
0x13f: {  	s26 =	sadd.s32 $0x8, s26;
	(pc) =	sbr.rel @p1 .LBB2_9-.Ltmp6, $4  }
0x140: {  	s2 =	smax.f32 s2, $0.0e+00;
	v4 =	vmov s26  }
0x141: {  	vm0 =	veq.s32 v4, v1;
	v4 =	vmov s2  }
0x142: {  	v4 =	vnsel vm0, $0x0, v4  }
0x143: {  	s8 =	sadd.s32 $0x1900, s8;
	[tilespmem:s6+$0x1F430] =	vst.add.f32.msk $0xffff, v4  }
.Ltmp7:
0x144: {  	(pc) =	sbr.rel @p0 .LBB2_14-.Ltmp7, $1  }
0x145: {  	_ =	sdelay $0x3  }
0x146: {  	s2 =	smul.u32 $0x3200, s25;
	_ =	sdelay $0x1  }
0x147: {  	s2 =	sshra.s32 s2, $0x2  }
0x148: {  	s6 =	simm.s32 $0x12C00;
	s3 =	sadd.s32 $0x12C0, s2  }
0x149: {  	[tilespmem:s6], [sflag:$0x2] =	stream.indirect.gather [hbm4b:s4+s10], $0x20, s3, s10, $0xb8;
	[tilespmem:$0x1F4B0] =	vst v63  }
0x14a: {  	s8 =	sadd.s32 $0x1310, s2  }
0x14b: {  	[tilespmem:s29], [sflag:$0x2] =	stream.indirect.gather [hbm4b:s4+s10], $0x20, s8, s10, $0xb8;
	[tilespmem:$0x1F4B0] =	vst v63  }
0x14c: {  	s26 =	sadd.s32 $0x1360, s2  }
0x14d: {  	[tilespmem:s31], [sflag:$0x2] =	stream.indirect.gather [hbm4b:s4+s10], $0x20, s26, s10, $0xb8;
	[tilespmem:$0x1F4B0] =	vst v63  }
0x14e: {  	s6 =	sadd.s32 $0x13B0, s2  }
0x14f: {  	[tilespmem:s0], [sflag:$0x2] =	stream.indirect.gather [hbm4b:s4+s10], $0x20, s6, s10, $0xb8;
	[tilespmem:$0x1F4B0] =	vst v63  }
0x150: {  	s7 =	sadd.s32 $0x1400, s2  }
0x151: {  	[tilespmem:s9], [sflag:$0x2] =	stream.indirect.gather [hbm4b:s4+s10], $0x20, s7, s10, $0xb8;
	[tilespmem:$0x1F4B0] =	vst v63  }
0x152: {  	s8 =	sadd.s32 $0x1450, s2  }
0x153: {  	[tilespmem:s12], [sflag:$0x2] =	stream.indirect.gather [hbm4b:s4+s10], $0x20, s8, s10, $0xb8;
	[tilespmem:$0x1F4B0] =	vst v63  }
0x154: {  	s26 =	sadd.s32 $0x14A0, s2  }
0x155: {  	[tilespmem:s14], [sflag:$0x2] =	stream.indirect.gather [hbm4b:s4+s10], $0x20, s26, s10, $0xb8;
	[tilespmem:$0x1F4B0] =	vst v63  }
0x156: {  	s6 =	sadd.s32 $0x14F0, s2  }
0x157: {  	[tilespmem:s16], [sflag:$0x2] =	stream.indirect.gather [hbm4b:s4+s10], $0x20, s6, s10, $0xb8;
	[tilespmem:$0x1F4B0] =	vst v63  }
0x158: {  	s7 =	sadd.s32 $0x1540, s2  }
0x159: {  	[tilespmem:s18], [sflag:$0x2] =	stream.indirect.gather [hbm4b:s4+s10], $0x20, s7, s10, $0xb8;
	[tilespmem:$0x1F4B0] =	vst v63  }
0x15a: {  	s8 =	sadd.s32 $0x1590, s2  }
0x15b: {  	[tilespmem:s20], [sflag:$0x2] =	stream.indirect.gather [hbm4b:s4+s10], $0x20, s8, s10, $0xb8;
	[tilespmem:$0x1F4B0] =	vst v63  }
0x15c: {  	s26 =	sadd.s32 $0x15E0, s2  }
0x15d: {  	[tilespmem:s22], [sflag:$0x2] =	stream.indirect.gather [hbm4b:s4+s10], $0x20, s26, s10, $0xb8;
	[tilespmem:$0x1F4B0] =	vst v63  }
0x15e: {  	s6 =	sadd.s32 $0x1630, s2  }
0x15f: {  	[tilespmem:s24], [sflag:$0x2] =	stream.indirect.gather [hbm4b:s4+s10], $0x20, s6, s10, $0xb8;
	[tilespmem:$0x1F4B0] =	vst v63  }
0x160: {  	s7 =	sadd.s32 $0x1680, s2  }
0x161: {  	[tilespmem:s28], [sflag:$0x2] =	stream.indirect.gather [hbm4b:s4+s10], $0x20, s7, s10, $0xb8;
	[tilespmem:$0x1F4B0] =	vst v63  }
0x162: {  	s8 =	sadd.s32 $0x16D0, s2  }
0x163: {  	[tilespmem:s1], [sflag:$0x2] =	stream.indirect.gather [hbm4b:s4+s10], $0x20, s8, s10, $0xb8;
	[tilespmem:$0x1F4B0] =	vst v63  }
0x164: {  	s26 =	sadd.s32 $0x1720, s2  }
0x165: {  	[tilespmem:s11], [sflag:$0x2] =	stream.indirect.gather [hbm4b:s4+s10], $0x20, s26, s10, $0xb8;
	[tilespmem:$0x1F4B0] =	vst v63  }
0x166: {  	s6 =	sadd.s32 $0x1770, s2  }
0x167: {  	[tilespmem:s15], [sflag:$0x2] =	stream.indirect.gather [hbm4b:s4+s10], $0x20, s6, s10, $0xb8;
	[tilespmem:$0x1F4B0] =	vst v63  }
0x168: {  	s7 =	sadd.s32 $0x17C0, s2  }
0x169: {  	[tilespmem:s19], [sflag:$0x2] =	stream.indirect.gather [hbm4b:s4+s10], $0x20, s7, s10, $0xb8;
	[tilespmem:$0x1F4B0] =	vst v63  }
0x16a: {  	s8 =	sadd.s32 $0x1810, s2  }
0x16b: {  	[tilespmem:s23], [sflag:$0x2] =	stream.indirect.gather [hbm4b:s4+s10], $0x20, s8, s10, $0xb8;
	[tilespmem:$0x1F4B0] =	vst v63  }
.Ltmp8:
0x16c: {  	_ = 	snop;
	(pc) =	sbr.rel .LBB2_4-.Ltmp8, $4  }
0x16d: {  	s26 =	sadd.s32 $0x1860, s2  }
0x16e: {  	[tilespmem:s30], [sflag:$0x2] =	stream.indirect.gather [hbm4b:s4+s10], $0x20, s26, s10, $0xb8;
	[tilespmem:$0x1F4B0] =	vst v63  }
0x16f: {  	s25 =	sadd.s32 $0x1, s25;
	s2 =	sadd.s32 $0x18B0, s2  }
0x170: {  	[tilespmem:s13], [sflag:$0x2] =	stream.indirect.gather [hbm4b:s4+s10], $0x20, s2, s10, $0xb8;
	[tilespmem:$0x1F4B0] =	vst v63  }
.LBB2_15:
0x171: {  	_ =	sfence.sel $0x180000  }
0x172: {  	[bflag:$0x0] =	sbarrier.arrive $0xFFFF  }
0x173: {  	_ =	strace $0x90000047  }
0x174: {  	s0 =	stileid.u32;
	[bflag:$0x2] =	sbarrier.arrive $0xFFFF  }
0x175: {  	p0 =	sne.s32 s0, $0x0;
	s0 =	rddreg [dreg:$0x3]  }
0x176: {  	s0 =	sadd.s32 @!p0 $0x100000, s0  }
0x177: {  	[sflag:s0] =	ssyncadd.tile.s32 @!p0 $0x1;
	_ =	shalt  }
.Lfunc_end2:
_tile_overlayer_lowered:
.L_overlay_start_2:
0x178: {  	(tag) =	ssettag $0x2  }
0x179: {  	s0 =	rddreg [dreg:$0x0];
	s2 =	stileid.u32  }
0x17a: {  	s1 =	rddreg [dreg:$0x1];
	p0 =	sne.s32 s2, $0x0  }
0x17b: {  	s3 =	rddreg [dreg:$0x2];
	[bflag:$0x3] =	sbarrier.arrive $0xFFFF;
	s2 =	simm.s32 @!p0 $0x1C03  }
0x17c: {  	[timem:s3], [sflag:s2] =	dma.local @!p0 [hbm:s0], s1  }
0x17d: {  	s0 =	simm.s32 @!p0 $0x3  }
0x17e: {  	_ =	swait.ge @!p0 [sflag:s0], s1  }
0x17f: {  	s1 =	ssub.s32 @!p0 $0x0, s1;
	[sflag:s0] =	ssyncset.done @!p0 $0x0  }
0x180: {  	[sflag:s0] =	ssyncadd.s32 @!p0 s1  }
0x181: {  	[bflag:$0x3] =	sbarrier.arrive $0xFFFF  }
0x182: {  	_ =	shalt  }

</sc_bundles>
